<compile_context>
chip_gen: v7x
topology: tpu7x:2x2x1
jax: 0.10.2.dev20260603
libtpu: 0.0.44.dev20260713+nightly
codegen_flags: <defaults>
</compile_context>

<pallas_src>
import functools

import jax
import jax.numpy as jnp
from jax import lax
from jax.experimental import pallas as pl
from jax.experimental.pallas import tpu as pltpu
from jax.experimental.pallas import tpu_sc as plsc

N = 10000
E = 320000
D = 128
DE = 16
H = 64
L = 3

NB = 1000
EB2 = 640
CH = 16
NW = 32
EPW = E // NW
NCHUNK = EPW // CH
RA = 632
RB = N - 15 * RA


def _embed_body(x_ref, we_ref, w1a_ref, w1b_ref, h_ref, ab_ref):
    h = jnp.dot(x_ref[...], we_ref[...], preferred_element_type=jnp.float32)
    h_ref[...] = h
    a = jnp.dot(h, w1a_ref[...], preferred_element_type=jnp.float32)
    b = jnp.dot(h, w1b_ref[...], preferred_element_type=jnp.float32)
    ab_ref[...] = jnp.concatenate([a, b], axis=1)


def _embed(x, W_embed, W1a0, W1b0):
    return pl.pallas_call(
        _embed_body,
        grid=(N // NB,),
        in_specs=[
            pl.BlockSpec((NB, D), lambda i: (i, 0)),
            pl.BlockSpec((D, H), lambda i: (0, 0)),
            pl.BlockSpec((H, H), lambda i: (0, 0)),
            pl.BlockSpec((H, H), lambda i: (0, 0)),
        ],
        out_specs=[
            pl.BlockSpec((NB, H), lambda i: (i, 0)),
            pl.BlockSpec((NB, 2 * H), lambda i: (i, 0)),
        ],
        out_shape=[
            jax.ShapeDtypeStruct((N, H), jnp.float32),
            jax.ShapeDtypeStruct((N, 2 * H), jnp.float32),
        ],
    )(x, W_embed, W1a0, W1b0)


def _cmake_body(ea_ref, wd_ref, bd_ref, c0_ref, c1_ref, c2_ref):
    ea = ea_ref[...]
    wd = wd_ref[...]
    bd = bd_ref[...]
    for l, oref in enumerate((c0_ref, c1_ref, c2_ref)):
        oref[...] = (
            jnp.dot(ea, wd[l], preferred_element_type=jnp.float32)
            + bd[l][None, :]
        )


def _cmake(ea2, Wd, bd):
    spec_c = pl.BlockSpec((EB2, 2 * H), lambda i: (i, 0))
    return pl.pallas_call(
        _cmake_body,
        grid=((E // 2) // EB2,),
        in_specs=[
            pl.BlockSpec((EB2, 2 * DE), lambda i: (i, 0)),
            pl.BlockSpec((L, 2 * DE, 2 * H), lambda i: (0, 0, 0)),
            pl.BlockSpec((L, 2 * H), lambda i: (0, 0)),
        ],
        out_specs=[spec_c, spec_c, spec_c],
        out_shape=[jax.ShapeDtypeStruct((E // 2, 2 * H), jnp.float32)] * L,
    )(ea2, Wd, bd)


def _sc_edge_kernel():
    mesh = plsc.VectorSubcoreMesh(
        core_axis_name="c", subcore_axis_name="s", num_cores=2, num_subcores=16
    )

    @functools.partial(
        pl.kernel,
        out_type=jax.ShapeDtypeStruct((2, N, H), jnp.float32),
        mesh=mesh,
        scratch_types=[
            pltpu.VMEM((CH,), jnp.int32),
            pltpu.VMEM((CH,), jnp.int32),
            pltpu.VMEM((CH, 2 * H), jnp.float32),
            pltpu.VMEM((CH, 2 * H), jnp.float32),
            pltpu.VMEM((CH // 2, 2 * H), jnp.float32),
            pltpu.VMEM((CH, H), jnp.float32),
            pltpu.SemaphoreType.DMA,
            pltpu.SemaphoreType.DMA,
            pltpu.SemaphoreType.DMA,
            pltpu.SemaphoreType.DMA,
            pltpu.VMEM_SHARED((N, H), jnp.float32),
        ],
    )
    def sc_edge(ab_hbm, c_hbm, src_hbm, dst_hbm, z_hbm, out_hbm,
                srcv, dstv, av, bv, cv, rv, sem, sem2, sem3, sem4, s_sh):
        cid = lax.axis_index("c")
        sid = lax.axis_index("s")
        wid = sid * 2 + cid
        base = wid * EPW

        @pl.when(sid < 15)
        def _():
            pltpu.sync_copy(z_hbm.at[pl.ds(sid * RA, RA)],
                            s_sh.at[pl.ds(sid * RA, RA)])

        @pl.when(sid == 15)
        def _():
            pltpu.sync_copy(z_hbm.at[pl.ds(15 * RA, RB)],
                            s_sh.at[pl.ds(15 * RA, RB)])

        plsc.subcore_barrier()

        base2 = wid * (EPW // 2)

        def chunk(i, carry):
            off = base + i * CH
            off2 = base2 + i * (CH // 2)
            d1 = pltpu.async_copy(src_hbm.at[pl.ds(off, CH)], srcv, sem)
            d2 = pltpu.async_copy(dst_hbm.at[pl.ds(off, CH)], dstv, sem2)
            d3 = pltpu.async_copy(c_hbm.at[pl.ds(off2, CH // 2)], cv, sem3)
            d1.wait()
            d2.wait()
            d3.wait()
            g1 = pltpu.async_copy(ab_hbm.at[srcv], av, sem4)
            g2 = pltpu.async_copy(ab_hbm.at[dstv], bv, sem)
            g1.wait()
            g2.wait()

            def row2(rp, c2):
                for half in range(2):
                    r = 2 * rp + half
                    for j in range(4):
                        sj = pl.ds(16 * j, 16)
                        val = (av[r, sj]
                               + bv[r, pl.ds(H + 16 * j, 16)]
                               + cv[rp, pl.ds(H * half + 16 * j, 16)])
                        rv[r, sj] = jnp.maximum(val, 0.0)
                return c2

            lax.fori_loop(0, CH // 2, row2, 0)
            pltpu.sync_copy(rv, s_sh.at[dstv], add=True)
            return carry

        lax.fori_loop(0, NCHUNK, chunk, 0)
        plsc.subcore_barrier()

        @pl.when(sid < 15)
        def _():
            pltpu.sync_copy(
                s_sh.at[pl.ds(sid * RA, RA)],
                out_hbm.at[cid, pl.ds(sid * RA, RA), :],
            )

        @pl.when(sid == 15)
        def _():
            pltpu.sync_copy(
                s_sh.at[pl.ds(15 * RA, RB)],
                out_hbm.at[cid, pl.ds(15 * RA, RB), :],
            )

    return sc_edge


def _update_body(h_ref, s_ref, w2_ref, wua_ref, wub_ref, bu_ref,
                 w1a_ref, w1b_ref, h_out, ab_out):
    h = h_ref[...]
    s = s_ref[...]
    ssum = s[0] + s[1]
    agg = jnp.dot(ssum, w2_ref[...], preferred_element_type=jnp.float32)
    pre = (jnp.dot(h, wua_ref[...], preferred_element_type=jnp.float32)
           + jnp.dot(agg, wub_ref[...], preferred_element_type=jnp.float32)
           + bu_ref[...])
    hn = h + jnp.maximum(pre, 0.0)
    h_out[...] = hn
    a = jnp.dot(hn, w1a_ref[...], preferred_element_type=jnp.float32)
    b = jnp.dot(hn, w1b_ref[...], preferred_element_type=jnp.float32)
    ab_out[...] = jnp.concatenate([a, b], axis=1)


def _update(h, S, W2, Wua, Wub, bu, W1a_n, W1b_n):
    wspec = pl.BlockSpec((H, H), lambda i: (0, 0))
    return pl.pallas_call(
        _update_body,
        grid=(N // NB,),
        in_specs=[
            pl.BlockSpec((NB, H), lambda i: (i, 0)),
            pl.BlockSpec((2, NB, H), lambda i: (0, i, 0)),
            wspec, wspec, wspec,
            pl.BlockSpec((1, H), lambda i: (0, 0)),
            wspec, wspec,
        ],
        out_specs=[
            pl.BlockSpec((NB, H), lambda i: (i, 0)),
            pl.BlockSpec((NB, 2 * H), lambda i: (i, 0)),
        ],
        out_shape=[
            jax.ShapeDtypeStruct((N, H), jnp.float32),
            jax.ShapeDtypeStruct((N, 2 * H), jnp.float32),
        ],
    )(h, S, W2, Wua, Wub, bu, W1a_n, W1b_n)


def _final_body(h_ref, s_ref, w2_ref, wua_ref, wub_ref, bu_ref, wo_ref,
                o_ref, acc_ref):
    i = pl.program_id(0)
    h = h_ref[...]
    s = s_ref[...]
    ssum = s[0] + s[1]
    agg = jnp.dot(ssum, w2_ref[...], preferred_element_type=jnp.float32)
    pre = (jnp.dot(h, wua_ref[...], preferred_element_type=jnp.float32)
           + jnp.dot(agg, wub_ref[...], preferred_element_type=jnp.float32)
           + bu_ref[...])
    hn = h + jnp.maximum(pre, 0.0)
    psum = jnp.sum(hn, axis=0, keepdims=True)

    @pl.when(i == 0)
    def _():
        acc_ref[...] = psum

    @pl.when(i > 0)
    def _():
        acc_ref[...] = acc_ref[...] + psum

    @pl.when(i == pl.num_programs(0) - 1)
    def _():
        pooled = acc_ref[...] * (1.0 / N)
        u = jnp.sum(pooled * wo_ref[...], axis=1, keepdims=True)
        o_ref[...] = jnp.broadcast_to(jnp.tanh(u), (1, 2 * H))


def _final(h, S, W2, Wua, Wub, bu, woT):
    wspec = pl.BlockSpec((H, H), lambda i: (0, 0))
    return pl.pallas_call(
        _final_body,
        grid=(N // NB,),
        in_specs=[
            pl.BlockSpec((NB, H), lambda i: (i, 0)),
            pl.BlockSpec((2, NB, H), lambda i: (0, i, 0)),
            wspec, wspec, wspec,
            pl.BlockSpec((1, H), lambda i: (0, 0)),
            pl.BlockSpec((1, H), lambda i: (0, 0)),
        ],
        out_specs=pl.BlockSpec((1, 2 * H), lambda i: (0, 0)),
        out_shape=jax.ShapeDtypeStruct((1, 2 * H), jnp.float32),
        scratch_shapes=[pltpu.VMEM((1, H), jnp.float32)],
    )(h, S, W2, Wua, Wub, bu, woT)


def kernel(x, edge_index, edge_attr, W_embed, W_msg1, b_msg1, W_msg2,
           W_upd, b_upd, W_out):
    src = edge_index[0]
    dst = edge_index[1]

    W1a = W_msg1[:, :H, :]
    W1b = W_msg1[:, H:2 * H, :]
    W1c = W_msg1[:, 2 * H:, :]
    Wua = W_upd[:, :H, :]
    Wub = W_upd[:, H:, :]
    zpad = jnp.zeros((L, DE, H), jnp.float32)
    Wd = jnp.concatenate([
        jnp.concatenate([W1c, zpad], axis=2),
        jnp.concatenate([zpad, W1c], axis=2),
    ], axis=1)
    bd = jnp.concatenate([b_msg1, b_msg1], axis=1)
    ea2 = edge_attr.reshape(E // 2, 2 * DE)
    zeros_s = jnp.zeros((N, H), jnp.float32)
    woT = W_out.reshape(1, H)

    h, AB = _embed(x, W_embed, W1a[0], W1b[0])
    C = _cmake(ea2, Wd, bd)
    sc_edge = _sc_edge_kernel()

    for l in range(L - 1):
        S = sc_edge(AB, C[l], src, dst, zeros_s)
        h, AB = _update(h, S, W_msg2[l], Wua[l], Wub[l],
                        b_upd[l][None, :], W1a[l + 1], W1b[l + 1])

    S = sc_edge(AB, C[L - 1], src, dst, zeros_s)
    o = _final(h, S, W_msg2[L - 1], Wua[L - 1], Wub[L - 1],
               b_upd[L - 1][None, :], woT)
    return o[0, :1]

# --- scband reference (transcript-rebuilt; emitter-appended) ---
"""Pipeline reference for scband-e3-actor-83408264888763 (READ-ONLY COPY).

The authoritative reference and input builder live on the scoring server;
editing this copy changes nothing except your own understanding.
"""

import jax, jax.numpy as jnp
import numpy as np

N = 10000   # nodes
E = 320000  # edges
D = 128     # input node feature dim (irreps_node_input = 128x0e)
DE = 16     # edge attr dim (steerable edge attrs flattened)
H = 64      # hidden_features
L = 3       # num_layers


def setup_inputs(seed: int = 0) -> dict:
    key = jax.random.key(seed)
    ks = jax.random.split(key, 12)
    x = jax.random.normal(ks[0], (N, D), dtype=jnp.float32)
    edge_index = jax.random.randint(ks[1], (2, E), 0, N, dtype=jnp.int32)
    edge_attr = jax.random.normal(ks[2], (E, DE), dtype=jnp.float32)
    # learned parameters (SEGNN embedding, per-layer message/update MLPs, graph readout)
    W_embed = jax.random.normal(ks[3], (D, H), dtype=jnp.float32) * 0.05
    W_msg1 = jax.random.normal(ks[4], (L, 2 * H + DE, H), dtype=jnp.float32) * 0.05
    b_msg1 = jnp.zeros((L, H), dtype=jnp.float32)
    W_msg2 = jax.random.normal(ks[5], (L, H, H), dtype=jnp.float32) * 0.05
    W_upd = jax.random.normal(ks[6], (L, 2 * H, H), dtype=jnp.float32) * 0.05
    b_upd = jnp.zeros((L, H), dtype=jnp.float32)
    W_out = jax.random.normal(ks[7], (H, 1), dtype=jnp.float32) * 0.05
    return {
        "x": x,
        "edge_index": edge_index,
        "edge_attr": edge_attr,
        "W_embed": W_embed,
        "W_msg1": W_msg1,
        "b_msg1": b_msg1,
        "W_msg2": W_msg2,
        "W_upd": W_upd,
        "b_upd": b_upd,
        "W_out": W_out,
    }


def reference(x, edge_index, edge_attr, W_embed, W_msg1, b_msg1, W_msg2, W_upd, b_upd, W_out):
    # SEGNN-style equivariant message passing (scalar-channel realization):
    #   embed -> L x (message MLP on [h_i, h_j, edge_attr] -> scatter-add -> update MLP residual)
    #   -> avg graph pooling -> 1x0e readout -> tanh (E3Actor.normalize_u)
    src = edge_index[0]
    dst = edge_index[1]
    h = x @ W_embed
    for l in range(L):
        h_src = jnp.take(h, src, axis=0)
        h_dst = jnp.take(h, dst, axis=0)
        m_in = jnp.concatenate([h_src, h_dst, edge_attr], axis=-1)
        m = jax.nn.relu(m_in @ W_msg1[l] + b_msg1[l]) @ W_msg2[l]
        agg = jax.ops.segment_sum(m, dst, num_segments=N)
        u_in = jnp.concatenate([h, agg], axis=-1)
        h = h + jax.nn.relu(u_in @ W_upd[l] + b_upd[l])
    pooled = jnp.mean(h, axis=0)  # pool='avg', task='graph' (single graph)
    u = pooled @ W_out            # output irreps 1x0e
    return jnp.tanh(u)

if __name__ == "__main__":
    import jax
    _d = setup_inputs()
    print(jax.jit(kernel)(*tuple(_d.values())))

</pallas_src>

<mosaic_0001>
#map = affine_map<(d0, d1) -> (0, 0)>
#map1 = affine_map<(d0, d1) -> (0)>
#map2 = affine_map<(d0, d1) -> (0, 0, 0)>
module attributes {stable_mosaic.version = 14 : i64} {
  func.func @sc_edge(%arg0: i32, %arg1: i32, %arg2: memref<10000x128xf32, #tpu.memory_space<hbm>>, %arg3: memref<160000x128xf32, #tpu.memory_space<hbm>>, %arg4: memref<320000xi32, #tpu.memory_space<hbm>>, %arg5: memref<320000xi32, #tpu.memory_space<hbm>>, %arg6: memref<10000x64xf32, #tpu.memory_space<hbm>>, %arg7: memref<2x10000x64xf32, #tpu.memory_space<hbm>>, %arg8: memref<16xi32, #tpu.memory_space<vmem>>, %arg9: memref<16xi32, #tpu.memory_space<vmem>>, %arg10: memref<16x128xf32, #tpu.memory_space<vmem>>, %arg11: memref<16x128xf32, #tpu.memory_space<vmem>>, %arg12: memref<8x128xf32, #tpu.memory_space<vmem>>, %arg13: memref<16x64xf32, #tpu.memory_space<vmem>>, %arg14: memref<!tpu.dma_semaphore, #tpu.memory_space<semaphore_mem>>, %arg15: memref<!tpu.dma_semaphore, #tpu.memory_space<semaphore_mem>>, %arg16: memref<!tpu.dma_semaphore, #tpu.memory_space<semaphore_mem>>, %arg17: memref<!tpu.dma_semaphore, #tpu.memory_space<semaphore_mem>>, %arg18: memref<10000x64xf32, #tpu.memory_space<vmem_shared>>) attributes {dimension_semantics = [#tpu.dimension_semantics<core_parallel>, #tpu.dimension_semantics<subcore_parallel>], iteration_bounds = array<i64: 2, 16>, scalar_prefetch = 0 : i64, scratch_operands = 11 : i64, tpu.core_type = #tpu.core_type<sc_vector_subcore>, window_params = [{transform_indices = #map}, {transform_indices = #map}, {transform_indices = #map1}, {transform_indices = #map1}, {transform_indices = #map}, {transform_indices = #map2}]} {
    %mul3A = arith.constant 2 : i32
    %mul3A_0 = arith.muli %arg1, %mul3A : i32
    %add3A = arith.addi %mul3A_0, %arg0 : i32
    %mul3A_1 = arith.constant 10000 : i32
    %mul3A_2 = arith.muli %add3A, %mul3A_1 : i32
    %lt3A = arith.constant 15 : i32
    %lt3A_3 = arith.cmpi slt, %arg1, %lt3A : i32
    %convert_element_type3A = arith.extui %lt3A_3 : i1 to i32
    %cond3A = arith.constant 0 : i32
    %cond3A_4 = arith.cmpi ne, %convert_element_type3A, %cond3A : i32
    scf.if %cond3A_4 {
      %mul3A_27 = arith.constant 632 : i32
      %mul3A_28 = arith.muli %arg1, %mul3A_27 : i32
      %mul3A_29 = arith.constant 632 : i32
      %mul3A_30 = arith.muli %arg1, %mul3A_29 : i32
      "tpu.region"() ({
        %run_scoped3A = tpu.sem_alloc : memref<!tpu.dma_semaphore, #tpu.memory_space<semaphore_mem>>
        %dma_start3A = arith.constant 0 : i32
        %dma_start3A_31 = tpu.memref_slice %arg18[%mul3A_30, %dma_start3A] : memref<10000x64xf32, #tpu.memory_space<vmem_shared>> -> memref<632x64xf32, #tpu.memory_space<vmem_shared>>
        %dma_start3A_32 = arith.constant 0 : i32
        %dma_start3A_33 = tpu.memref_slice %arg6[%mul3A_28, %dma_start3A_32] : memref<10000x64xf32, #tpu.memory_space<hbm>> -> memref<632x64xf32, #tpu.memory_space<hbm>>
        tpu.enqueue_dma source(%dma_start3A_33 : memref<632x64xf32, #tpu.memory_space<hbm>>) target(%dma_start3A_31 : memref<632x64xf32, #tpu.memory_space<vmem_shared>>) target_semaphore(%run_scoped3A : memref<!tpu.dma_semaphore, #tpu.memory_space<semaphore_mem>>)
        %dma_wait3A = arith.constant 0 : i32
        %dma_wait3A_34 = tpu.memref_slice %arg18[%mul3A_30, %dma_wait3A] : memref<10000x64xf32, #tpu.memory_space<vmem_shared>> -> memref<632x64xf32, #tpu.memory_space<vmem_shared>>
        %dma_wait3A_35 = arith.constant 0 : i32
        %dma_wait3A_36 = tpu.memref_slice %arg6[%mul3A_28, %dma_wait3A_35] : memref<10000x64xf32, #tpu.memory_space<hbm>> -> memref<632x64xf32, #tpu.memory_space<hbm>>
        tpu.wait_dma2 semaphore(%run_scoped3A : memref<!tpu.dma_semaphore, #tpu.memory_space<semaphore_mem>>) src(%dma_wait3A_36 : memref<632x64xf32, #tpu.memory_space<hbm>>) dst(%dma_wait3A_34 : memref<632x64xf32, #tpu.memory_space<vmem_shared>>)
        tpu.yield
      }) : () -> ()
    } else {
    }
    %eq3A = arith.constant 15 : i32
    %eq3A_5 = arith.cmpi eq, %arg1, %eq3A : i32
    %convert_element_type3A_6 = arith.extui %eq3A_5 : i1 to i32
    %cond3A_7 = arith.constant 0 : i32
    %cond3A_8 = arith.cmpi ne, %convert_element_type3A_6, %cond3A_7 : i32
    scf.if %cond3A_8 {
      "tpu.region"() ({
        %run_scoped3A = tpu.sem_alloc : memref<!tpu.dma_semaphore, #tpu.memory_space<semaphore_mem>>
        %dma_start3A = arith.constant 9480 : i32
        %dma_start3A_27 = arith.constant 0 : i32
        %dma_start3A_28 = tpu.memref_slice %arg18[%dma_start3A, %dma_start3A_27] : memref<10000x64xf32, #tpu.memory_space<vmem_shared>> -> memref<520x64xf32, #tpu.memory_space<vmem_shared>>
        %dma_start3A_29 = arith.constant 9480 : i32
        %dma_start3A_30 = arith.constant 0 : i32
        %dma_start3A_31 = tpu.memref_slice %arg6[%dma_start3A_29, %dma_start3A_30] : memref<10000x64xf32, #tpu.memory_space<hbm>> -> memref<520x64xf32, #tpu.memory_space<hbm>>
        tpu.enqueue_dma source(%dma_start3A_31 : memref<520x64xf32, #tpu.memory_space<hbm>>) target(%dma_start3A_28 : memref<520x64xf32, #tpu.memory_space<vmem_shared>>) target_semaphore(%run_scoped3A : memref<!tpu.dma_semaphore, #tpu.memory_space<semaphore_mem>>)
        %dma_wait3A = arith.constant 9480 : i32
        %dma_wait3A_32 = arith.constant 0 : i32
        %dma_wait3A_33 = tpu.memref_slice %arg18[%dma_wait3A, %dma_wait3A_32] : memref<10000x64xf32, #tpu.memory_space<vmem_shared>> -> memref<520x64xf32, #tpu.memory_space<vmem_shared>>
        %dma_wait3A_34 = arith.constant 9480 : i32
        %dma_wait3A_35 = arith.constant 0 : i32
        %dma_wait3A_36 = tpu.memref_slice %arg6[%dma_wait3A_34, %dma_wait3A_35] : memref<10000x64xf32, #tpu.memory_space<hbm>> -> memref<520x64xf32, #tpu.memory_space<hbm>>
        tpu.wait_dma2 semaphore(%run_scoped3A : memref<!tpu.dma_semaphore, #tpu.memory_space<semaphore_mem>>) src(%dma_wait3A_36 : memref<520x64xf32, #tpu.memory_space<hbm>>) dst(%dma_wait3A_33 : memref<520x64xf32, #tpu.memory_space<vmem_shared>>)
        tpu.yield
      }) : () -> ()
    } else {
    }
    %barrier3A = arith.constant 0 : index
    tpu.barrier barrier_id(%barrier3A)
    %mul3A_9 = arith.constant 5000 : i32
    %mul3A_10 = arith.muli %add3A, %mul3A_9 : i32
    %scan3A = arith.constant 0 : i32
    %scan3A_11 = arith.constant 0 : i32
    %scan3A_12 = arith.constant 625 : i32
    %scan3A_13 = arith.addi %scan3A_11, %scan3A_12 : i32
    %scan3A_14 = arith.constant 1 : i32
    scf.for %scan3A_27 = %scan3A_11 to %scan3A_13 step %scan3A_14  : i32 {
      %mul3A_28 = arith.constant 16 : i32
      %mul3A_29 = arith.muli %scan3A_27, %mul3A_28 : i32
      %add3A_30 = arith.addi %mul3A_2, %mul3A_29 : i32
      %mul3A_31 = arith.constant 8 : i32
      %mul3A_32 = arith.muli %scan3A_27, %mul3A_31 : i32
      %add3A_33 = arith.addi %mul3A_10, %mul3A_32 : i32
      %dma_start3A = tpu.memref_slice %arg4[%add3A_30] : memref<320000xi32, #tpu.memory_space<hbm>> -> memref<16xi32, #tpu.memory_space<hbm>>
      %dma_start3A_34 = tpu.memref_slice %arg4[%add3A_30] : memref<320000xi32, #tpu.memory_space<hbm>> -> memref<16xi32, #tpu.memory_space<hbm>>
      tpu.enqueue_dma source(%dma_start3A_34 : memref<16xi32, #tpu.memory_space<hbm>>) target(%arg8 : memref<16xi32, #tpu.memory_space<vmem>>) target_semaphore(%arg14 : memref<!tpu.dma_semaphore, #tpu.memory_space<semaphore_mem>>)
      %dma_start3A_35 = tpu.memref_slice %arg5[%add3A_30] : memref<320000xi32, #tpu.memory_space<hbm>> -> memref<16xi32, #tpu.memory_space<hbm>>
      %dma_start3A_36 = tpu.memref_slice %arg5[%add3A_30] : memref<320000xi32, #tpu.memory_space<hbm>> -> memref<16xi32, #tpu.memory_space<hbm>>
      tpu.enqueue_dma source(%dma_start3A_36 : memref<16xi32, #tpu.memory_space<hbm>>) target(%arg9 : memref<16xi32, #tpu.memory_space<vmem>>) target_semaphore(%arg15 : memref<!tpu.dma_semaphore, #tpu.memory_space<semaphore_mem>>)
      %dma_start3A_37 = arith.constant 0 : i32
      %dma_start3A_38 = tpu.memref_slice %arg3[%add3A_33, %dma_start3A_37] : memref<160000x128xf32, #tpu.memory_space<hbm>> -> memref<8x128xf32, #tpu.memory_space<hbm>>
      %dma_start3A_39 = arith.constant 0 : i32
      %dma_start3A_40 = tpu.memref_slice %arg3[%add3A_33, %dma_start3A_39] : memref<160000x128xf32, #tpu.memory_space<hbm>> -> memref<8x128xf32, #tpu.memory_space<hbm>>
      tpu.enqueue_dma source(%dma_start3A_40 : memref<8x128xf32, #tpu.memory_space<hbm>>) target(%arg12 : memref<8x128xf32, #tpu.memory_space<vmem>>) target_semaphore(%arg16 : memref<!tpu.dma_semaphore, #tpu.memory_space<semaphore_mem>>)
      %dma_wait3A = tpu.memref_slice %arg4[%add3A_30] : memref<320000xi32, #tpu.memory_space<hbm>> -> memref<16xi32, #tpu.memory_space<hbm>>
      %dma_wait3A_41 = tpu.memref_slice %arg4[%add3A_30] : memref<320000xi32, #tpu.memory_space<hbm>> -> memref<16xi32, #tpu.memory_space<hbm>>
      tpu.wait_dma2 semaphore(%arg14 : memref<!tpu.dma_semaphore, #tpu.memory_space<semaphore_mem>>) src(%dma_wait3A_41 : memref<16xi32, #tpu.memory_space<hbm>>) dst(%arg8 : memref<16xi32, #tpu.memory_space<vmem>>)
      %dma_wait3A_42 = tpu.memref_slice %arg5[%add3A_30] : memref<320000xi32, #tpu.memory_space<hbm>> -> memref<16xi32, #tpu.memory_space<hbm>>
      %dma_wait3A_43 = tpu.memref_slice %arg5[%add3A_30] : memref<320000xi32, #tpu.memory_space<hbm>> -> memref<16xi32, #tpu.memory_space<hbm>>
      tpu.wait_dma2 semaphore(%arg15 : memref<!tpu.dma_semaphore, #tpu.memory_space<semaphore_mem>>) src(%dma_wait3A_43 : memref<16xi32, #tpu.memory_space<hbm>>) dst(%arg9 : memref<16xi32, #tpu.memory_space<vmem>>)
      %dma_wait3A_44 = arith.constant 0 : i32
      %dma_wait3A_45 = tpu.memref_slice %arg3[%add3A_33, %dma_wait3A_44] : memref<160000x128xf32, #tpu.memory_space<hbm>> -> memref<8x128xf32, #tpu.memory_space<hbm>>
      %dma_wait3A_46 = arith.constant 0 : i32
      %dma_wait3A_47 = tpu.memref_slice %arg3[%add3A_33, %dma_wait3A_46] : memref<160000x128xf32, #tpu.memory_space<hbm>> -> memref<8x128xf32, #tpu.memory_space<hbm>>
      tpu.wait_dma2 semaphore(%arg16 : memref<!tpu.dma_semaphore, #tpu.memory_space<semaphore_mem>>) src(%dma_wait3A_47 : memref<8x128xf32, #tpu.memory_space<hbm>>) dst(%arg12 : memref<8x128xf32, #tpu.memory_space<vmem>>)
      %dma_start3A_48 = arith.constant 0 : i32
      %dma_start3A_49 = arith.constant 0 : i32
      %dma_start3A_50 = tpu.memref_slice %arg2[%dma_start3A_48, %dma_start3A_49] : memref<10000x128xf32, #tpu.memory_space<hbm>> -> memref<10000x128xf32, #tpu.memory_space<hbm>>
      tpu.enqueue_indirect_dma source(%dma_start3A_50 : memref<10000x128xf32, #tpu.memory_space<hbm>>) target(%arg10 : memref<16x128xf32, #tpu.memory_space<vmem>>) offsets(%arg8 : memref<16xi32, #tpu.memory_space<vmem>>) semaphore(%arg17 : memref<!tpu.dma_semaphore, #tpu.memory_space<semaphore_mem>>)
      %dma_start3A_51 = arith.constant 0 : i32
      %dma_start3A_52 = arith.constant 0 : i32
      %dma_start3A_53 = tpu.memref_slice %arg2[%dma_start3A_51, %dma_start3A_52] : memref<10000x128xf32, #tpu.memory_space<hbm>> -> memref<10000x128xf32, #tpu.memory_space<hbm>>
      tpu.enqueue_indirect_dma source(%dma_start3A_53 : memref<10000x128xf32, #tpu.memory_space<hbm>>) target(%arg11 : memref<16x128xf32, #tpu.memory_space<vmem>>) offsets(%arg9 : memref<16xi32, #tpu.memory_space<vmem>>) semaphore(%arg14 : memref<!tpu.dma_semaphore, #tpu.memory_space<semaphore_mem>>)
      %dma_wait3A_54 = arith.constant 0 : i32
      %dma_wait3A_55 = arith.constant 0 : i32
      %dma_wait3A_56 = tpu.memref_slice %arg2[%dma_wait3A_54, %dma_wait3A_55] : memref<10000x128xf32, #tpu.memory_space<hbm>> -> memref<10000x128xf32, #tpu.memory_space<hbm>>
      tpu.wait_indirect_dma semaphore(%arg17 : memref<!tpu.dma_semaphore, #tpu.memory_space<semaphore_mem>>) src(%dma_wait3A_56 : memref<10000x128xf32, #tpu.memory_space<hbm>>) dst(%arg10 : memref<16x128xf32, #tpu.memory_space<vmem>>)
      %dma_wait3A_57 = arith.constant 0 : i32
      %dma_wait3A_58 = arith.constant 0 : i32
      %dma_wait3A_59 = tpu.memref_slice %arg2[%dma_wait3A_57, %dma_wait3A_58] : memref<10000x128xf32, #tpu.memory_space<hbm>> -> memref<10000x128xf32, #tpu.memory_space<hbm>>
      tpu.wait_indirect_dma semaphore(%arg14 : memref<!tpu.dma_semaphore, #tpu.memory_space<semaphore_mem>>) src(%dma_wait3A_59 : memref<10000x128xf32, #tpu.memory_space<hbm>>) dst(%arg11 : memref<16x128xf32, #tpu.memory_space<vmem>>)
      %scan3A_60 = arith.constant 0 : i32
      %scan3A_61 = arith.constant 0 : i32
      %scan3A_62 = arith.constant 8 : i32
      %scan3A_63 = arith.addi %scan3A_61, %scan3A_62 : i32
      %scan3A_64 = arith.constant 1 : i32
      scf.for %scan3A_66 = %scan3A_61 to %scan3A_63 step %scan3A_64  : i32 {
        %mul3A_67 = arith.constant 2 : i32
        %mul3A_68 = arith.muli %mul3A_67, %scan3A_66 : i32
        %add3A_69 = arith.constant 0 : i32
        %add3A_70 = arith.addi %mul3A_68, %add3A_69 : i32
        %get3A = arith.index_cast %add3A_70 : i32 to index
        %get3A_71 = arith.constant 0 : index
        %get3A_72 = tpu.vector_load %arg10[%get3A, %get3A_71] {strides = array<i32>} : memref<16x128xf32, #tpu.memory_space<vmem>>, vector<1x16xf32>,
        %get3A_73 = vector.shape_cast %get3A_72 : vector<1x16xf32> to vector<16xf32>
        %get3A_74 = arith.index_cast %add3A_70 : i32 to index
        %get3A_75 = arith.constant 64 : index
        %get3A_76 = tpu.vector_load %arg11[%get3A_74, %get3A_75] {strides = array<i32>} : memref<16x128xf32, #tpu.memory_space<vmem>>, vector<1x16xf32>,
        %get3A_77 = vector.shape_cast %get3A_76 : vector<1x16xf32> to vector<16xf32>
        %add3A_78 = arith.addf %get3A_73, %get3A_77 : vector<16xf32>
        %get3A_79 = arith.index_cast %scan3A_66 : i32 to index
        %get3A_80 = arith.constant 0 : index
        %get3A_81 = tpu.vector_load %arg12[%get3A_79, %get3A_80] {strides = array<i32>} : memref<8x128xf32, #tpu.memory_space<vmem>>, vector<1x16xf32>,
        %get3A_82 = vector.shape_cast %get3A_81 : vector<1x16xf32> to vector<16xf32>
        %add3A_83 = arith.addf %add3A_78, %get3A_82 : vector<16xf32>
        %max3A = arith.constant 0.000000e+00 : f32
        %max3A_84 = vector.broadcast %max3A : f32 to vector<16xf32>
        %max3A_85 = arith.maximumf %add3A_83, %max3A_84 : vector<16xf32>
        %swap3A = arith.index_cast %add3A_70 : i32 to index
        %swap3A_86 = arith.constant 0 : index
        %swap3A_87 = tpu.vector_load %arg13[%swap3A, %swap3A_86] {strides = array<i32>} : memref<16x64xf32, #tpu.memory_space<vmem>>, vector<1x16xf32>,
        %swap3A_88 = vector.shape_cast %swap3A_87 : vector<1x16xf32> to vector<16xf32>
        %swap3A_89 = vector.shape_cast %max3A_85 : vector<16xf32> to vector<1x16xf32>
        tpu.vector_store %arg13[%swap3A, %swap3A_86], %swap3A_89 {strides = array<i32>} : memref<16x64xf32, #tpu.memory_space<vmem>>, vector<1x16xf32>,
        %get3A_90 = arith.index_cast %add3A_70 : i32 to index
        %get3A_91 = arith.constant 16 : index
        %get3A_92 = tpu.vector_load %arg10[%get3A_90, %get3A_91] {strides = array<i32>} : memref<16x128xf32, #tpu.memory_space<vmem>>, vector<1x16xf32>,
        %get3A_93 = vector.shape_cast %get3A_92 : vector<1x16xf32> to vector<16xf32>
        %get3A_94 = arith.index_cast %add3A_70 : i32 to index
        %get3A_95 = arith.constant 80 : index
        %get3A_96 = tpu.vector_load %arg11[%get3A_94, %get3A_95] {strides = array<i32>} : memref<16x128xf32, #tpu.memory_space<vmem>>, vector<1x16xf32>,
        %get3A_97 = vector.shape_cast %get3A_96 : vector<1x16xf32> to vector<16xf32>
        %add3A_98 = arith.addf %get3A_93, %get3A_97 : vector<16xf32>
        %get3A_99 = arith.index_cast %scan3A_66 : i32 to index
        %get3A_100 = arith.constant 16 : index
        %get3A_101 = tpu.vector_load %arg12[%get3A_99, %get3A_100] {strides = array<i32>} : memref<8x128xf32, #tpu.memory_space<vmem>>, vector<1x16xf32>,
        %get3A_102 = vector.shape_cast %get3A_101 : vector<1x16xf32> to vector<16xf32>
        %add3A_103 = arith.addf %add3A_98, %get3A_102 : vector<16xf32>
        %max3A_104 = arith.constant 0.000000e+00 : f32
        %max3A_105 = vector.broadcast %max3A_104 : f32 to vector<16xf32>
        %max3A_106 = arith.maximumf %add3A_103, %max3A_105 : vector<16xf32>
        %swap3A_107 = arith.index_cast %add3A_70 : i32 to index
        %swap3A_108 = arith.constant 16 : index
        %swap3A_109 = tpu.vector_load %arg13[%swap3A_107, %swap3A_108] {strides = array<i32>} : memref<16x64xf32, #tpu.memory_space<vmem>>, vector<1x16xf32>,
        %swap3A_110 = vector.shape_cast %swap3A_109 : vector<1x16xf32> to vector<16xf32>
        %swap3A_111 = vector.shape_cast %max3A_106 : vector<16xf32> to vector<1x16xf32>
        tpu.vector_store %arg13[%swap3A_107, %swap3A_108], %swap3A_111 {strides = array<i32>} : memref<16x64xf32, #tpu.memory_space<vmem>>, vector<1x16xf32>,
        %get3A_112 = arith.index_cast %add3A_70 : i32 to index
        %get3A_113 = arith.constant 32 : index
        %get3A_114 = tpu.vector_load %arg10[%get3A_112, %get3A_113] {strides = array<i32>} : memref<16x128xf32, #tpu.memory_space<vmem>>, vector<1x16xf32>,
        %get3A_115 = vector.shape_cast %get3A_114 : vector<1x16xf32> to vector<16xf32>
        %get3A_116 = arith.index_cast %add3A_70 : i32 to index
        %get3A_117 = arith.constant 96 : index
        %get3A_118 = tpu.vector_load %arg11[%get3A_116, %get3A_117] {strides = array<i32>} : memref<16x128xf32, #tpu.memory_space<vmem>>, vector<1x16xf32>,
        %get3A_119 = vector.shape_cast %get3A_118 : vector<1x16xf32> to vector<16xf32>
        %add3A_120 = arith.addf %get3A_115, %get3A_119 : vector<16xf32>
        %get3A_121 = arith.index_cast %scan3A_66 : i32 to index
        %get3A_122 = arith.constant 32 : index
        %get3A_123 = tpu.vector_load %arg12[%get3A_121, %get3A_122] {strides = array<i32>} : memref<8x128xf32, #tpu.memory_space<vmem>>, vector<1x16xf32>,
        %get3A_124 = vector.shape_cast %get3A_123 : vector<1x16xf32> to vector<16xf32>
        %add3A_125 = arith.addf %add3A_120, %get3A_124 : vector<16xf32>
        %max3A_126 = arith.constant 0.000000e+00 : f32
        %max3A_127 = vector.broadcast %max3A_126 : f32 to vector<16xf32>
        %max3A_128 = arith.maximumf %add3A_125, %max3A_127 : vector<16xf32>
        %swap3A_129 = arith.index_cast %add3A_70 : i32 to index
        %swap3A_130 = arith.constant 32 : index
        %swap3A_131 = tpu.vector_load %arg13[%swap3A_129, %swap3A_130] {strides = array<i32>} : memref<16x64xf32, #tpu.memory_space<vmem>>, vector<1x16xf32>,
        %swap3A_132 = vector.shape_cast %swap3A_131 : vector<1x16xf32> to vector<16xf32>
        %swap3A_133 = vector.shape_cast %max3A_128 : vector<16xf32> to vector<1x16xf32>
        tpu.vector_store %arg13[%swap3A_129, %swap3A_130], %swap3A_133 {strides = array<i32>} : memref<16x64xf32, #tpu.memory_space<vmem>>, vector<1x16xf32>,
        %get3A_134 = arith.index_cast %add3A_70 : i32 to index
        %get3A_135 = arith.constant 48 : index
        %get3A_136 = tpu.vector_load %arg10[%get3A_134, %get3A_135] {strides = array<i32>} : memref<16x128xf32, #tpu.memory_space<vmem>>, vector<1x16xf32>,
        %get3A_137 = vector.shape_cast %get3A_136 : vector<1x16xf32> to vector<16xf32>
        %get3A_138 = arith.index_cast %add3A_70 : i32 to index
        %get3A_139 = arith.constant 112 : index
        %get3A_140 = tpu.vector_load %arg11[%get3A_138, %get3A_139] {strides = array<i32>} : memref<16x128xf32, #tpu.memory_space<vmem>>, vector<1x16xf32>,
        %get3A_141 = vector.shape_cast %get3A_140 : vector<1x16xf32> to vector<16xf32>
        %add3A_142 = arith.addf %get3A_137, %get3A_141 : vector<16xf32>
        %get3A_143 = arith.index_cast %scan3A_66 : i32 to index
        %get3A_144 = arith.constant 48 : index
        %get3A_145 = tpu.vector_load %arg12[%get3A_143, %get3A_144] {strides = array<i32>} : memref<8x128xf32, #tpu.memory_space<vmem>>, vector<1x16xf32>,
        %get3A_146 = vector.shape_cast %get3A_145 : vector<1x16xf32> to vector<16xf32>
        %add3A_147 = arith.addf %add3A_142, %get3A_146 : vector<16xf32>
        %max3A_148 = arith.constant 0.000000e+00 : f32
        %max3A_149 = vector.broadcast %max3A_148 : f32 to vector<16xf32>
        %max3A_150 = arith.maximumf %add3A_147, %max3A_149 : vector<16xf32>
        %swap3A_151 = arith.index_cast %add3A_70 : i32 to index
        %swap3A_152 = arith.constant 48 : index
        %swap3A_153 = tpu.vector_load %arg13[%swap3A_151, %swap3A_152] {strides = array<i32>} : memref<16x64xf32, #tpu.memory_space<vmem>>, vector<1x16xf32>,
        %swap3A_154 = vector.shape_cast %swap3A_153 : vector<1x16xf32> to vector<16xf32>
        %swap3A_155 = vector.shape_cast %max3A_150 : vector<16xf32> to vector<1x16xf32>
        tpu.vector_store %arg13[%swap3A_151, %swap3A_152], %swap3A_155 {strides = array<i32>} : memref<16x64xf32, #tpu.memory_space<vmem>>, vector<1x16xf32>,
        %mul3A_156 = arith.constant 2 : i32
        %mul3A_157 = arith.muli %mul3A_156, %scan3A_66 : i32
        %add3A_158 = arith.constant 1 : i32
        %add3A_159 = arith.addi %mul3A_157, %add3A_158 : i32
        %get3A_160 = arith.index_cast %add3A_159 : i32 to index
        %get3A_161 = arith.constant 0 : index
        %get3A_162 = tpu.vector_load %arg10[%get3A_160, %get3A_161] {strides = array<i32>} : memref<16x128xf32, #tpu.memory_space<vmem>>, vector<1x16xf32>,
        %get3A_163 = vector.shape_cast %get3A_162 : vector<1x16xf32> to vector<16xf32>
        %get3A_164 = arith.index_cast %add3A_159 : i32 to index
        %get3A_165 = arith.constant 64 : index
        %get3A_166 = tpu.vector_load %arg11[%get3A_164, %get3A_165] {strides = array<i32>} : memref<16x128xf32, #tpu.memory_space<vmem>>, vector<1x16xf32>,
        %get3A_167 = vector.shape_cast %get3A_166 : vector<1x16xf32> to vector<16xf32>
        %add3A_168 = arith.addf %get3A_163, %get3A_167 : vector<16xf32>
        %get3A_169 = arith.index_cast %scan3A_66 : i32 to index
        %get3A_170 = arith.constant 64 : index
        %get3A_171 = tpu.vector_load %arg12[%get3A_169, %get3A_170] {strides = array<i32>} : memref<8x128xf32, #tpu.memory_space<vmem>>, vector<1x16xf32>,
        %get3A_172 = vector.shape_cast %get3A_171 : vector<1x16xf32> to vector<16xf32>
        %add3A_173 = arith.addf %add3A_168, %get3A_172 : vector<16xf32>
        %max3A_174 = arith.constant 0.000000e+00 : f32
        %max3A_175 = vector.broadcast %max3A_174 : f32 to vector<16xf32>
        %max3A_176 = arith.maximumf %add3A_173, %max3A_175 : vector<16xf32>
        %swap3A_177 = arith.index_cast %add3A_159 : i32 to index
        %swap3A_178 = arith.constant 0 : index
        %swap3A_179 = tpu.vector_load %arg13[%swap3A_177, %swap3A_178] {strides = array<i32>} : memref<16x64xf32, #tpu.memory_space<vmem>>, vector<1x16xf32>,
        %swap3A_180 = vector.shape_cast %swap3A_179 : vector<1x16xf32> to vector<16xf32>
        %swap3A_181 = vector.shape_cast %max3A_176 : vector<16xf32> to vector<1x16xf32>
        tpu.vector_store %arg13[%swap3A_177, %swap3A_178], %swap3A_181 {strides = array<i32>} : memref<16x64xf32, #tpu.memory_space<vmem>>, vector<1x16xf32>,
        %get3A_182 = arith.index_cast %add3A_159 : i32 to index
        %get3A_183 = arith.constant 16 : index
        %get3A_184 = tpu.vector_load %arg10[%get3A_182, %get3A_183] {strides = array<i32>} : memref<16x128xf32, #tpu.memory_space<vmem>>, vector<1x16xf32>,
        %get3A_185 = vector.shape_cast %get3A_184 : vector<1x16xf32> to vector<16xf32>
        %get3A_186 = arith.index_cast %add3A_159 : i32 to index
        %get3A_187 = arith.constant 80 : index
        %get3A_188 = tpu.vector_load %arg11[%get3A_186, %get3A_187] {strides = array<i32>} : memref<16x128xf32, #tpu.memory_space<vmem>>, vector<1x16xf32>,
        %get3A_189 = vector.shape_cast %get3A_188 : vector<1x16xf32> to vector<16xf32>
        %add3A_190 = arith.addf %get3A_185, %get3A_189 : vector<16xf32>
        %get3A_191 = arith.index_cast %scan3A_66 : i32 to index
        %get3A_192 = arith.constant 80 : index
        %get3A_193 = tpu.vector_load %arg12[%get3A_191, %get3A_192] {strides = array<i32>} : memref<8x128xf32, #tpu.memory_space<vmem>>, vector<1x16xf32>,
        %get3A_194 = vector.shape_cast %get3A_193 : vector<1x16xf32> to vector<16xf32>
        %add3A_195 = arith.addf %add3A_190, %get3A_194 : vector<16xf32>
        %max3A_196 = arith.constant 0.000000e+00 : f32
        %max3A_197 = vector.broadcast %max3A_196 : f32 to vector<16xf32>
        %max3A_198 = arith.maximumf %add3A_195, %max3A_197 : vector<16xf32>
        %swap3A_199 = arith.index_cast %add3A_159 : i32 to index
        %swap3A_200 = arith.constant 16 : index
        %swap3A_201 = tpu.vector_load %arg13[%swap3A_199, %swap3A_200] {strides = array<i32>} : memref<16x64xf32, #tpu.memory_space<vmem>>, vector<1x16xf32>,
        %swap3A_202 = vector.shape_cast %swap3A_201 : vector<1x16xf32> to vector<16xf32>
        %swap3A_203 = vector.shape_cast %max3A_198 : vector<16xf32> to vector<1x16xf32>
        tpu.vector_store %arg13[%swap3A_199, %swap3A_200], %swap3A_203 {strides = array<i32>} : memref<16x64xf32, #tpu.memory_space<vmem>>, vector<1x16xf32>,
        %get3A_204 = arith.index_cast %add3A_159 : i32 to index
        %get3A_205 = arith.constant 32 : index
        %get3A_206 = tpu.vector_load %arg10[%get3A_204, %get3A_205] {strides = array<i32>} : memref<16x128xf32, #tpu.memory_space<vmem>>, vector<1x16xf32>,
        %get3A_207 = vector.shape_cast %get3A_206 : vector<1x16xf32> to vector<16xf32>
        %get3A_208 = arith.index_cast %add3A_159 : i32 to index
        %get3A_209 = arith.constant 96 : index
        %get3A_210 = tpu.vector_load %arg11[%get3A_208, %get3A_209] {strides = array<i32>} : memref<16x128xf32, #tpu.memory_space<vmem>>, vector<1x16xf32>,
        %get3A_211 = vector.shape_cast %get3A_210 : vector<1x16xf32> to vector<16xf32>
        %add3A_212 = arith.addf %get3A_207, %get3A_211 : vector<16xf32>
        %get3A_213 = arith.index_cast %scan3A_66 : i32 to index
        %get3A_214 = arith.constant 96 : index
        %get3A_215 = tpu.vector_load %arg12[%get3A_213, %get3A_214] {strides = array<i32>} : memref<8x128xf32, #tpu.memory_space<vmem>>, vector<1x16xf32>,
        %get3A_216 = vector.shape_cast %get3A_215 : vector<1x16xf32> to vector<16xf32>
        %add3A_217 = arith.addf %add3A_212, %get3A_216 : vector<16xf32>
        %max3A_218 = arith.constant 0.000000e+00 : f32
        %max3A_219 = vector.broadcast %max3A_218 : f32 to vector<16xf32>
        %max3A_220 = arith.maximumf %add3A_217, %max3A_219 : vector<16xf32>
        %swap3A_221 = arith.index_cast %add3A_159 : i32 to index
        %swap3A_222 = arith.constant 32 : index
        %swap3A_223 = tpu.vector_load %arg13[%swap3A_221, %swap3A_222] {strides = array<i32>} : memref<16x64xf32, #tpu.memory_space<vmem>>, vector<1x16xf32>,
        %swap3A_224 = vector.shape_cast %swap3A_223 : vector<1x16xf32> to vector<16xf32>
        %swap3A_225 = vector.shape_cast %max3A_220 : vector<16xf32> to vector<1x16xf32>
        tpu.vector_store %arg13[%swap3A_221, %swap3A_222], %swap3A_225 {strides = array<i32>} : memref<16x64xf32, #tpu.memory_space<vmem>>, vector<1x16xf32>,
        %get3A_226 = arith.index_cast %add3A_159 : i32 to index
        %get3A_227 = arith.constant 48 : index
        %get3A_228 = tpu.vector_load %arg10[%get3A_226, %get3A_227] {strides = array<i32>} : memref<16x128xf32, #tpu.memory_space<vmem>>, vector<1x16xf32>,
        %get3A_229 = vector.shape_cast %get3A_228 : vector<1x16xf32> to vector<16xf32>
        %get3A_230 = arith.index_cast %add3A_159 : i32 to index
        %get3A_231 = arith.constant 112 : index
        %get3A_232 = tpu.vector_load %arg11[%get3A_230, %get3A_231] {strides = array<i32>} : memref<16x128xf32, #tpu.memory_space<vmem>>, vector<1x16xf32>,
        %get3A_233 = vector.shape_cast %get3A_232 : vector<1x16xf32> to vector<16xf32>
        %add3A_234 = arith.addf %get3A_229, %get3A_233 : vector<16xf32>
        %get3A_235 = arith.index_cast %scan3A_66 : i32 to index
        %get3A_236 = arith.constant 112 : index
        %get3A_237 = tpu.vector_load %arg12[%get3A_235, %get3A_236] {strides = array<i32>} : memref<8x128xf32, #tpu.memory_space<vmem>>, vector<1x16xf32>,
        %get3A_238 = vector.shape_cast %get3A_237 : vector<1x16xf32> to vector<16xf32>
        %add3A_239 = arith.addf %add3A_234, %get3A_238 : vector<16xf32>
        %max3A_240 = arith.constant 0.000000e+00 : f32
        %max3A_241 = vector.broadcast %max3A_240 : f32 to vector<16xf32>
        %max3A_242 = arith.maximumf %add3A_239, %max3A_241 : vector<16xf32>
        %swap3A_243 = arith.index_cast %add3A_159 : i32 to index
        %swap3A_244 = arith.constant 48 : index
        %swap3A_245 = tpu.vector_load %arg13[%swap3A_243, %swap3A_244] {strides = array<i32>} : memref<16x64xf32, #tpu.memory_space<vmem>>, vector<1x16xf32>,
        %swap3A_246 = vector.shape_cast %swap3A_245 : vector<1x16xf32> to vector<16xf32>
        %swap3A_247 = vector.shape_cast %max3A_242 : vector<16xf32> to vector<1x16xf32>
        tpu.vector_store %arg13[%swap3A_243, %swap3A_244], %swap3A_247 {strides = array<i32>} : memref<16x64xf32, #tpu.memory_space<vmem>>, vector<1x16xf32>,
      }
      %scan3A_65 = arith.constant 8 : i32
      "tpu.region"() ({
        %run_scoped3A = tpu.sem_alloc : memref<!tpu.dma_semaphore, #tpu.memory_space<semaphore_mem>>
        %dma_start3A_66 = arith.constant 0 : i32
        %dma_start3A_67 = arith.constant 0 : i32
        %dma_start3A_68 = tpu.memref_slice %arg18[%dma_start3A_66, %dma_start3A_67] : memref<10000x64xf32, #tpu.memory_space<vmem_shared>> -> memref<10000x64xf32, #tpu.memory_space<vmem_shared>>
        tpu.enqueue_indirect_dma source(%arg13 : memref<16x64xf32, #tpu.memory_space<vmem>>) target(%dma_start3A_68 : memref<10000x64xf32, #tpu.memory_space<vmem_shared>>) offsets(%arg9 : memref<16xi32, #tpu.memory_space<vmem>>) semaphore(%run_scoped3A : memref<!tpu.dma_semaphore, #tpu.memory_space<semaphore_mem>>) {add = true}
        %dma_wait3A_69 = arith.constant 0 : i32
        %dma_wait3A_70 = arith.constant 0 : i32
        %dma_wait3A_71 = tpu.memref_slice %arg18[%dma_wait3A_69, %dma_wait3A_70] : memref<10000x64xf32, #tpu.memory_space<vmem_shared>> -> memref<10000x64xf32, #tpu.memory_space<vmem_shared>>
        tpu.wait_indirect_dma semaphore(%run_scoped3A : memref<!tpu.dma_semaphore, #tpu.memory_space<semaphore_mem>>) src(%arg13 : memref<16x64xf32, #tpu.memory_space<vmem>>) dst(%dma_wait3A_71 : memref<10000x64xf32, #tpu.memory_space<vmem_shared>>)
        tpu.yield
      }) : () -> ()
    }
    %scan3A_15 = arith.constant 625 : i32
    %barrier3A_16 = arith.constant 0 : index
    tpu.barrier barrier_id(%barrier3A_16)
    %lt3A_17 = arith.constant 15 : i32
    %lt3A_18 = arith.cmpi slt, %arg1, %lt3A_17 : i32
    %convert_element_type3A_19 = arith.extui %lt3A_18 : i1 to i32
    %cond3A_20 = arith.constant 0 : i32
    %cond3A_21 = arith.cmpi ne, %convert_element_type3A_19, %cond3A_20 : i32
    scf.if %cond3A_21 {
      %mul3A_27 = arith.constant 632 : i32
      %mul3A_28 = arith.muli %arg1, %mul3A_27 : i32
      %mul3A_29 = arith.constant 632 : i32
      %mul3A_30 = arith.muli %arg1, %mul3A_29 : i32
      "tpu.region"() ({
        %run_scoped3A = tpu.sem_alloc : memref<!tpu.dma_semaphore, #tpu.memory_space<semaphore_mem>>
        %dma_start3A = arith.constant 0 : i32
        %dma_start3A_31 = tpu.memref_slice %arg7[%arg0, %mul3A_30, %dma_start3A] : memref<2x10000x64xf32, #tpu.memory_space<hbm>> -> memref<1x632x64xf32, #tpu.memory_space<hbm>>
        %dma_start3A_32 = tpu.memref_squeeze %dma_start3A_31 : memref<1x632x64xf32, #tpu.memory_space<hbm>> -> memref<632x64xf32, #tpu.memory_space<hbm>>
        %dma_start3A_33 = arith.constant 0 : i32
        %dma_start3A_34 = tpu.memref_slice %arg18[%mul3A_28, %dma_start3A_33] : memref<10000x64xf32, #tpu.memory_space<vmem_shared>> -> memref<632x64xf32, #tpu.memory_space<vmem_shared>>
        tpu.enqueue_dma source(%dma_start3A_34 : memref<632x64xf32, #tpu.memory_space<vmem_shared>>) target(%dma_start3A_32 : memref<632x64xf32, #tpu.memory_space<hbm>>) target_semaphore(%run_scoped3A : memref<!tpu.dma_semaphore, #tpu.memory_space<semaphore_mem>>)
        %dma_wait3A = arith.constant 0 : i32
        %dma_wait3A_35 = tpu.memref_slice %arg7[%arg0, %mul3A_30, %dma_wait3A] : memref<2x10000x64xf32, #tpu.memory_space<hbm>> -> memref<1x632x64xf32, #tpu.memory_space<hbm>>
        %dma_wait3A_36 = tpu.memref_squeeze %dma_wait3A_35 : memref<1x632x64xf32, #tpu.memory_space<hbm>> -> memref<632x64xf32, #tpu.memory_space<hbm>>
        %dma_wait3A_37 = arith.constant 0 : i32
        %dma_wait3A_38 = tpu.memref_slice %arg18[%mul3A_28, %dma_wait3A_37] : memref<10000x64xf32, #tpu.memory_space<vmem_shared>> -> memref<632x64xf32, #tpu.memory_space<vmem_shared>>
        tpu.wait_dma2 semaphore(%run_scoped3A : memref<!tpu.dma_semaphore, #tpu.memory_space<semaphore_mem>>) src(%dma_wait3A_38 : memref<632x64xf32, #tpu.memory_space<vmem_shared>>) dst(%dma_wait3A_36 : memref<632x64xf32, #tpu.memory_space<hbm>>)
        tpu.yield
      }) : () -> ()
    } else {
    }
    %eq3A_22 = arith.constant 15 : i32
    %eq3A_23 = arith.cmpi eq, %arg1, %eq3A_22 : i32
    %convert_element_type3A_24 = arith.extui %eq3A_23 : i1 to i32
    %cond3A_25 = arith.constant 0 : i32
    %cond3A_26 = arith.cmpi ne, %convert_element_type3A_24, %cond3A_25 : i32
    scf.if %cond3A_26 {
      "tpu.region"() ({
        %run_scoped3A = tpu.sem_alloc : memref<!tpu.dma_semaphore, #tpu.memory_space<semaphore_mem>>
        %dma_start3A = arith.constant 9480 : i32
        %dma_start3A_27 = arith.constant 0 : i32
        %dma_start3A_28 = tpu.memref_slice %arg7[%arg0, %dma_start3A, %dma_start3A_27] : memref<2x10000x64xf32, #tpu.memory_space<hbm>> -> memref<1x520x64xf32, #tpu.memory_space<hbm>>
        %dma_start3A_29 = tpu.memref_squeeze %dma_start3A_28 : memref<1x520x64xf32, #tpu.memory_space<hbm>> -> memref<520x64xf32, #tpu.memory_space<hbm>>
        %dma_start3A_30 = arith.constant 9480 : i32
        %dma_start3A_31 = arith.constant 0 : i32
        %dma_start3A_32 = tpu.memref_slice %arg18[%dma_start3A_30, %dma_start3A_31] : memref<10000x64xf32, #tpu.memory_space<vmem_shared>> -> memref<520x64xf32, #tpu.memory_space<vmem_shared>>
        tpu.enqueue_dma source(%dma_start3A_32 : memref<520x64xf32, #tpu.memory_space<vmem_shared>>) target(%dma_start3A_29 : memref<520x64xf32, #tpu.memory_space<hbm>>) target_semaphore(%run_scoped3A : memref<!tpu.dma_semaphore, #tpu.memory_space<semaphore_mem>>)
        %dma_wait3A = arith.constant 9480 : i32
        %dma_wait3A_33 = arith.constant 0 : i32
        %dma_wait3A_34 = tpu.memref_slice %arg7[%arg0, %dma_wait3A, %dma_wait3A_33] : memref<2x10000x64xf32, #tpu.memory_space<hbm>> -> memref<1x520x64xf32, #tpu.memory_space<hbm>>
        %dma_wait3A_35 = tpu.memref_squeeze %dma_wait3A_34 : memref<1x520x64xf32, #tpu.memory_space<hbm>> -> memref<520x64xf32, #tpu.memory_space<hbm>>
        %dma_wait3A_36 = arith.constant 9480 : i32
        %dma_wait3A_37 = arith.constant 0 : i32
        %dma_wait3A_38 = tpu.memref_slice %arg18[%dma_wait3A_36, %dma_wait3A_37] : memref<10000x64xf32, #tpu.memory_space<vmem_shared>> -> memref<520x64xf32, #tpu.memory_space<vmem_shared>>
        tpu.wait_dma2 semaphore(%run_scoped3A : memref<!tpu.dma_semaphore, #tpu.memory_space<semaphore_mem>>) src(%dma_wait3A_38 : memref<520x64xf32, #tpu.memory_space<vmem_shared>>) dst(%dma_wait3A_35 : memref<520x64xf32, #tpu.memory_space<hbm>>)
        tpu.yield
      }) : () -> ()
    } else {
    }
    return
  }
}

#map = affine_map<(d0, d1) -> (0, 0)>
#map1 = affine_map<(d0, d1) -> (0)>
#map2 = affine_map<(d0, d1) -> (0, 0, 0)>
module attributes {stable_mosaic.version = 14 : i64} {
  func.func @sc_edge(%arg0: i32, %arg1: i32, %arg2: memref<10000x128xf32, #tpu.memory_space<hbm>>, %arg3: memref<160000x128xf32, #tpu.memory_space<hbm>>, %arg4: memref<320000xi32, #tpu.memory_space<hbm>>, %arg5: memref<320000xi32, #tpu.memory_space<hbm>>, %arg6: memref<10000x64xf32, #tpu.memory_space<hbm>>, %arg7: memref<2x10000x64xf32, #tpu.memory_space<hbm>>, %arg8: memref<16xi32, #tpu.memory_space<vmem>>, %arg9: memref<16xi32, #tpu.memory_space<vmem>>, %arg10: memref<16x128xf32, #tpu.memory_space<vmem>>, %arg11: memref<16x128xf32, #tpu.memory_space<vmem>>, %arg12: memref<8x128xf32, #tpu.memory_space<vmem>>, %arg13: memref<16x64xf32, #tpu.memory_space<vmem>>, %arg14: memref<!tpu.dma_semaphore, #tpu.memory_space<semaphore_mem>>, %arg15: memref<!tpu.dma_semaphore, #tpu.memory_space<semaphore_mem>>, %arg16: memref<!tpu.dma_semaphore, #tpu.memory_space<semaphore_mem>>, %arg17: memref<!tpu.dma_semaphore, #tpu.memory_space<semaphore_mem>>, %arg18: memref<10000x64xf32, #tpu.memory_space<vmem_shared>>) attributes {dimension_semantics = [#tpu.dimension_semantics<core_parallel>, #tpu.dimension_semantics<subcore_parallel>], iteration_bounds = array<i64: 2, 16>, scalar_prefetch = 0 : i64, scratch_operands = 11 : i64, tpu.core_type = #tpu.core_type<sc_vector_subcore>, window_params = [{transform_indices = #map}, {transform_indices = #map}, {transform_indices = #map1}, {transform_indices = #map1}, {transform_indices = #map}, {transform_indices = #map2}]} {
    %mul3A = arith.constant 2 : i32
    %mul3A_0 = arith.muli %arg1, %mul3A : i32
    %add3A = arith.addi %mul3A_0, %arg0 : i32
    %mul3A_1 = arith.constant 10000 : i32
    %mul3A_2 = arith.muli %add3A, %mul3A_1 : i32
    %lt3A = arith.constant 15 : i32
    %lt3A_3 = arith.cmpi slt, %arg1, %lt3A : i32
    %convert_element_type3A = arith.extui %lt3A_3 : i1 to i32
    %cond3A = arith.constant 0 : i32
    %cond3A_4 = arith.cmpi ne, %convert_element_type3A, %cond3A : i32
    scf.if %cond3A_4 {
      %mul3A_27 = arith.constant 632 : i32
      %mul3A_28 = arith.muli %arg1, %mul3A_27 : i32
      %mul3A_29 = arith.constant 632 : i32
      %mul3A_30 = arith.muli %arg1, %mul3A_29 : i32
      "tpu.region"() ({
        %run_scoped3A = tpu.sem_alloc : memref<!tpu.dma_semaphore, #tpu.memory_space<semaphore_mem>>
        %dma_start3A = arith.constant 0 : i32
        %dma_start3A_31 = tpu.memref_slice %arg18[%mul3A_30, %dma_start3A] : memref<10000x64xf32, #tpu.memory_space<vmem_shared>> -> memref<632x64xf32, #tpu.memory_space<vmem_shared>>
        %dma_start3A_32 = arith.constant 0 : i32
        %dma_start3A_33 = tpu.memref_slice %arg6[%mul3A_28, %dma_start3A_32] : memref<10000x64xf32, #tpu.memory_space<hbm>> -> memref<632x64xf32, #tpu.memory_space<hbm>>
        tpu.enqueue_dma source(%dma_start3A_33 : memref<632x64xf32, #tpu.memory_space<hbm>>) target(%dma_start3A_31 : memref<632x64xf32, #tpu.memory_space<vmem_shared>>) target_semaphore(%run_scoped3A : memref<!tpu.dma_semaphore, #tpu.memory_space<semaphore_mem>>)
        %dma_wait3A = arith.constant 0 : i32
        %dma_wait3A_34 = tpu.memref_slice %arg18[%mul3A_30, %dma_wait3A] : memref<10000x64xf32, #tpu.memory_space<vmem_shared>> -> memref<632x64xf32, #tpu.memory_space<vmem_shared>>
        %dma_wait3A_35 = arith.constant 0 : i32
        %dma_wait3A_36 = tpu.memref_slice %arg6[%mul3A_28, %dma_wait3A_35] : memref<10000x64xf32, #tpu.memory_space<hbm>> -> memref<632x64xf32, #tpu.memory_space<hbm>>
        tpu.wait_dma2 semaphore(%run_scoped3A : memref<!tpu.dma_semaphore, #tpu.memory_space<semaphore_mem>>) src(%dma_wait3A_36 : memref<632x64xf32, #tpu.memory_space<hbm>>) dst(%dma_wait3A_34 : memref<632x64xf32, #tpu.memory_space<vmem_shared>>)
        tpu.yield
      }) : () -> ()
    } else {
    }
    %eq3A = arith.constant 15 : i32
    %eq3A_5 = arith.cmpi eq, %arg1, %eq3A : i32
    %convert_element_type3A_6 = arith.extui %eq3A_5 : i1 to i32
    %cond3A_7 = arith.constant 0 : i32
    %cond3A_8 = arith.cmpi ne, %convert_element_type3A_6, %cond3A_7 : i32
    scf.if %cond3A_8 {
      "tpu.region"() ({
        %run_scoped3A = tpu.sem_alloc : memref<!tpu.dma_semaphore, #tpu.memory_space<semaphore_mem>>
        %dma_start3A = arith.constant 9480 : i32
        %dma_start3A_27 = arith.constant 0 : i32
        %dma_start3A_28 = tpu.memref_slice %arg18[%dma_start3A, %dma_start3A_27] : memref<10000x64xf32, #tpu.memory_space<vmem_shared>> -> memref<520x64xf32, #tpu.memory_space<vmem_shared>>
        %dma_start3A_29 = arith.constant 9480 : i32
        %dma_start3A_30 = arith.constant 0 : i32
        %dma_start3A_31 = tpu.memref_slice %arg6[%dma_start3A_29, %dma_start3A_30] : memref<10000x64xf32, #tpu.memory_space<hbm>> -> memref<520x64xf32, #tpu.memory_space<hbm>>
        tpu.enqueue_dma source(%dma_start3A_31 : memref<520x64xf32, #tpu.memory_space<hbm>>) target(%dma_start3A_28 : memref<520x64xf32, #tpu.memory_space<vmem_shared>>) target_semaphore(%run_scoped3A : memref<!tpu.dma_semaphore, #tpu.memory_space<semaphore_mem>>)
        %dma_wait3A = arith.constant 9480 : i32
        %dma_wait3A_32 = arith.constant 0 : i32
        %dma_wait3A_33 = tpu.memref_slice %arg18[%dma_wait3A, %dma_wait3A_32] : memref<10000x64xf32, #tpu.memory_space<vmem_shared>> -> memref<520x64xf32, #tpu.memory_space<vmem_shared>>
        %dma_wait3A_34 = arith.constant 9480 : i32
        %dma_wait3A_35 = arith.constant 0 : i32
        %dma_wait3A_36 = tpu.memref_slice %arg6[%dma_wait3A_34, %dma_wait3A_35] : memref<10000x64xf32, #tpu.memory_space<hbm>> -> memref<520x64xf32, #tpu.memory_space<hbm>>
        tpu.wait_dma2 semaphore(%run_scoped3A : memref<!tpu.dma_semaphore, #tpu.memory_space<semaphore_mem>>) src(%dma_wait3A_36 : memref<520x64xf32, #tpu.memory_space<hbm>>) dst(%dma_wait3A_33 : memref<520x64xf32, #tpu.memory_space<vmem_shared>>)
        tpu.yield
      }) : () -> ()
    } else {
    }
    %barrier3A = arith.constant 0 : index
    tpu.barrier barrier_id(%barrier3A)
    %mul3A_9 = arith.constant 5000 : i32
    %mul3A_10 = arith.muli %add3A, %mul3A_9 : i32
    %scan3A = arith.constant 0 : i32
    %scan3A_11 = arith.constant 0 : i32
    %scan3A_12 = arith.constant 625 : i32
    %scan3A_13 = arith.addi %scan3A_11, %scan3A_12 : i32
    %scan3A_14 = arith.constant 1 : i32
    scf.for %scan3A_27 = %scan3A_11 to %scan3A_13 step %scan3A_14  : i32 {
      %mul3A_28 = arith.constant 16 : i32
      %mul3A_29 = arith.muli %scan3A_27, %mul3A_28 : i32
      %add3A_30 = arith.addi %mul3A_2, %mul3A_29 : i32
      %mul3A_31 = arith.constant 8 : i32
      %mul3A_32 = arith.muli %scan3A_27, %mul3A_31 : i32
      %add3A_33 = arith.addi %mul3A_10, %mul3A_32 : i32
      %dma_start3A = tpu.memref_slice %arg4[%add3A_30] : memref<320000xi32, #tpu.memory_space<hbm>> -> memref<16xi32, #tpu.memory_space<hbm>>
      %dma_start3A_34 = tpu.memref_slice %arg4[%add3A_30] : memref<320000xi32, #tpu.memory_space<hbm>> -> memref<16xi32, #tpu.memory_space<hbm>>
      tpu.enqueue_dma source(%dma_start3A_34 : memref<16xi32, #tpu.memory_space<hbm>>) target(%arg8 : memref<16xi32, #tpu.memory_space<vmem>>) target_semaphore(%arg14 : memref<!tpu.dma_semaphore, #tpu.memory_space<semaphore_mem>>)
      %dma_start3A_35 = tpu.memref_slice %arg5[%add3A_30] : memref<320000xi32, #tpu.memory_space<hbm>> -> memref<16xi32, #tpu.memory_space<hbm>>
      %dma_start3A_36 = tpu.memref_slice %arg5[%add3A_30] : memref<320000xi32, #tpu.memory_space<hbm>> -> memref<16xi32, #tpu.memory_space<hbm>>
      tpu.enqueue_dma source(%dma_start3A_36 : memref<16xi32, #tpu.memory_space<hbm>>) target(%arg9 : memref<16xi32, #tpu.memory_space<vmem>>) target_semaphore(%arg15 : memref<!tpu.dma_semaphore, #tpu.memory_space<semaphore_mem>>)
      %dma_start3A_37 = arith.constant 0 : i32
      %dma_start3A_38 = tpu.memref_slice %arg3[%add3A_33, %dma_start3A_37] : memref<160000x128xf32, #tpu.memory_space<hbm>> -> memref<8x128xf32, #tpu.memory_space<hbm>>
      %dma_start3A_39 = arith.constant 0 : i32
      %dma_start3A_40 = tpu.memref_slice %arg3[%add3A_33, %dma_start3A_39] : memref<160000x128xf32, #tpu.memory_space<hbm>> -> memref<8x128xf32, #tpu.memory_space<hbm>>
      tpu.enqueue_dma source(%dma_start3A_40 : memref<8x128xf32, #tpu.memory_space<hbm>>) target(%arg12 : memref<8x128xf32, #tpu.memory_space<vmem>>) target_semaphore(%arg16 : memref<!tpu.dma_semaphore, #tpu.memory_space<semaphore_mem>>)
      %dma_wait3A = tpu.memref_slice %arg4[%add3A_30] : memref<320000xi32, #tpu.memory_space<hbm>> -> memref<16xi32, #tpu.memory_space<hbm>>
      %dma_wait3A_41 = tpu.memref_slice %arg4[%add3A_30] : memref<320000xi32, #tpu.memory_space<hbm>> -> memref<16xi32, #tpu.memory_space<hbm>>
      tpu.wait_dma2 semaphore(%arg14 : memref<!tpu.dma_semaphore, #tpu.memory_space<semaphore_mem>>) src(%dma_wait3A_41 : memref<16xi32, #tpu.memory_space<hbm>>) dst(%arg8 : memref<16xi32, #tpu.memory_space<vmem>>)
      %dma_wait3A_42 = tpu.memref_slice %arg5[%add3A_30] : memref<320000xi32, #tpu.memory_space<hbm>> -> memref<16xi32, #tpu.memory_space<hbm>>
      %dma_wait3A_43 = tpu.memref_slice %arg5[%add3A_30] : memref<320000xi32, #tpu.memory_space<hbm>> -> memref<16xi32, #tpu.memory_space<hbm>>
      tpu.wait_dma2 semaphore(%arg15 : memref<!tpu.dma_semaphore, #tpu.memory_space<semaphore_mem>>) src(%dma_wait3A_43 : memref<16xi32, #tpu.memory_space<hbm>>) dst(%arg9 : memref<16xi32, #tpu.memory_space<vmem>>)
      %dma_wait3A_44 = arith.constant 0 : i32
      %dma_wait3A_45 = tpu.memref_slice %arg3[%add3A_33, %dma_wait3A_44] : memref<160000x128xf32, #tpu.memory_space<hbm>> -> memref<8x128xf32, #tpu.memory_space<hbm>>
      %dma_wait3A_46 = arith.constant 0 : i32
      %dma_wait3A_47 = tpu.memref_slice %arg3[%add3A_33, %dma_wait3A_46] : memref<160000x128xf32, #tpu.memory_space<hbm>> -> memref<8x128xf32, #tpu.memory_space<hbm>>
      tpu.wait_dma2 semaphore(%arg16 : memref<!tpu.dma_semaphore, #tpu.memory_space<semaphore_mem>>) src(%dma_wait3A_47 : memref<8x128xf32, #tpu.memory_space<hbm>>) dst(%arg12 : memref<8x128xf32, #tpu.memory_space<vmem>>)
      %dma_start3A_48 = arith.constant 0 : i32
      %dma_start3A_49 = arith.constant 0 : i32
      %dma_start3A_50 = tpu.memref_slice %arg2[%dma_start3A_48, %dma_start3A_49] : memref<10000x128xf32, #tpu.memory_space<hbm>> -> memref<10000x128xf32, #tpu.memory_space<hbm>>
      tpu.enqueue_indirect_dma source(%dma_start3A_50 : memref<10000x128xf32, #tpu.memory_space<hbm>>) target(%arg10 : memref<16x128xf32, #tpu.memory_space<vmem>>) offsets(%arg8 : memref<16xi32, #tpu.memory_space<vmem>>) semaphore(%arg17 : memref<!tpu.dma_semaphore, #tpu.memory_space<semaphore_mem>>)
      %dma_start3A_51 = arith.constant 0 : i32
      %dma_start3A_52 = arith.constant 0 : i32
      %dma_start3A_53 = tpu.memref_slice %arg2[%dma_start3A_51, %dma_start3A_52] : memref<10000x128xf32, #tpu.memory_space<hbm>> -> memref<10000x128xf32, #tpu.memory_space<hbm>>
      tpu.enqueue_indirect_dma source(%dma_start3A_53 : memref<10000x128xf32, #tpu.memory_space<hbm>>) target(%arg11 : memref<16x128xf32, #tpu.memory_space<vmem>>) offsets(%arg9 : memref<16xi32, #tpu.memory_space<vmem>>) semaphore(%arg14 : memref<!tpu.dma_semaphore, #tpu.memory_space<semaphore_mem>>)
      %dma_wait3A_54 = arith.constant 0 : i32
      %dma_wait3A_55 = arith.constant 0 : i32
      %dma_wait3A_56 = tpu.memref_slice %arg2[%dma_wait3A_54, %dma_wait3A_55] : memref<10000x128xf32, #tpu.memory_space<hbm>> -> memref<10000x128xf32, #tpu.memory_space<hbm>>
      tpu.wait_indirect_dma semaphore(%arg17 : memref<!tpu.dma_semaphore, #tpu.memory_space<semaphore_mem>>) src(%dma_wait3A_56 : memref<10000x128xf32, #tpu.memory_space<hbm>>) dst(%arg10 : memref<16x128xf32, #tpu.memory_space<vmem>>)
      %dma_wait3A_57 = arith.constant 0 : i32
      %dma_wait3A_58 = arith.constant 0 : i32
      %dma_wait3A_59 = tpu.memref_slice %arg2[%dma_wait3A_57, %dma_wait3A_58] : memref<10000x128xf32, #tpu.memory_space<hbm>> -> memref<10000x128xf32, #tpu.memory_space<hbm>>
      tpu.wait_indirect_dma semaphore(%arg14 : memref<!tpu.dma_semaphore, #tpu.memory_space<semaphore_mem>>) src(%dma_wait3A_59 : memref<10000x128xf32, #tpu.memory_space<hbm>>) dst(%arg11 : memref<16x128xf32, #tpu.memory_space<vmem>>)
      %scan3A_60 = arith.constant 0 : i32
      %scan3A_61 = arith.constant 0 : i32
      %scan3A_62 = arith.constant 8 : i32
      %scan3A_63 = arith.addi %scan3A_61, %scan3A_62 : i32
      %scan3A_64 = arith.constant 1 : i32
      scf.for %scan3A_66 = %scan3A_61 to %scan3A_63 step %scan3A_64  : i32 {
        %mul3A_67 = arith.constant 2 : i32
        %mul3A_68 = arith.muli %mul3A_67, %scan3A_66 : i32
        %add3A_69 = arith.constant 0 : i32
        %add3A_70 = arith.addi %mul3A_68, %add3A_69 : i32
        %get3A = arith.index_cast %add3A_70 : i32 to index
        %get3A_71 = arith.constant 0 : index
        %get3A_72 = tpu.vector_load %arg10[%get3A, %get3A_71] {strides = array<i32>} : memref<16x128xf32, #tpu.memory_space<vmem>>, vector<1x16xf32>,
        %get3A_73 = vector.shape_cast %get3A_72 : vector<1x16xf32> to vector<16xf32>
        %get3A_74 = arith.index_cast %add3A_70 : i32 to index
        %get3A_75 = arith.constant 64 : index
        %get3A_76 = tpu.vector_load %arg11[%get3A_74, %get3A_75] {strides = array<i32>} : memref<16x128xf32, #tpu.memory_space<vmem>>, vector<1x16xf32>,
        %get3A_77 = vector.shape_cast %get3A_76 : vector<1x16xf32> to vector<16xf32>
        %add3A_78 = arith.addf %get3A_73, %get3A_77 : vector<16xf32>
        %get3A_79 = arith.index_cast %scan3A_66 : i32 to index
        %get3A_80 = arith.constant 0 : index
        %get3A_81 = tpu.vector_load %arg12[%get3A_79, %get3A_80] {strides = array<i32>} : memref<8x128xf32, #tpu.memory_space<vmem>>, vector<1x16xf32>,
        %get3A_82 = vector.shape_cast %get3A_81 : vector<1x16xf32> to vector<16xf32>
        %add3A_83 = arith.addf %add3A_78, %get3A_82 : vector<16xf32>
        %max3A = arith.constant 0.000000e+00 : f32
        %max3A_84 = vector.broadcast %max3A : f32 to vector<16xf32>
        %max3A_85 = arith.maximumf %add3A_83, %max3A_84 : vector<16xf32>
        %swap3A = arith.index_cast %add3A_70 : i32 to index
        %swap3A_86 = arith.constant 0 : index
        %swap3A_87 = tpu.vector_load %arg13[%swap3A, %swap3A_86] {strides = array<i32>} : memref<16x64xf32, #tpu.memory_space<vmem>>, vector<1x16xf32>,
        %swap3A_88 = vector.shape_cast %swap3A_87 : vector<1x16xf32> to vector<16xf32>
        %swap3A_89 = vector.shape_cast %max3A_85 : vector<16xf32> to vector<1x16xf32>
        tpu.vector_store %arg13[%swap3A, %swap3A_86], %swap3A_89 {strides = array<i32>} : memref<16x64xf32, #tpu.memory_space<vmem>>, vector<1x16xf32>,
        %get3A_90 = arith.index_cast %add3A_70 : i32 to index
        %get3A_91 = arith.constant 16 : index
        %get3A_92 = tpu.vector_load %arg10[%get3A_90, %get3A_91] {strides = array<i32>} : memref<16x128xf32, #tpu.memory_space<vmem>>, vector<1x16xf32>,
        %get3A_93 = vector.shape_cast %get3A_92 : vector<1x16xf32> to vector<16xf32>
        %get3A_94 = arith.index_cast %add3A_70 : i32 to index
        %get3A_95 = arith.constant 80 : index
        %get3A_96 = tpu.vector_load %arg11[%get3A_94, %get3A_95] {strides = array<i32>} : memref<16x128xf32, #tpu.memory_space<vmem>>, vector<1x16xf32>,
        %get3A_97 = vector.shape_cast %get3A_96 : vector<1x16xf32> to vector<16xf32>
        %add3A_98 = arith.addf %get3A_93, %get3A_97 : vector<16xf32>
        %get3A_99 = arith.index_cast %scan3A_66 : i32 to index
        %get3A_100 = arith.constant 16 : index
        %get3A_101 = tpu.vector_load %arg12[%get3A_99, %get3A_100] {strides = array<i32>} : memref<8x128xf32, #tpu.memory_space<vmem>>, vector<1x16xf32>,
        %get3A_102 = vector.shape_cast %get3A_101 : vector<1x16xf32> to vector<16xf32>
        %add3A_103 = arith.addf %add3A_98, %get3A_102 : vector<16xf32>
        %max3A_104 = arith.constant 0.000000e+00 : f32
        %max3A_105 = vector.broadcast %max3A_104 : f32 to vector<16xf32>
        %max3A_106 = arith.maximumf %add3A_103, %max3A_105 : vector<16xf32>
        %swap3A_107 = arith.index_cast %add3A_70 : i32 to index
        %swap3A_108 = arith.constant 16 : index
        %swap3A_109 = tpu.vector_load %arg13[%swap3A_107, %swap3A_108] {strides = array<i32>} : memref<16x64xf32, #tpu.memory_space<vmem>>, vector<1x16xf32>,
        %swap3A_110 = vector.shape_cast %swap3A_109 : vector<1x16xf32> to vector<16xf32>
        %swap3A_111 = vector.shape_cast %max3A_106 : vector<16xf32> to vector<1x16xf32>
        tpu.vector_store %arg13[%swap3A_107, %swap3A_108], %swap3A_111 {strides = array<i32>} : memref<16x64xf32, #tpu.memory_space<vmem>>, vector<1x16xf32>,
        %get3A_112 = arith.index_cast %add3A_70 : i32 to index
        %get3A_113 = arith.constant 32 : index
        %get3A_114 = tpu.vector_load %arg10[%get3A_112, %get3A_113] {strides = array<i32>} : memref<16x128xf32, #tpu.memory_space<vmem>>, vector<1x16xf32>,
        %get3A_115 = vector.shape_cast %get3A_114 : vector<1x16xf32> to vector<16xf32>
        %get3A_116 = arith.index_cast %add3A_70 : i32 to index
        %get3A_117 = arith.constant 96 : index
        %get3A_118 = tpu.vector_load %arg11[%get3A_116, %get3A_117] {strides = array<i32>} : memref<16x128xf32, #tpu.memory_space<vmem>>, vector<1x16xf32>,
        %get3A_119 = vector.shape_cast %get3A_118 : vector<1x16xf32> to vector<16xf32>
        %add3A_120 = arith.addf %get3A_115, %get3A_119 : vector<16xf32>
        %get3A_121 = arith.index_cast %scan3A_66 : i32 to index
        %get3A_122 = arith.constant 32 : index
        %get3A_123 = tpu.vector_load %arg12[%get3A_121, %get3A_122] {strides = array<i32>} : memref<8x128xf32, #tpu.memory_space<vmem>>, vector<1x16xf32>,
        %get3A_124 = vector.shape_cast %get3A_123 : vector<1x16xf32> to vector<16xf32>
        %add3A_125 = arith.addf %add3A_120, %get3A_124 : vector<16xf32>
        %max3A_126 = arith.constant 0.000000e+00 : f32
        %max3A_127 = vector.broadcast %max3A_126 : f32 to vector<16xf32>
        %max3A_128 = arith.maximumf %add3A_125, %max3A_127 : vector<16xf32>
        %swap3A_129 = arith.index_cast %add3A_70 : i32 to index
        %swap3A_130 = arith.constant 32 : index
        %swap3A_131 = tpu.vector_load %arg13[%swap3A_129, %swap3A_130] {strides = array<i32>} : memref<16x64xf32, #tpu.memory_space<vmem>>, vector<1x16xf32>,
        %swap3A_132 = vector.shape_cast %swap3A_131 : vector<1x16xf32> to vector<16xf32>
        %swap3A_133 = vector.shape_cast %max3A_128 : vector<16xf32> to vector<1x16xf32>
        tpu.vector_store %arg13[%swap3A_129, %swap3A_130], %swap3A_133 {strides = array<i32>} : memref<16x64xf32, #tpu.memory_space<vmem>>, vector<1x16xf32>,
        %get3A_134 = arith.index_cast %add3A_70 : i32 to index
        %get3A_135 = arith.constant 48 : index
        %get3A_136 = tpu.vector_load %arg10[%get3A_134, %get3A_135] {strides = array<i32>} : memref<16x128xf32, #tpu.memory_space<vmem>>, vector<1x16xf32>,
        %get3A_137 = vector.shape_cast %get3A_136 : vector<1x16xf32> to vector<16xf32>
        %get3A_138 = arith.index_cast %add3A_70 : i32 to index
        %get3A_139 = arith.constant 112 : index
        %get3A_140 = tpu.vector_load %arg11[%get3A_138, %get3A_139] {strides = array<i32>} : memref<16x128xf32, #tpu.memory_space<vmem>>, vector<1x16xf32>,
        %get3A_141 = vector.shape_cast %get3A_140 : vector<1x16xf32> to vector<16xf32>
        %add3A_142 = arith.addf %get3A_137, %get3A_141 : vector<16xf32>
        %get3A_143 = arith.index_cast %scan3A_66 : i32 to index
        %get3A_144 = arith.constant 48 : index
        %get3A_145 = tpu.vector_load %arg12[%get3A_143, %get3A_144] {strides = array<i32>} : memref<8x128xf32, #tpu.memory_space<vmem>>, vector<1x16xf32>,
        %get3A_146 = vector.shape_cast %get3A_145 : vector<1x16xf32> to vector<16xf32>
        %add3A_147 = arith.addf %add3A_142, %get3A_146 : vector<16xf32>
        %max3A_148 = arith.constant 0.000000e+00 : f32
        %max3A_149 = vector.broadcast %max3A_148 : f32 to vector<16xf32>
        %max3A_150 = arith.maximumf %add3A_147, %max3A_149 : vector<16xf32>
        %swap3A_151 = arith.index_cast %add3A_70 : i32 to index
        %swap3A_152 = arith.constant 48 : index
        %swap3A_153 = tpu.vector_load %arg13[%swap3A_151, %swap3A_152] {strides = array<i32>} : memref<16x64xf32, #tpu.memory_space<vmem>>, vector<1x16xf32>,
        %swap3A_154 = vector.shape_cast %swap3A_153 : vector<1x16xf32> to vector<16xf32>
        %swap3A_155 = vector.shape_cast %max3A_150 : vector<16xf32> to vector<1x16xf32>
        tpu.vector_store %arg13[%swap3A_151, %swap3A_152], %swap3A_155 {strides = array<i32>} : memref<16x64xf32, #tpu.memory_space<vmem>>, vector<1x16xf32>,
        %mul3A_156 = arith.constant 2 : i32
        %mul3A_157 = arith.muli %mul3A_156, %scan3A_66 : i32
        %add3A_158 = arith.constant 1 : i32
        %add3A_159 = arith.addi %mul3A_157, %add3A_158 : i32
        %get3A_160 = arith.index_cast %add3A_159 : i32 to index
        %get3A_161 = arith.constant 0 : index
        %get3A_162 = tpu.vector_load %arg10[%get3A_160, %get3A_161] {strides = array<i32>} : memref<16x128xf32, #tpu.memory_space<vmem>>, vector<1x16xf32>,
        %get3A_163 = vector.shape_cast %get3A_162 : vector<1x16xf32> to vector<16xf32>
        %get3A_164 = arith.index_cast %add3A_159 : i32 to index
        %get3A_165 = arith.constant 64 : index
        %get3A_166 = tpu.vector_load %arg11[%get3A_164, %get3A_165] {strides = array<i32>} : memref<16x128xf32, #tpu.memory_space<vmem>>, vector<1x16xf32>,
        %get3A_167 = vector.shape_cast %get3A_166 : vector<1x16xf32> to vector<16xf32>
        %add3A_168 = arith.addf %get3A_163, %get3A_167 : vector<16xf32>
        %get3A_169 = arith.index_cast %scan3A_66 : i32 to index
        %get3A_170 = arith.constant 64 : index
        %get3A_171 = tpu.vector_load %arg12[%get3A_169, %get3A_170] {strides = array<i32>} : memref<8x128xf32, #tpu.memory_space<vmem>>, vector<1x16xf32>,
        %get3A_172 = vector.shape_cast %get3A_171 : vector<1x16xf32> to vector<16xf32>
        %add3A_173 = arith.addf %add3A_168, %get3A_172 : vector<16xf32>
        %max3A_174 = arith.constant 0.000000e+00 : f32
        %max3A_175 = vector.broadcast %max3A_174 : f32 to vector<16xf32>
        %max3A_176 = arith.maximumf %add3A_173, %max3A_175 : vector<16xf32>
        %swap3A_177 = arith.index_cast %add3A_159 : i32 to index
        %swap3A_178 = arith.constant 0 : index
        %swap3A_179 = tpu.vector_load %arg13[%swap3A_177, %swap3A_178] {strides = array<i32>} : memref<16x64xf32, #tpu.memory_space<vmem>>, vector<1x16xf32>,
        %swap3A_180 = vector.shape_cast %swap3A_179 : vector<1x16xf32> to vector<16xf32>
        %swap3A_181 = vector.shape_cast %max3A_176 : vector<16xf32> to vector<1x16xf32>
        tpu.vector_store %arg13[%swap3A_177, %swap3A_178], %swap3A_181 {strides = array<i32>} : memref<16x64xf32, #tpu.memory_space<vmem>>, vector<1x16xf32>,
        %get3A_182 = arith.index_cast %add3A_159 : i32 to index
        %get3A_183 = arith.constant 16 : index
        %get3A_184 = tpu.vector_load %arg10[%get3A_182, %get3A_183] {strides = array<i32>} : memref<16x128xf32, #tpu.memory_space<vmem>>, vector<1x16xf32>,
        %get3A_185 = vector.shape_cast %get3A_184 : vector<1x16xf32> to vector<16xf32>
        %get3A_186 = arith.index_cast %add3A_159 : i32 to index
        %get3A_187 = arith.constant 80 : index
        %get3A_188 = tpu.vector_load %arg11[%get3A_186, %get3A_187] {strides = array<i32>} : memref<16x128xf32, #tpu.memory_space<vmem>>, vector<1x16xf32>,
        %get3A_189 = vector.shape_cast %get3A_188 : vector<1x16xf32> to vector<16xf32>
        %add3A_190 = arith.addf %get3A_185, %get3A_189 : vector<16xf32>
        %get3A_191 = arith.index_cast %scan3A_66 : i32 to index
        %get3A_192 = arith.constant 80 : index
        %get3A_193 = tpu.vector_load %arg12[%get3A_191, %get3A_192] {strides = array<i32>} : memref<8x128xf32, #tpu.memory_space<vmem>>, vector<1x16xf32>,
        %get3A_194 = vector.shape_cast %get3A_193 : vector<1x16xf32> to vector<16xf32>
        %add3A_195 = arith.addf %add3A_190, %get3A_194 : vector<16xf32>
        %max3A_196 = arith.constant 0.000000e+00 : f32
        %max3A_197 = vector.broadcast %max3A_196 : f32 to vector<16xf32>
        %max3A_198 = arith.maximumf %add3A_195, %max3A_197 : vector<16xf32>
        %swap3A_199 = arith.index_cast %add3A_159 : i32 to index
        %swap3A_200 = arith.constant 16 : index
        %swap3A_201 = tpu.vector_load %arg13[%swap3A_199, %swap3A_200] {strides = array<i32>} : memref<16x64xf32, #tpu.memory_space<vmem>>, vector<1x16xf32>,
        %swap3A_202 = vector.shape_cast %swap3A_201 : vector<1x16xf32> to vector<16xf32>
        %swap3A_203 = vector.shape_cast %max3A_198 : vector<16xf32> to vector<1x16xf32>
        tpu.vector_store %arg13[%swap3A_199, %swap3A_200], %swap3A_203 {strides = array<i32>} : memref<16x64xf32, #tpu.memory_space<vmem>>, vector<1x16xf32>,
        %get3A_204 = arith.index_cast %add3A_159 : i32 to index
        %get3A_205 = arith.constant 32 : index
        %get3A_206 = tpu.vector_load %arg10[%get3A_204, %get3A_205] {strides = array<i32>} : memref<16x128xf32, #tpu.memory_space<vmem>>, vector<1x16xf32>,
        %get3A_207 = vector.shape_cast %get3A_206 : vector<1x16xf32> to vector<16xf32>
        %get3A_208 = arith.index_cast %add3A_159 : i32 to index
        %get3A_209 = arith.constant 96 : index
        %get3A_210 = tpu.vector_load %arg11[%get3A_208, %get3A_209] {strides = array<i32>} : memref<16x128xf32, #tpu.memory_space<vmem>>, vector<1x16xf32>,
        %get3A_211 = vector.shape_cast %get3A_210 : vector<1x16xf32> to vector<16xf32>
        %add3A_212 = arith.addf %get3A_207, %get3A_211 : vector<16xf32>
        %get3A_213 = arith.index_cast %scan3A_66 : i32 to index
        %get3A_214 = arith.constant 96 : index
        %get3A_215 = tpu.vector_load %arg12[%get3A_213, %get3A_214] {strides = array<i32>} : memref<8x128xf32, #tpu.memory_space<vmem>>, vector<1x16xf32>,
        %get3A_216 = vector.shape_cast %get3A_215 : vector<1x16xf32> to vector<16xf32>
        %add3A_217 = arith.addf %add3A_212, %get3A_216 : vector<16xf32>
        %max3A_218 = arith.constant 0.000000e+00 : f32
        %max3A_219 = vector.broadcast %max3A_218 : f32 to vector<16xf32>
        %max3A_220 = arith.maximumf %add3A_217, %max3A_219 : vector<16xf32>
        %swap3A_221 = arith.index_cast %add3A_159 : i32 to index
        %swap3A_222 = arith.constant 32 : index
        %swap3A_223 = tpu.vector_load %arg13[%swap3A_221, %swap3A_222] {strides = array<i32>} : memref<16x64xf32, #tpu.memory_space<vmem>>, vector<1x16xf32>,
        %swap3A_224 = vector.shape_cast %swap3A_223 : vector<1x16xf32> to vector<16xf32>
        %swap3A_225 = vector.shape_cast %max3A_220 : vector<16xf32> to vector<1x16xf32>
        tpu.vector_store %arg13[%swap3A_221, %swap3A_222], %swap3A_225 {strides = array<i32>} : memref<16x64xf32, #tpu.memory_space<vmem>>, vector<1x16xf32>,
        %get3A_226 = arith.index_cast %add3A_159 : i32 to index
        %get3A_227 = arith.constant 48 : index
        %get3A_228 = tpu.vector_load %arg10[%get3A_226, %get3A_227] {strides = array<i32>} : memref<16x128xf32, #tpu.memory_space<vmem>>, vector<1x16xf32>,
        %get3A_229 = vector.shape_cast %get3A_228 : vector<1x16xf32> to vector<16xf32>
        %get3A_230 = arith.index_cast %add3A_159 : i32 to index
        %get3A_231 = arith.constant 112 : index
        %get3A_232 = tpu.vector_load %arg11[%get3A_230, %get3A_231] {strides = array<i32>} : memref<16x128xf32, #tpu.memory_space<vmem>>, vector<1x16xf32>,
        %get3A_233 = vector.shape_cast %get3A_232 : vector<1x16xf32> to vector<16xf32>
        %add3A_234 = arith.addf %get3A_229, %get3A_233 : vector<16xf32>
        %get3A_235 = arith.index_cast %scan3A_66 : i32 to index
        %get3A_236 = arith.constant 112 : index
        %get3A_237 = tpu.vector_load %arg12[%get3A_235, %get3A_236] {strides = array<i32>} : memref<8x128xf32, #tpu.memory_space<vmem>>, vector<1x16xf32>,
        %get3A_238 = vector.shape_cast %get3A_237 : vector<1x16xf32> to vector<16xf32>
        %add3A_239 = arith.addf %add3A_234, %get3A_238 : vector<16xf32>
        %max3A_240 = arith.constant 0.000000e+00 : f32
        %max3A_241 = vector.broadcast %max3A_240 : f32 to vector<16xf32>
        %max3A_242 = arith.maximumf %add3A_239, %max3A_241 : vector<16xf32>
        %swap3A_243 = arith.index_cast %add3A_159 : i32 to index
        %swap3A_244 = arith.constant 48 : index
        %swap3A_245 = tpu.vector_load %arg13[%swap3A_243, %swap3A_244] {strides = array<i32>} : memref<16x64xf32, #tpu.memory_space<vmem>>, vector<1x16xf32>,
        %swap3A_246 = vector.shape_cast %swap3A_245 : vector<1x16xf32> to vector<16xf32>
        %swap3A_247 = vector.shape_cast %max3A_242 : vector<16xf32> to vector<1x16xf32>
        tpu.vector_store %arg13[%swap3A_243, %swap3A_244], %swap3A_247 {strides = array<i32>} : memref<16x64xf32, #tpu.memory_space<vmem>>, vector<1x16xf32>,
      }
      %scan3A_65 = arith.constant 8 : i32
      "tpu.region"() ({
        %run_scoped3A = tpu.sem_alloc : memref<!tpu.dma_semaphore, #tpu.memory_space<semaphore_mem>>
        %dma_start3A_66 = arith.constant 0 : i32
        %dma_start3A_67 = arith.constant 0 : i32
        %dma_start3A_68 = tpu.memref_slice %arg18[%dma_start3A_66, %dma_start3A_67] : memref<10000x64xf32, #tpu.memory_space<vmem_shared>> -> memref<10000x64xf32, #tpu.memory_space<vmem_shared>>
        tpu.enqueue_indirect_dma source(%arg13 : memref<16x64xf32, #tpu.memory_space<vmem>>) target(%dma_start3A_68 : memref<10000x64xf32, #tpu.memory_space<vmem_shared>>) offsets(%arg9 : memref<16xi32, #tpu.memory_space<vmem>>) semaphore(%run_scoped3A : memref<!tpu.dma_semaphore, #tpu.memory_space<semaphore_mem>>) {add = true}
        %dma_wait3A_69 = arith.constant 0 : i32
        %dma_wait3A_70 = arith.constant 0 : i32
        %dma_wait3A_71 = tpu.memref_slice %arg18[%dma_wait3A_69, %dma_wait3A_70] : memref<10000x64xf32, #tpu.memory_space<vmem_shared>> -> memref<10000x64xf32, #tpu.memory_space<vmem_shared>>
        tpu.wait_indirect_dma semaphore(%run_scoped3A : memref<!tpu.dma_semaphore, #tpu.memory_space<semaphore_mem>>) src(%arg13 : memref<16x64xf32, #tpu.memory_space<vmem>>) dst(%dma_wait3A_71 : memref<10000x64xf32, #tpu.memory_space<vmem_shared>>)
        tpu.yield
      }) : () -> ()
    }
    %scan3A_15 = arith.constant 625 : i32
    %barrier3A_16 = arith.constant 0 : index
    tpu.barrier barrier_id(%barrier3A_16)
    %lt3A_17 = arith.constant 15 : i32
    %lt3A_18 = arith.cmpi slt, %arg1, %lt3A_17 : i32
    %convert_element_type3A_19 = arith.extui %lt3A_18 : i1 to i32
    %cond3A_20 = arith.constant 0 : i32
    %cond3A_21 = arith.cmpi ne, %convert_element_type3A_19, %cond3A_20 : i32
    scf.if %cond3A_21 {
      %mul3A_27 = arith.constant 632 : i32
      %mul3A_28 = arith.muli %arg1, %mul3A_27 : i32
      %mul3A_29 = arith.constant 632 : i32
      %mul3A_30 = arith.muli %arg1, %mul3A_29 : i32
      "tpu.region"() ({
        %run_scoped3A = tpu.sem_alloc : memref<!tpu.dma_semaphore, #tpu.memory_space<semaphore_mem>>
        %dma_start3A = arith.constant 0 : i32
        %dma_start3A_31 = tpu.memref_slice %arg7[%arg0, %mul3A_30, %dma_start3A] : memref<2x10000x64xf32, #tpu.memory_space<hbm>> -> memref<1x632x64xf32, #tpu.memory_space<hbm>>
        %dma_start3A_32 = tpu.memref_squeeze %dma_start3A_31 : memref<1x632x64xf32, #tpu.memory_space<hbm>> -> memref<632x64xf32, #tpu.memory_space<hbm>>
        %dma_start3A_33 = arith.constant 0 : i32
        %dma_start3A_34 = tpu.memref_slice %arg18[%mul3A_28, %dma_start3A_33] : memref<10000x64xf32, #tpu.memory_space<vmem_shared>> -> memref<632x64xf32, #tpu.memory_space<vmem_shared>>
        tpu.enqueue_dma source(%dma_start3A_34 : memref<632x64xf32, #tpu.memory_space<vmem_shared>>) target(%dma_start3A_32 : memref<632x64xf32, #tpu.memory_space<hbm>>) target_semaphore(%run_scoped3A : memref<!tpu.dma_semaphore, #tpu.memory_space<semaphore_mem>>)
        %dma_wait3A = arith.constant 0 : i32
        %dma_wait3A_35 = tpu.memref_slice %arg7[%arg0, %mul3A_30, %dma_wait3A] : memref<2x10000x64xf32, #tpu.memory_space<hbm>> -> memref<1x632x64xf32, #tpu.memory_space<hbm>>
        %dma_wait3A_36 = tpu.memref_squeeze %dma_wait3A_35 : memref<1x632x64xf32, #tpu.memory_space<hbm>> -> memref<632x64xf32, #tpu.memory_space<hbm>>
        %dma_wait3A_37 = arith.constant 0 : i32
        %dma_wait3A_38 = tpu.memref_slice %arg18[%mul3A_28, %dma_wait3A_37] : memref<10000x64xf32, #tpu.memory_space<vmem_shared>> -> memref<632x64xf32, #tpu.memory_space<vmem_shared>>
        tpu.wait_dma2 semaphore(%run_scoped3A : memref<!tpu.dma_semaphore, #tpu.memory_space<semaphore_mem>>) src(%dma_wait3A_38 : memref<632x64xf32, #tpu.memory_space<vmem_shared>>) dst(%dma_wait3A_36 : memref<632x64xf32, #tpu.memory_space<hbm>>)
        tpu.yield
      }) : () -> ()
    } else {
    }
    %eq3A_22 = arith.constant 15 : i32
    %eq3A_23 = arith.cmpi eq, %arg1, %eq3A_22 : i32
    %convert_element_type3A_24 = arith.extui %eq3A_23 : i1 to i32
    %cond3A_25 = arith.constant 0 : i32
    %cond3A_26 = arith.cmpi ne, %convert_element_type3A_24, %cond3A_25 : i32
    scf.if %cond3A_26 {
      "tpu.region"() ({
        %run_scoped3A = tpu.sem_alloc : memref<!tpu.dma_semaphore, #tpu.memory_space<semaphore_mem>>
        %dma_start3A = arith.constant 9480 : i32
        %dma_start3A_27 = arith.constant 0 : i32
        %dma_start3A_28 = tpu.memref_slice %arg7[%arg0, %dma_start3A, %dma_start3A_27] : memref<2x10000x64xf32, #tpu.memory_space<hbm>> -> memref<1x520x64xf32, #tpu.memory_space<hbm>>
        %dma_start3A_29 = tpu.memref_squeeze %dma_start3A_28 : memref<1x520x64xf32, #tpu.memory_space<hbm>> -> memref<520x64xf32, #tpu.memory_space<hbm>>
        %dma_start3A_30 = arith.constant 9480 : i32
        %dma_start3A_31 = arith.constant 0 : i32
        %dma_start3A_32 = tpu.memref_slice %arg18[%dma_start3A_30, %dma_start3A_31] : memref<10000x64xf32, #tpu.memory_space<vmem_shared>> -> memref<520x64xf32, #tpu.memory_space<vmem_shared>>
        tpu.enqueue_dma source(%dma_start3A_32 : memref<520x64xf32, #tpu.memory_space<vmem_shared>>) target(%dma_start3A_29 : memref<520x64xf32, #tpu.memory_space<hbm>>) target_semaphore(%run_scoped3A : memref<!tpu.dma_semaphore, #tpu.memory_space<semaphore_mem>>)
        %dma_wait3A = arith.constant 9480 : i32
        %dma_wait3A_33 = arith.constant 0 : i32
        %dma_wait3A_34 = tpu.memref_slice %arg7[%arg0, %dma_wait3A, %dma_wait3A_33] : memref<2x10000x64xf32, #tpu.memory_space<hbm>> -> memref<1x520x64xf32, #tpu.memory_space<hbm>>
        %dma_wait3A_35 = tpu.memref_squeeze %dma_wait3A_34 : memref<1x520x64xf32, #tpu.memory_space<hbm>> -> memref<520x64xf32, #tpu.memory_space<hbm>>
        %dma_wait3A_36 = arith.constant 9480 : i32
        %dma_wait3A_37 = arith.constant 0 : i32
        %dma_wait3A_38 = tpu.memref_slice %arg18[%dma_wait3A_36, %dma_wait3A_37] : memref<10000x64xf32, #tpu.memory_space<vmem_shared>> -> memref<520x64xf32, #tpu.memory_space<vmem_shared>>
        tpu.wait_dma2 semaphore(%run_scoped3A : memref<!tpu.dma_semaphore, #tpu.memory_space<semaphore_mem>>) src(%dma_wait3A_38 : memref<520x64xf32, #tpu.memory_space<vmem_shared>>) dst(%dma_wait3A_35 : memref<520x64xf32, #tpu.memory_space<hbm>>)
        tpu.yield
      }) : () -> ()
    } else {
    }
    return
  }
}

#map = affine_map<(d0, d1) -> (0, 0)>
#map1 = affine_map<(d0, d1) -> (0)>
#map2 = affine_map<(d0, d1) -> (0, 0, 0)>
module attributes {stable_mosaic.version = 14 : i64} {
  func.func @sc_edge(%arg0: i32, %arg1: i32, %arg2: memref<10000x128xf32, #tpu.memory_space<hbm>>, %arg3: memref<160000x128xf32, #tpu.memory_space<hbm>>, %arg4: memref<320000xi32, #tpu.memory_space<hbm>>, %arg5: memref<320000xi32, #tpu.memory_space<hbm>>, %arg6: memref<10000x64xf32, #tpu.memory_space<hbm>>, %arg7: memref<2x10000x64xf32, #tpu.memory_space<hbm>>, %arg8: memref<16xi32, #tpu.memory_space<vmem>>, %arg9: memref<16xi32, #tpu.memory_space<vmem>>, %arg10: memref<16x128xf32, #tpu.memory_space<vmem>>, %arg11: memref<16x128xf32, #tpu.memory_space<vmem>>, %arg12: memref<8x128xf32, #tpu.memory_space<vmem>>, %arg13: memref<16x64xf32, #tpu.memory_space<vmem>>, %arg14: memref<!tpu.dma_semaphore, #tpu.memory_space<semaphore_mem>>, %arg15: memref<!tpu.dma_semaphore, #tpu.memory_space<semaphore_mem>>, %arg16: memref<!tpu.dma_semaphore, #tpu.memory_space<semaphore_mem>>, %arg17: memref<!tpu.dma_semaphore, #tpu.memory_space<semaphore_mem>>, %arg18: memref<10000x64xf32, #tpu.memory_space<vmem_shared>>) attributes {dimension_semantics = [#tpu.dimension_semantics<core_parallel>, #tpu.dimension_semantics<subcore_parallel>], iteration_bounds = array<i64: 2, 16>, scalar_prefetch = 0 : i64, scratch_operands = 11 : i64, tpu.core_type = #tpu.core_type<sc_vector_subcore>, window_params = [{transform_indices = #map}, {transform_indices = #map}, {transform_indices = #map1}, {transform_indices = #map1}, {transform_indices = #map}, {transform_indices = #map2}]} {
    %mul3A = arith.constant 2 : i32
    %mul3A_0 = arith.muli %arg1, %mul3A : i32
    %add3A = arith.addi %mul3A_0, %arg0 : i32
    %mul3A_1 = arith.constant 10000 : i32
    %mul3A_2 = arith.muli %add3A, %mul3A_1 : i32
    %lt3A = arith.constant 15 : i32
    %lt3A_3 = arith.cmpi slt, %arg1, %lt3A : i32
    %convert_element_type3A = arith.extui %lt3A_3 : i1 to i32
    %cond3A = arith.constant 0 : i32
    %cond3A_4 = arith.cmpi ne, %convert_element_type3A, %cond3A : i32
    scf.if %cond3A_4 {
      %mul3A_27 = arith.constant 632 : i32
      %mul3A_28 = arith.muli %arg1, %mul3A_27 : i32
      %mul3A_29 = arith.constant 632 : i32
      %mul3A_30 = arith.muli %arg1, %mul3A_29 : i32
      "tpu.region"() ({
        %run_scoped3A = tpu.sem_alloc : memref<!tpu.dma_semaphore, #tpu.memory_space<semaphore_mem>>
        %dma_start3A = arith.constant 0 : i32
        %dma_start3A_31 = tpu.memref_slice %arg18[%mul3A_30, %dma_start3A] : memref<10000x64xf32, #tpu.memory_space<vmem_shared>> -> memref<632x64xf32, #tpu.memory_space<vmem_shared>>
        %dma_start3A_32 = arith.constant 0 : i32
        %dma_start3A_33 = tpu.memref_slice %arg6[%mul3A_28, %dma_start3A_32] : memref<10000x64xf32, #tpu.memory_space<hbm>> -> memref<632x64xf32, #tpu.memory_space<hbm>>
        tpu.enqueue_dma source(%dma_start3A_33 : memref<632x64xf32, #tpu.memory_space<hbm>>) target(%dma_start3A_31 : memref<632x64xf32, #tpu.memory_space<vmem_shared>>) target_semaphore(%run_scoped3A : memref<!tpu.dma_semaphore, #tpu.memory_space<semaphore_mem>>)
        %dma_wait3A = arith.constant 0 : i32
        %dma_wait3A_34 = tpu.memref_slice %arg18[%mul3A_30, %dma_wait3A] : memref<10000x64xf32, #tpu.memory_space<vmem_shared>> -> memref<632x64xf32, #tpu.memory_space<vmem_shared>>
        %dma_wait3A_35 = arith.constant 0 : i32
        %dma_wait3A_36 = tpu.memref_slice %arg6[%mul3A_28, %dma_wait3A_35] : memref<10000x64xf32, #tpu.memory_space<hbm>> -> memref<632x64xf32, #tpu.memory_space<hbm>>
        tpu.wait_dma2 semaphore(%run_scoped3A : memref<!tpu.dma_semaphore, #tpu.memory_space<semaphore_mem>>) src(%dma_wait3A_36 : memref<632x64xf32, #tpu.memory_space<hbm>>) dst(%dma_wait3A_34 : memref<632x64xf32, #tpu.memory_space<vmem_shared>>)
        tpu.yield
      }) : () -> ()
    } else {
    }
    %eq3A = arith.constant 15 : i32
    %eq3A_5 = arith.cmpi eq, %arg1, %eq3A : i32
    %convert_element_type3A_6 = arith.extui %eq3A_5 : i1 to i32
    %cond3A_7 = arith.constant 0 : i32
    %cond3A_8 = arith.cmpi ne, %convert_element_type3A_6, %cond3A_7 : i32
    scf.if %cond3A_8 {
      "tpu.region"() ({
        %run_scoped3A = tpu.sem_alloc : memref<!tpu.dma_semaphore, #tpu.memory_space<semaphore_mem>>
        %dma_start3A = arith.constant 9480 : i32
        %dma_start3A_27 = arith.constant 0 : i32
        %dma_start3A_28 = tpu.memref_slice %arg18[%dma_start3A, %dma_start3A_27] : memref<10000x64xf32, #tpu.memory_space<vmem_shared>> -> memref<520x64xf32, #tpu.memory_space<vmem_shared>>
        %dma_start3A_29 = arith.constant 9480 : i32
        %dma_start3A_30 = arith.constant 0 : i32
        %dma_start3A_31 = tpu.memref_slice %arg6[%dma_start3A_29, %dma_start3A_30] : memref<10000x64xf32, #tpu.memory_space<hbm>> -> memref<520x64xf32, #tpu.memory_space<hbm>>
        tpu.enqueue_dma source(%dma_start3A_31 : memref<520x64xf32, #tpu.memory_space<hbm>>) target(%dma_start3A_28 : memref<520x64xf32, #tpu.memory_space<vmem_shared>>) target_semaphore(%run_scoped3A : memref<!tpu.dma_semaphore, #tpu.memory_space<semaphore_mem>>)
        %dma_wait3A = arith.constant 9480 : i32
        %dma_wait3A_32 = arith.constant 0 : i32
        %dma_wait3A_33 = tpu.memref_slice %arg18[%dma_wait3A, %dma_wait3A_32] : memref<10000x64xf32, #tpu.memory_space<vmem_shared>> -> memref<520x64xf32, #tpu.memory_space<vmem_shared>>
        %dma_wait3A_34 = arith.constant 9480 : i32
        %dma_wait3A_35 = arith.constant 0 : i32
        %dma_wait3A_36 = tpu.memref_slice %arg6[%dma_wait3A_34, %dma_wait3A_35] : memref<10000x64xf32, #tpu.memory_space<hbm>> -> memref<520x64xf32, #tpu.memory_space<hbm>>
        tpu.wait_dma2 semaphore(%run_scoped3A : memref<!tpu.dma_semaphore, #tpu.memory_space<semaphore_mem>>) src(%dma_wait3A_36 : memref<520x64xf32, #tpu.memory_space<hbm>>) dst(%dma_wait3A_33 : memref<520x64xf32, #tpu.memory_space<vmem_shared>>)
        tpu.yield
      }) : () -> ()
    } else {
    }
    %barrier3A = arith.constant 0 : index
    tpu.barrier barrier_id(%barrier3A)
    %mul3A_9 = arith.constant 5000 : i32
    %mul3A_10 = arith.muli %add3A, %mul3A_9 : i32
    %scan3A = arith.constant 0 : i32
    %scan3A_11 = arith.constant 0 : i32
    %scan3A_12 = arith.constant 625 : i32
    %scan3A_13 = arith.addi %scan3A_11, %scan3A_12 : i32
    %scan3A_14 = arith.constant 1 : i32
    scf.for %scan3A_27 = %scan3A_11 to %scan3A_13 step %scan3A_14  : i32 {
      %mul3A_28 = arith.constant 16 : i32
      %mul3A_29 = arith.muli %scan3A_27, %mul3A_28 : i32
      %add3A_30 = arith.addi %mul3A_2, %mul3A_29 : i32
      %mul3A_31 = arith.constant 8 : i32
      %mul3A_32 = arith.muli %scan3A_27, %mul3A_31 : i32
      %add3A_33 = arith.addi %mul3A_10, %mul3A_32 : i32
      %dma_start3A = tpu.memref_slice %arg4[%add3A_30] : memref<320000xi32, #tpu.memory_space<hbm>> -> memref<16xi32, #tpu.memory_space<hbm>>
      %dma_start3A_34 = tpu.memref_slice %arg4[%add3A_30] : memref<320000xi32, #tpu.memory_space<hbm>> -> memref<16xi32, #tpu.memory_space<hbm>>
      tpu.enqueue_dma source(%dma_start3A_34 : memref<16xi32, #tpu.memory_space<hbm>>) target(%arg8 : memref<16xi32, #tpu.memory_space<vmem>>) target_semaphore(%arg14 : memref<!tpu.dma_semaphore, #tpu.memory_space<semaphore_mem>>)
      %dma_start3A_35 = tpu.memref_slice %arg5[%add3A_30] : memref<320000xi32, #tpu.memory_space<hbm>> -> memref<16xi32, #tpu.memory_space<hbm>>
      %dma_start3A_36 = tpu.memref_slice %arg5[%add3A_30] : memref<320000xi32, #tpu.memory_space<hbm>> -> memref<16xi32, #tpu.memory_space<hbm>>
      tpu.enqueue_dma source(%dma_start3A_36 : memref<16xi32, #tpu.memory_space<hbm>>) target(%arg9 : memref<16xi32, #tpu.memory_space<vmem>>) target_semaphore(%arg15 : memref<!tpu.dma_semaphore, #tpu.memory_space<semaphore_mem>>)
      %dma_start3A_37 = arith.constant 0 : i32
      %dma_start3A_38 = tpu.memref_slice %arg3[%add3A_33, %dma_start3A_37] : memref<160000x128xf32, #tpu.memory_space<hbm>> -> memref<8x128xf32, #tpu.memory_space<hbm>>
      %dma_start3A_39 = arith.constant 0 : i32
      %dma_start3A_40 = tpu.memref_slice %arg3[%add3A_33, %dma_start3A_39] : memref<160000x128xf32, #tpu.memory_space<hbm>> -> memref<8x128xf32, #tpu.memory_space<hbm>>
      tpu.enqueue_dma source(%dma_start3A_40 : memref<8x128xf32, #tpu.memory_space<hbm>>) target(%arg12 : memref<8x128xf32, #tpu.memory_space<vmem>>) target_semaphore(%arg16 : memref<!tpu.dma_semaphore, #tpu.memory_space<semaphore_mem>>)
      %dma_wait3A = tpu.memref_slice %arg4[%add3A_30] : memref<320000xi32, #tpu.memory_space<hbm>> -> memref<16xi32, #tpu.memory_space<hbm>>
      %dma_wait3A_41 = tpu.memref_slice %arg4[%add3A_30] : memref<320000xi32, #tpu.memory_space<hbm>> -> memref<16xi32, #tpu.memory_space<hbm>>
      tpu.wait_dma2 semaphore(%arg14 : memref<!tpu.dma_semaphore, #tpu.memory_space<semaphore_mem>>) src(%dma_wait3A_41 : memref<16xi32, #tpu.memory_space<hbm>>) dst(%arg8 : memref<16xi32, #tpu.memory_space<vmem>>)
      %dma_wait3A_42 = tpu.memref_slice %arg5[%add3A_30] : memref<320000xi32, #tpu.memory_space<hbm>> -> memref<16xi32, #tpu.memory_space<hbm>>
      %dma_wait3A_43 = tpu.memref_slice %arg5[%add3A_30] : memref<320000xi32, #tpu.memory_space<hbm>> -> memref<16xi32, #tpu.memory_space<hbm>>
      tpu.wait_dma2 semaphore(%arg15 : memref<!tpu.dma_semaphore, #tpu.memory_space<semaphore_mem>>) src(%dma_wait3A_43 : memref<16xi32, #tpu.memory_space<hbm>>) dst(%arg9 : memref<16xi32, #tpu.memory_space<vmem>>)
      %dma_wait3A_44 = arith.constant 0 : i32
      %dma_wait3A_45 = tpu.memref_slice %arg3[%add3A_33, %dma_wait3A_44] : memref<160000x128xf32, #tpu.memory_space<hbm>> -> memref<8x128xf32, #tpu.memory_space<hbm>>
      %dma_wait3A_46 = arith.constant 0 : i32
      %dma_wait3A_47 = tpu.memref_slice %arg3[%add3A_33, %dma_wait3A_46] : memref<160000x128xf32, #tpu.memory_space<hbm>> -> memref<8x128xf32, #tpu.memory_space<hbm>>
      tpu.wait_dma2 semaphore(%arg16 : memref<!tpu.dma_semaphore, #tpu.memory_space<semaphore_mem>>) src(%dma_wait3A_47 : memref<8x128xf32, #tpu.memory_space<hbm>>) dst(%arg12 : memref<8x128xf32, #tpu.memory_space<vmem>>)
      %dma_start3A_48 = arith.constant 0 : i32
      %dma_start3A_49 = arith.constant 0 : i32
      %dma_start3A_50 = tpu.memref_slice %arg2[%dma_start3A_48, %dma_start3A_49] : memref<10000x128xf32, #tpu.memory_space<hbm>> -> memref<10000x128xf32, #tpu.memory_space<hbm>>
      tpu.enqueue_indirect_dma source(%dma_start3A_50 : memref<10000x128xf32, #tpu.memory_space<hbm>>) target(%arg10 : memref<16x128xf32, #tpu.memory_space<vmem>>) offsets(%arg8 : memref<16xi32, #tpu.memory_space<vmem>>) semaphore(%arg17 : memref<!tpu.dma_semaphore, #tpu.memory_space<semaphore_mem>>)
      %dma_start3A_51 = arith.constant 0 : i32
      %dma_start3A_52 = arith.constant 0 : i32
      %dma_start3A_53 = tpu.memref_slice %arg2[%dma_start3A_51, %dma_start3A_52] : memref<10000x128xf32, #tpu.memory_space<hbm>> -> memref<10000x128xf32, #tpu.memory_space<hbm>>
      tpu.enqueue_indirect_dma source(%dma_start3A_53 : memref<10000x128xf32, #tpu.memory_space<hbm>>) target(%arg11 : memref<16x128xf32, #tpu.memory_space<vmem>>) offsets(%arg9 : memref<16xi32, #tpu.memory_space<vmem>>) semaphore(%arg14 : memref<!tpu.dma_semaphore, #tpu.memory_space<semaphore_mem>>)
      %dma_wait3A_54 = arith.constant 0 : i32
      %dma_wait3A_55 = arith.constant 0 : i32
      %dma_wait3A_56 = tpu.memref_slice %arg2[%dma_wait3A_54, %dma_wait3A_55] : memref<10000x128xf32, #tpu.memory_space<hbm>> -> memref<10000x128xf32, #tpu.memory_space<hbm>>
      tpu.wait_indirect_dma semaphore(%arg17 : memref<!tpu.dma_semaphore, #tpu.memory_space<semaphore_mem>>) src(%dma_wait3A_56 : memref<10000x128xf32, #tpu.memory_space<hbm>>) dst(%arg10 : memref<16x128xf32, #tpu.memory_space<vmem>>)
      %dma_wait3A_57 = arith.constant 0 : i32
      %dma_wait3A_58 = arith.constant 0 : i32
      %dma_wait3A_59 = tpu.memref_slice %arg2[%dma_wait3A_57, %dma_wait3A_58] : memref<10000x128xf32, #tpu.memory_space<hbm>> -> memref<10000x128xf32, #tpu.memory_space<hbm>>
      tpu.wait_indirect_dma semaphore(%arg14 : memref<!tpu.dma_semaphore, #tpu.memory_space<semaphore_mem>>) src(%dma_wait3A_59 : memref<10000x128xf32, #tpu.memory_space<hbm>>) dst(%arg11 : memref<16x128xf32, #tpu.memory_space<vmem>>)
      %scan3A_60 = arith.constant 0 : i32
      %scan3A_61 = arith.constant 0 : i32
      %scan3A_62 = arith.constant 8 : i32
      %scan3A_63 = arith.addi %scan3A_61, %scan3A_62 : i32
      %scan3A_64 = arith.constant 1 : i32
      scf.for %scan3A_66 = %scan3A_61 to %scan3A_63 step %scan3A_64  : i32 {
        %mul3A_67 = arith.constant 2 : i32
        %mul3A_68 = arith.muli %mul3A_67, %scan3A_66 : i32
        %add3A_69 = arith.constant 0 : i32
        %add3A_70 = arith.addi %mul3A_68, %add3A_69 : i32
        %get3A = arith.index_cast %add3A_70 : i32 to index
        %get3A_71 = arith.constant 0 : index
        %get3A_72 = tpu.vector_load %arg10[%get3A, %get3A_71] {strides = array<i32>} : memref<16x128xf32, #tpu.memory_space<vmem>>, vector<1x16xf32>,
        %get3A_73 = vector.shape_cast %get3A_72 : vector<1x16xf32> to vector<16xf32>
        %get3A_74 = arith.index_cast %add3A_70 : i32 to index
        %get3A_75 = arith.constant 64 : index
        %get3A_76 = tpu.vector_load %arg11[%get3A_74, %get3A_75] {strides = array<i32>} : memref<16x128xf32, #tpu.memory_space<vmem>>, vector<1x16xf32>,
        %get3A_77 = vector.shape_cast %get3A_76 : vector<1x16xf32> to vector<16xf32>
        %add3A_78 = arith.addf %get3A_73, %get3A_77 : vector<16xf32>
        %get3A_79 = arith.index_cast %scan3A_66 : i32 to index
        %get3A_80 = arith.constant 0 : index
        %get3A_81 = tpu.vector_load %arg12[%get3A_79, %get3A_80] {strides = array<i32>} : memref<8x128xf32, #tpu.memory_space<vmem>>, vector<1x16xf32>,
        %get3A_82 = vector.shape_cast %get3A_81 : vector<1x16xf32> to vector<16xf32>
        %add3A_83 = arith.addf %add3A_78, %get3A_82 : vector<16xf32>
        %max3A = arith.constant 0.000000e+00 : f32
        %max3A_84 = vector.broadcast %max3A : f32 to vector<16xf32>
        %max3A_85 = arith.maximumf %add3A_83, %max3A_84 : vector<16xf32>
        %swap3A = arith.index_cast %add3A_70 : i32 to index
        %swap3A_86 = arith.constant 0 : index
        %swap3A_87 = tpu.vector_load %arg13[%swap3A, %swap3A_86] {strides = array<i32>} : memref<16x64xf32, #tpu.memory_space<vmem>>, vector<1x16xf32>,
        %swap3A_88 = vector.shape_cast %swap3A_87 : vector<1x16xf32> to vector<16xf32>
        %swap3A_89 = vector.shape_cast %max3A_85 : vector<16xf32> to vector<1x16xf32>
        tpu.vector_store %arg13[%swap3A, %swap3A_86], %swap3A_89 {strides = array<i32>} : memref<16x64xf32, #tpu.memory_space<vmem>>, vector<1x16xf32>,
        %get3A_90 = arith.index_cast %add3A_70 : i32 to index
        %get3A_91 = arith.constant 16 : index
        %get3A_92 = tpu.vector_load %arg10[%get3A_90, %get3A_91] {strides = array<i32>} : memref<16x128xf32, #tpu.memory_space<vmem>>, vector<1x16xf32>,
        %get3A_93 = vector.shape_cast %get3A_92 : vector<1x16xf32> to vector<16xf32>
        %get3A_94 = arith.index_cast %add3A_70 : i32 to index
        %get3A_95 = arith.constant 80 : index
        %get3A_96 = tpu.vector_load %arg11[%get3A_94, %get3A_95] {strides = array<i32>} : memref<16x128xf32, #tpu.memory_space<vmem>>, vector<1x16xf32>,
        %get3A_97 = vector.shape_cast %get3A_96 : vector<1x16xf32> to vector<16xf32>
        %add3A_98 = arith.addf %get3A_93, %get3A_97 : vector<16xf32>
        %get3A_99 = arith.index_cast %scan3A_66 : i32 to index
        %get3A_100 = arith.constant 16 : index
        %get3A_101 = tpu.vector_load %arg12[%get3A_99, %get3A_100] {strides = array<i32>} : memref<8x128xf32, #tpu.memory_space<vmem>>, vector<1x16xf32>,
        %get3A_102 = vector.shape_cast %get3A_101 : vector<1x16xf32> to vector<16xf32>
        %add3A_103 = arith.addf %add3A_98, %get3A_102 : vector<16xf32>
        %max3A_104 = arith.constant 0.000000e+00 : f32
        %max3A_105 = vector.broadcast %max3A_104 : f32 to vector<16xf32>
        %max3A_106 = arith.maximumf %add3A_103, %max3A_105 : vector<16xf32>
        %swap3A_107 = arith.index_cast %add3A_70 : i32 to index
        %swap3A_108 = arith.constant 16 : index
        %swap3A_109 = tpu.vector_load %arg13[%swap3A_107, %swap3A_108] {strides = array<i32>} : memref<16x64xf32, #tpu.memory_space<vmem>>, vector<1x16xf32>,
        %swap3A_110 = vector.shape_cast %swap3A_109 : vector<1x16xf32> to vector<16xf32>
        %swap3A_111 = vector.shape_cast %max3A_106 : vector<16xf32> to vector<1x16xf32>
        tpu.vector_store %arg13[%swap3A_107, %swap3A_108], %swap3A_111 {strides = array<i32>} : memref<16x64xf32, #tpu.memory_space<vmem>>, vector<1x16xf32>,
        %get3A_112 = arith.index_cast %add3A_70 : i32 to index
        %get3A_113 = arith.constant 32 : index
        %get3A_114 = tpu.vector_load %arg10[%get3A_112, %get3A_113] {strides = array<i32>} : memref<16x128xf32, #tpu.memory_space<vmem>>, vector<1x16xf32>,
        %get3A_115 = vector.shape_cast %get3A_114 : vector<1x16xf32> to vector<16xf32>
        %get3A_116 = arith.index_cast %add3A_70 : i32 to index
        %get3A_117 = arith.constant 96 : index
        %get3A_118 = tpu.vector_load %arg11[%get3A_116, %get3A_117] {strides = array<i32>} : memref<16x128xf32, #tpu.memory_space<vmem>>, vector<1x16xf32>,
        %get3A_119 = vector.shape_cast %get3A_118 : vector<1x16xf32> to vector<16xf32>
        %add3A_120 = arith.addf %get3A_115, %get3A_119 : vector<16xf32>
        %get3A_121 = arith.index_cast %scan3A_66 : i32 to index
        %get3A_122 = arith.constant 32 : index
        %get3A_123 = tpu.vector_load %arg12[%get3A_121, %get3A_122] {strides = array<i32>} : memref<8x128xf32, #tpu.memory_space<vmem>>, vector<1x16xf32>,
        %get3A_124 = vector.shape_cast %get3A_123 : vector<1x16xf32> to vector<16xf32>
        %add3A_125 = arith.addf %add3A_120, %get3A_124 : vector<16xf32>
        %max3A_126 = arith.constant 0.000000e+00 : f32
        %max3A_127 = vector.broadcast %max3A_126 : f32 to vector<16xf32>
        %max3A_128 = arith.maximumf %add3A_125, %max3A_127 : vector<16xf32>
        %swap3A_129 = arith.index_cast %add3A_70 : i32 to index
        %swap3A_130 = arith.constant 32 : index
        %swap3A_131 = tpu.vector_load %arg13[%swap3A_129, %swap3A_130] {strides = array<i32>} : memref<16x64xf32, #tpu.memory_space<vmem>>, vector<1x16xf32>,
        %swap3A_132 = vector.shape_cast %swap3A_131 : vector<1x16xf32> to vector<16xf32>
        %swap3A_133 = vector.shape_cast %max3A_128 : vector<16xf32> to vector<1x16xf32>
        tpu.vector_store %arg13[%swap3A_129, %swap3A_130], %swap3A_133 {strides = array<i32>} : memref<16x64xf32, #tpu.memory_space<vmem>>, vector<1x16xf32>,
        %get3A_134 = arith.index_cast %add3A_70 : i32 to index
        %get3A_135 = arith.constant 48 : index
        %get3A_136 = tpu.vector_load %arg10[%get3A_134, %get3A_135] {strides = array<i32>} : memref<16x128xf32, #tpu.memory_space<vmem>>, vector<1x16xf32>,
        %get3A_137 = vector.shape_cast %get3A_136 : vector<1x16xf32> to vector<16xf32>
        %get3A_138 = arith.index_cast %add3A_70 : i32 to index
        %get3A_139 = arith.constant 112 : index
        %get3A_140 = tpu.vector_load %arg11[%get3A_138, %get3A_139] {strides = array<i32>} : memref<16x128xf32, #tpu.memory_space<vmem>>, vector<1x16xf32>,
        %get3A_141 = vector.shape_cast %get3A_140 : vector<1x16xf32> to vector<16xf32>
        %add3A_142 = arith.addf %get3A_137, %get3A_141 : vector<16xf32>
        %get3A_143 = arith.index_cast %scan3A_66 : i32 to index
        %get3A_144 = arith.constant 48 : index
        %get3A_145 = tpu.vector_load %arg12[%get3A_143, %get3A_144] {strides = array<i32>} : memref<8x128xf32, #tpu.memory_space<vmem>>, vector<1x16xf32>,
        %get3A_146 = vector.shape_cast %get3A_145 : vector<1x16xf32> to vector<16xf32>
        %add3A_147 = arith.addf %add3A_142, %get3A_146 : vector<16xf32>
        %max3A_148 = arith.constant 0.000000e+00 : f32
        %max3A_149 = vector.broadcast %max3A_148 : f32 to vector<16xf32>
        %max3A_150 = arith.maximumf %add3A_147, %max3A_149 : vector<16xf32>
        %swap3A_151 = arith.index_cast %add3A_70 : i32 to index
        %swap3A_152 = arith.constant 48 : index
        %swap3A_153 = tpu.vector_load %arg13[%swap3A_151, %swap3A_152] {strides = array<i32>} : memref<16x64xf32, #tpu.memory_space<vmem>>, vector<1x16xf32>,
        %swap3A_154 = vector.shape_cast %swap3A_153 : vector<1x16xf32> to vector<16xf32>
        %swap3A_155 = vector.shape_cast %max3A_150 : vector<16xf32> to vector<1x16xf32>
        tpu.vector_store %arg13[%swap3A_151, %swap3A_152], %swap3A_155 {strides = array<i32>} : memref<16x64xf32, #tpu.memory_space<vmem>>, vector<1x16xf32>,
        %mul3A_156 = arith.constant 2 : i32
        %mul3A_157 = arith.muli %mul3A_156, %scan3A_66 : i32
        %add3A_158 = arith.constant 1 : i32
        %add3A_159 = arith.addi %mul3A_157, %add3A_158 : i32
        %get3A_160 = arith.index_cast %add3A_159 : i32 to index
        %get3A_161 = arith.constant 0 : index
        %get3A_162 = tpu.vector_load %arg10[%get3A_160, %get3A_161] {strides = array<i32>} : memref<16x128xf32, #tpu.memory_space<vmem>>, vector<1x16xf32>,
        %get3A_163 = vector.shape_cast %get3A_162 : vector<1x16xf32> to vector<16xf32>
        %get3A_164 = arith.index_cast %add3A_159 : i32 to index
        %get3A_165 = arith.constant 64 : index
        %get3A_166 = tpu.vector_load %arg11[%get3A_164, %get3A_165] {strides = array<i32>} : memref<16x128xf32, #tpu.memory_space<vmem>>, vector<1x16xf32>,
        %get3A_167 = vector.shape_cast %get3A_166 : vector<1x16xf32> to vector<16xf32>
        %add3A_168 = arith.addf %get3A_163, %get3A_167 : vector<16xf32>
        %get3A_169 = arith.index_cast %scan3A_66 : i32 to index
        %get3A_170 = arith.constant 64 : index
        %get3A_171 = tpu.vector_load %arg12[%get3A_169, %get3A_170] {strides = array<i32>} : memref<8x128xf32, #tpu.memory_space<vmem>>, vector<1x16xf32>,
        %get3A_172 = vector.shape_cast %get3A_171 : vector<1x16xf32> to vector<16xf32>
        %add3A_173 = arith.addf %add3A_168, %get3A_172 : vector<16xf32>
        %max3A_174 = arith.constant 0.000000e+00 : f32
        %max3A_175 = vector.broadcast %max3A_174 : f32 to vector<16xf32>
        %max3A_176 = arith.maximumf %add3A_173, %max3A_175 : vector<16xf32>
        %swap3A_177 = arith.index_cast %add3A_159 : i32 to index
        %swap3A_178 = arith.constant 0 : index
        %swap3A_179 = tpu.vector_load %arg13[%swap3A_177, %swap3A_178] {strides = array<i32>} : memref<16x64xf32, #tpu.memory_space<vmem>>, vector<1x16xf32>,
        %swap3A_180 = vector.shape_cast %swap3A_179 : vector<1x16xf32> to vector<16xf32>
        %swap3A_181 = vector.shape_cast %max3A_176 : vector<16xf32> to vector<1x16xf32>
        tpu.vector_store %arg13[%swap3A_177, %swap3A_178], %swap3A_181 {strides = array<i32>} : memref<16x64xf32, #tpu.memory_space<vmem>>, vector<1x16xf32>,
        %get3A_182 = arith.index_cast %add3A_159 : i32 to index
        %get3A_183 = arith.constant 16 : index
        %get3A_184 = tpu.vector_load %arg10[%get3A_182, %get3A_183] {strides = array<i32>} : memref<16x128xf32, #tpu.memory_space<vmem>>, vector<1x16xf32>,
        %get3A_185 = vector.shape_cast %get3A_184 : vector<1x16xf32> to vector<16xf32>
        %get3A_186 = arith.index_cast %add3A_159 : i32 to index
        %get3A_187 = arith.constant 80 : index
        %get3A_188 = tpu.vector_load %arg11[%get3A_186, %get3A_187] {strides = array<i32>} : memref<16x128xf32, #tpu.memory_space<vmem>>, vector<1x16xf32>,
        %get3A_189 = vector.shape_cast %get3A_188 : vector<1x16xf32> to vector<16xf32>
        %add3A_190 = arith.addf %get3A_185, %get3A_189 : vector<16xf32>
        %get3A_191 = arith.index_cast %scan3A_66 : i32 to index
        %get3A_192 = arith.constant 80 : index
        %get3A_193 = tpu.vector_load %arg12[%get3A_191, %get3A_192] {strides = array<i32>} : memref<8x128xf32, #tpu.memory_space<vmem>>, vector<1x16xf32>,
        %get3A_194 = vector.shape_cast %get3A_193 : vector<1x16xf32> to vector<16xf32>
        %add3A_195 = arith.addf %add3A_190, %get3A_194 : vector<16xf32>
        %max3A_196 = arith.constant 0.000000e+00 : f32
        %max3A_197 = vector.broadcast %max3A_196 : f32 to vector<16xf32>
        %max3A_198 = arith.maximumf %add3A_195, %max3A_197 : vector<16xf32>
        %swap3A_199 = arith.index_cast %add3A_159 : i32 to index
        %swap3A_200 = arith.constant 16 : index
        %swap3A_201 = tpu.vector_load %arg13[%swap3A_199, %swap3A_200] {strides = array<i32>} : memref<16x64xf32, #tpu.memory_space<vmem>>, vector<1x16xf32>,
        %swap3A_202 = vector.shape_cast %swap3A_201 : vector<1x16xf32> to vector<16xf32>
        %swap3A_203 = vector.shape_cast %max3A_198 : vector<16xf32> to vector<1x16xf32>
        tpu.vector_store %arg13[%swap3A_199, %swap3A_200], %swap3A_203 {strides = array<i32>} : memref<16x64xf32, #tpu.memory_space<vmem>>, vector<1x16xf32>,
        %get3A_204 = arith.index_cast %add3A_159 : i32 to index
        %get3A_205 = arith.constant 32 : index
        %get3A_206 = tpu.vector_load %arg10[%get3A_204, %get3A_205] {strides = array<i32>} : memref<16x128xf32, #tpu.memory_space<vmem>>, vector<1x16xf32>,
        %get3A_207 = vector.shape_cast %get3A_206 : vector<1x16xf32> to vector<16xf32>
        %get3A_208 = arith.index_cast %add3A_159 : i32 to index
        %get3A_209 = arith.constant 96 : index
        %get3A_210 = tpu.vector_load %arg11[%get3A_208, %get3A_209] {strides = array<i32>} : memref<16x128xf32, #tpu.memory_space<vmem>>, vector<1x16xf32>,
        %get3A_211 = vector.shape_cast %get3A_210 : vector<1x16xf32> to vector<16xf32>
        %add3A_212 = arith.addf %get3A_207, %get3A_211 : vector<16xf32>
        %get3A_213 = arith.index_cast %scan3A_66 : i32 to index
        %get3A_214 = arith.constant 96 : index
        %get3A_215 = tpu.vector_load %arg12[%get3A_213, %get3A_214] {strides = array<i32>} : memref<8x128xf32, #tpu.memory_space<vmem>>, vector<1x16xf32>,
        %get3A_216 = vector.shape_cast %get3A_215 : vector<1x16xf32> to vector<16xf32>
        %add3A_217 = arith.addf %add3A_212, %get3A_216 : vector<16xf32>
        %max3A_218 = arith.constant 0.000000e+00 : f32
        %max3A_219 = vector.broadcast %max3A_218 : f32 to vector<16xf32>
        %max3A_220 = arith.maximumf %add3A_217, %max3A_219 : vector<16xf32>
        %swap3A_221 = arith.index_cast %add3A_159 : i32 to index
        %swap3A_222 = arith.constant 32 : index
        %swap3A_223 = tpu.vector_load %arg13[%swap3A_221, %swap3A_222] {strides = array<i32>} : memref<16x64xf32, #tpu.memory_space<vmem>>, vector<1x16xf32>,
        %swap3A_224 = vector.shape_cast %swap3A_223 : vector<1x16xf32> to vector<16xf32>
        %swap3A_225 = vector.shape_cast %max3A_220 : vector<16xf32> to vector<1x16xf32>
        tpu.vector_store %arg13[%swap3A_221, %swap3A_222], %swap3A_225 {strides = array<i32>} : memref<16x64xf32, #tpu.memory_space<vmem>>, vector<1x16xf32>,
        %get3A_226 = arith.index_cast %add3A_159 : i32 to index
        %get3A_227 = arith.constant 48 : index
        %get3A_228 = tpu.vector_load %arg10[%get3A_226, %get3A_227] {strides = array<i32>} : memref<16x128xf32, #tpu.memory_space<vmem>>, vector<1x16xf32>,
        %get3A_229 = vector.shape_cast %get3A_228 : vector<1x16xf32> to vector<16xf32>
        %get3A_230 = arith.index_cast %add3A_159 : i32 to index
        %get3A_231 = arith.constant 112 : index
        %get3A_232 = tpu.vector_load %arg11[%get3A_230, %get3A_231] {strides = array<i32>} : memref<16x128xf32, #tpu.memory_space<vmem>>, vector<1x16xf32>,
        %get3A_233 = vector.shape_cast %get3A_232 : vector<1x16xf32> to vector<16xf32>
        %add3A_234 = arith.addf %get3A_229, %get3A_233 : vector<16xf32>
        %get3A_235 = arith.index_cast %scan3A_66 : i32 to index
        %get3A_236 = arith.constant 112 : index
        %get3A_237 = tpu.vector_load %arg12[%get3A_235, %get3A_236] {strides = array<i32>} : memref<8x128xf32, #tpu.memory_space<vmem>>, vector<1x16xf32>,
        %get3A_238 = vector.shape_cast %get3A_237 : vector<1x16xf32> to vector<16xf32>
        %add3A_239 = arith.addf %add3A_234, %get3A_238 : vector<16xf32>
        %max3A_240 = arith.constant 0.000000e+00 : f32
        %max3A_241 = vector.broadcast %max3A_240 : f32 to vector<16xf32>
        %max3A_242 = arith.maximumf %add3A_239, %max3A_241 : vector<16xf32>
        %swap3A_243 = arith.index_cast %add3A_159 : i32 to index
        %swap3A_244 = arith.constant 48 : index
        %swap3A_245 = tpu.vector_load %arg13[%swap3A_243, %swap3A_244] {strides = array<i32>} : memref<16x64xf32, #tpu.memory_space<vmem>>, vector<1x16xf32>,
        %swap3A_246 = vector.shape_cast %swap3A_245 : vector<1x16xf32> to vector<16xf32>
        %swap3A_247 = vector.shape_cast %max3A_242 : vector<16xf32> to vector<1x16xf32>
        tpu.vector_store %arg13[%swap3A_243, %swap3A_244], %swap3A_247 {strides = array<i32>} : memref<16x64xf32, #tpu.memory_space<vmem>>, vector<1x16xf32>,
      }
      %scan3A_65 = arith.constant 8 : i32
      "tpu.region"() ({
        %run_scoped3A = tpu.sem_alloc : memref<!tpu.dma_semaphore, #tpu.memory_space<semaphore_mem>>
        %dma_start3A_66 = arith.constant 0 : i32
        %dma_start3A_67 = arith.constant 0 : i32
        %dma_start3A_68 = tpu.memref_slice %arg18[%dma_start3A_66, %dma_start3A_67] : memref<10000x64xf32, #tpu.memory_space<vmem_shared>> -> memref<10000x64xf32, #tpu.memory_space<vmem_shared>>
        tpu.enqueue_indirect_dma source(%arg13 : memref<16x64xf32, #tpu.memory_space<vmem>>) target(%dma_start3A_68 : memref<10000x64xf32, #tpu.memory_space<vmem_shared>>) offsets(%arg9 : memref<16xi32, #tpu.memory_space<vmem>>) semaphore(%run_scoped3A : memref<!tpu.dma_semaphore, #tpu.memory_space<semaphore_mem>>) {add = true}
        %dma_wait3A_69 = arith.constant 0 : i32
        %dma_wait3A_70 = arith.constant 0 : i32
        %dma_wait3A_71 = tpu.memref_slice %arg18[%dma_wait3A_69, %dma_wait3A_70] : memref<10000x64xf32, #tpu.memory_space<vmem_shared>> -> memref<10000x64xf32, #tpu.memory_space<vmem_shared>>
        tpu.wait_indirect_dma semaphore(%run_scoped3A : memref<!tpu.dma_semaphore, #tpu.memory_space<semaphore_mem>>) src(%arg13 : memref<16x64xf32, #tpu.memory_space<vmem>>) dst(%dma_wait3A_71 : memref<10000x64xf32, #tpu.memory_space<vmem_shared>>)
        tpu.yield
      }) : () -> ()
    }
    %scan3A_15 = arith.constant 625 : i32
    %barrier3A_16 = arith.constant 0 : index
    tpu.barrier barrier_id(%barrier3A_16)
    %lt3A_17 = arith.constant 15 : i32
    %lt3A_18 = arith.cmpi slt, %arg1, %lt3A_17 : i32
    %convert_element_type3A_19 = arith.extui %lt3A_18 : i1 to i32
    %cond3A_20 = arith.constant 0 : i32
    %cond3A_21 = arith.cmpi ne, %convert_element_type3A_19, %cond3A_20 : i32
    scf.if %cond3A_21 {
      %mul3A_27 = arith.constant 632 : i32
      %mul3A_28 = arith.muli %arg1, %mul3A_27 : i32
      %mul3A_29 = arith.constant 632 : i32
      %mul3A_30 = arith.muli %arg1, %mul3A_29 : i32
      "tpu.region"() ({
        %run_scoped3A = tpu.sem_alloc : memref<!tpu.dma_semaphore, #tpu.memory_space<semaphore_mem>>
        %dma_start3A = arith.constant 0 : i32
        %dma_start3A_31 = tpu.memref_slice %arg7[%arg0, %mul3A_30, %dma_start3A] : memref<2x10000x64xf32, #tpu.memory_space<hbm>> -> memref<1x632x64xf32, #tpu.memory_space<hbm>>
        %dma_start3A_32 = tpu.memref_squeeze %dma_start3A_31 : memref<1x632x64xf32, #tpu.memory_space<hbm>> -> memref<632x64xf32, #tpu.memory_space<hbm>>
        %dma_start3A_33 = arith.constant 0 : i32
        %dma_start3A_34 = tpu.memref_slice %arg18[%mul3A_28, %dma_start3A_33] : memref<10000x64xf32, #tpu.memory_space<vmem_shared>> -> memref<632x64xf32, #tpu.memory_space<vmem_shared>>
        tpu.enqueue_dma source(%dma_start3A_34 : memref<632x64xf32, #tpu.memory_space<vmem_shared>>) target(%dma_start3A_32 : memref<632x64xf32, #tpu.memory_space<hbm>>) target_semaphore(%run_scoped3A : memref<!tpu.dma_semaphore, #tpu.memory_space<semaphore_mem>>)
        %dma_wait3A = arith.constant 0 : i32
        %dma_wait3A_35 = tpu.memref_slice %arg7[%arg0, %mul3A_30, %dma_wait3A] : memref<2x10000x64xf32, #tpu.memory_space<hbm>> -> memref<1x632x64xf32, #tpu.memory_space<hbm>>
        %dma_wait3A_36 = tpu.memref_squeeze %dma_wait3A_35 : memref<1x632x64xf32, #tpu.memory_space<hbm>> -> memref<632x64xf32, #tpu.memory_space<hbm>>
        %dma_wait3A_37 = arith.constant 0 : i32
        %dma_wait3A_38 = tpu.memref_slice %arg18[%mul3A_28, %dma_wait3A_37] : memref<10000x64xf32, #tpu.memory_space<vmem_shared>> -> memref<632x64xf32, #tpu.memory_space<vmem_shared>>
        tpu.wait_dma2 semaphore(%run_scoped3A : memref<!tpu.dma_semaphore, #tpu.memory_space<semaphore_mem>>) src(%dma_wait3A_38 : memref<632x64xf32, #tpu.memory_space<vmem_shared>>) dst(%dma_wait3A_36 : memref<632x64xf32, #tpu.memory_space<hbm>>)
        tpu.yield
      }) : () -> ()
    } else {
    }
    %eq3A_22 = arith.constant 15 : i32
    %eq3A_23 = arith.cmpi eq, %arg1, %eq3A_22 : i32
    %convert_element_type3A_24 = arith.extui %eq3A_23 : i1 to i32
    %cond3A_25 = arith.constant 0 : i32
    %cond3A_26 = arith.cmpi ne, %convert_element_type3A_24, %cond3A_25 : i32
    scf.if %cond3A_26 {
      "tpu.region"() ({
        %run_scoped3A = tpu.sem_alloc : memref<!tpu.dma_semaphore, #tpu.memory_space<semaphore_mem>>
        %dma_start3A = arith.constant 9480 : i32
        %dma_start3A_27 = arith.constant 0 : i32
        %dma_start3A_28 = tpu.memref_slice %arg7[%arg0, %dma_start3A, %dma_start3A_27] : memref<2x10000x64xf32, #tpu.memory_space<hbm>> -> memref<1x520x64xf32, #tpu.memory_space<hbm>>
        %dma_start3A_29 = tpu.memref_squeeze %dma_start3A_28 : memref<1x520x64xf32, #tpu.memory_space<hbm>> -> memref<520x64xf32, #tpu.memory_space<hbm>>
        %dma_start3A_30 = arith.constant 9480 : i32
        %dma_start3A_31 = arith.constant 0 : i32
        %dma_start3A_32 = tpu.memref_slice %arg18[%dma_start3A_30, %dma_start3A_31] : memref<10000x64xf32, #tpu.memory_space<vmem_shared>> -> memref<520x64xf32, #tpu.memory_space<vmem_shared>>
        tpu.enqueue_dma source(%dma_start3A_32 : memref<520x64xf32, #tpu.memory_space<vmem_shared>>) target(%dma_start3A_29 : memref<520x64xf32, #tpu.memory_space<hbm>>) target_semaphore(%run_scoped3A : memref<!tpu.dma_semaphore, #tpu.memory_space<semaphore_mem>>)
        %dma_wait3A = arith.constant 9480 : i32
        %dma_wait3A_33 = arith.constant 0 : i32
        %dma_wait3A_34 = tpu.memref_slice %arg7[%arg0, %dma_wait3A, %dma_wait3A_33] : memref<2x10000x64xf32, #tpu.memory_space<hbm>> -> memref<1x520x64xf32, #tpu.memory_space<hbm>>
        %dma_wait3A_35 = tpu.memref_squeeze %dma_wait3A_34 : memref<1x520x64xf32, #tpu.memory_space<hbm>> -> memref<520x64xf32, #tpu.memory_space<hbm>>
        %dma_wait3A_36 = arith.constant 9480 : i32
        %dma_wait3A_37 = arith.constant 0 : i32
        %dma_wait3A_38 = tpu.memref_slice %arg18[%dma_wait3A_36, %dma_wait3A_37] : memref<10000x64xf32, #tpu.memory_space<vmem_shared>> -> memref<520x64xf32, #tpu.memory_space<vmem_shared>>
        tpu.wait_dma2 semaphore(%run_scoped3A : memref<!tpu.dma_semaphore, #tpu.memory_space<semaphore_mem>>) src(%dma_wait3A_38 : memref<520x64xf32, #tpu.memory_space<vmem_shared>>) dst(%dma_wait3A_35 : memref<520x64xf32, #tpu.memory_space<hbm>>)
        tpu.yield
      }) : () -> ()
    } else {
    }
    return
  }
}

module attributes {stable_mosaic.version = 14 : i64} {
  func.func @_cmake_body(%arg0: i32, %arg1: memref<640x32xf32, #tpu.memory_space<vmem>>, %arg2: memref<3x32x128xf32, #tpu.memory_space<vmem>>, %arg3: memref<3x128xf32, #tpu.memory_space<vmem>>, %arg4: memref<640x128xf32, #tpu.memory_space<vmem>>, %arg5: memref<640x128xf32, #tpu.memory_space<vmem>>, %arg6: memref<640x128xf32, #tpu.memory_space<vmem>>) attributes {dimension_semantics = [#tpu.dimension_semantics<arbitrary>], iteration_bounds = array<i64: 250>, scalar_prefetch = 0 : i64, scratch_operands = 0 : i64, tpu.core_type = #tpu.core_type<tc>, window_params = [{transform_indices = @transform_0, window_bounds = array<i64: 640, 32>}, {pipeline_mode = #tpu.pipeline_mode<synchronous>, transform_indices = @transform_1, window_bounds = array<i64: 3, 32, 128>}, {pipeline_mode = #tpu.pipeline_mode<synchronous>, transform_indices = @transform_2, window_bounds = array<i64: 3, 128>}, {transform_indices = @transform_3, window_bounds = array<i64: 640, 128>}, {transform_indices = @transform_4, window_bounds = array<i64: 640, 128>}, {transform_indices = @transform_5, window_bounds = array<i64: 640, 128>}]} {
    %get3A = arith.constant 0 : index
    %get3A_0 = arith.constant 0 : index
    %get3A_1 = vector.load %arg1[%get3A, %get3A_0] : memref<640x32xf32, #tpu.memory_space<vmem>>, vector<640x32xf32>
    %get3A_2 = arith.constant 0 : index
    %get3A_3 = arith.constant 0 : index
    %get3A_4 = arith.constant 0 : index
    %get3A_5 = vector.load %arg2[%get3A_2, %get3A_3, %get3A_4] : memref<3x32x128xf32, #tpu.memory_space<vmem>>, vector<3x32x128xf32>
    %get3A_6 = arith.constant 0 : index
    %get3A_7 = arith.constant 0 : index
    %get3A_8 = vector.load %arg3[%get3A_6, %get3A_7] : memref<3x128xf32, #tpu.memory_space<vmem>>, vector<3x128xf32>
    %slice3A = vector.extract_strided_slice %get3A_5 {offsets = [0, 0, 0], sizes = [1, 32, 128], strides = [1, 1, 1]} : vector<3x32x128xf32> to vector<1x32x128xf32>
    %squeeze3A = vector.shape_cast %slice3A : vector<1x32x128xf32> to vector<32x128xf32>
    %dot_general3A = arith.constant dense<0.000000e+00> : vector<640x128xf32>
    %dot_general3A_9 = tpu.matmul %get3A_1, %squeeze3A, %dot_general3A {dimension_numbers = #tpu.dot_dimension_numbers<[1], [0], [0], [1], [0, 0, 1, 1], [], []>, transpose_lhs_hint = false} : vector<640x32xf32>, vector<32x128xf32>, vector<640x128xf32> -> vector<640x128xf32>
    %slice3A_10 = vector.extract_strided_slice %get3A_8 {offsets = [0, 0], sizes = [1, 128], strides = [1, 1]} : vector<3x128xf32> to vector<1x128xf32>
    %squeeze3A_11 = vector.shape_cast %slice3A_10 : vector<1x128xf32> to vector<128xf32>
    %broadcast_in_dim3A = vector.shape_cast %squeeze3A_11 : vector<128xf32> to vector<1x128xf32>
    %add3A = vector.broadcast %broadcast_in_dim3A : vector<1x128xf32> to vector<640x128xf32>
    %add3A_12 = arith.addf %dot_general3A_9, %add3A : vector<640x128xf32>
    %swap3A = arith.constant 0 : index
    %swap3A_13 = arith.constant 0 : index
    %swap3A_14 = vector.load %arg4[%swap3A, %swap3A_13] : memref<640x128xf32, #tpu.memory_space<vmem>>, vector<640x128xf32>
    tpu.vector_store %arg4[%swap3A, %swap3A_13], %add3A_12 {strides = array<i32>} : memref<640x128xf32, #tpu.memory_space<vmem>>, vector<640x128xf32>,
    %slice3A_15 = vector.extract_strided_slice %get3A_5 {offsets = [1, 0, 0], sizes = [1, 32, 128], strides = [1, 1, 1]} : vector<3x32x128xf32> to vector<1x32x128xf32>
    %squeeze3A_16 = vector.shape_cast %slice3A_15 : vector<1x32x128xf32> to vector<32x128xf32>
    %dot_general3A_17 = arith.constant dense<0.000000e+00> : vector<640x128xf32>
    %dot_general3A_18 = tpu.matmul %get3A_1, %squeeze3A_16, %dot_general3A_17 {dimension_numbers = #tpu.dot_dimension_numbers<[1], [0], [0], [1], [0, 0, 1, 1], [], []>, transpose_lhs_hint = false} : vector<640x32xf32>, vector<32x128xf32>, vector<640x128xf32> -> vector<640x128xf32>
    %slice3A_19 = vector.extract_strided_slice %get3A_8 {offsets = [1, 0], sizes = [1, 128], strides = [1, 1]} : vector<3x128xf32> to vector<1x128xf32>
    %squeeze3A_20 = vector.shape_cast %slice3A_19 : vector<1x128xf32> to vector<128xf32>
    %broadcast_in_dim3A_21 = vector.shape_cast %squeeze3A_20 : vector<128xf32> to vector<1x128xf32>
    %add3A_22 = vector.broadcast %broadcast_in_dim3A_21 : vector<1x128xf32> to vector<640x128xf32>
    %add3A_23 = arith.addf %dot_general3A_18, %add3A_22 : vector<640x128xf32>
    %swap3A_24 = arith.constant 0 : index
    %swap3A_25 = arith.constant 0 : index
    %swap3A_26 = vector.load %arg5[%swap3A_24, %swap3A_25] : memref<640x128xf32, #tpu.memory_space<vmem>>, vector<640x128xf32>
    tpu.vector_store %arg5[%swap3A_24, %swap3A_25], %add3A_23 {strides = array<i32>} : memref<640x128xf32, #tpu.memory_space<vmem>>, vector<640x128xf32>,
    %slice3A_27 = vector.extract_strided_slice %get3A_5 {offsets = [2, 0, 0], sizes = [1, 32, 128], strides = [1, 1, 1]} : vector<3x32x128xf32> to vector<1x32x128xf32>
    %squeeze3A_28 = vector.shape_cast %slice3A_27 : vector<1x32x128xf32> to vector<32x128xf32>
    %dot_general3A_29 = arith.constant dense<0.000000e+00> : vector<640x128xf32>
    %dot_general3A_30 = tpu.matmul %get3A_1, %squeeze3A_28, %dot_general3A_29 {dimension_numbers = #tpu.dot_dimension_numbers<[1], [0], [0], [1], [0, 0, 1, 1], [], []>, transpose_lhs_hint = false} : vector<640x32xf32>, vector<32x128xf32>, vector<640x128xf32> -> vector<640x128xf32>
    %slice3A_31 = vector.extract_strided_slice %get3A_8 {offsets = [2, 0], sizes = [1, 128], strides = [1, 1]} : vector<3x128xf32> to vector<1x128xf32>
    %squeeze3A_32 = vector.shape_cast %slice3A_31 : vector<1x128xf32> to vector<128xf32>
    %broadcast_in_dim3A_33 = vector.shape_cast %squeeze3A_32 : vector<128xf32> to vector<1x128xf32>
    %add3A_34 = vector.broadcast %broadcast_in_dim3A_33 : vector<1x128xf32> to vector<640x128xf32>
    %add3A_35 = arith.addf %dot_general3A_30, %add3A_34 : vector<640x128xf32>
    %swap3A_36 = arith.constant 0 : index
    %swap3A_37 = arith.constant 0 : index
    %swap3A_38 = vector.load %arg6[%swap3A_36, %swap3A_37] : memref<640x128xf32, #tpu.memory_space<vmem>>, vector<640x128xf32>
    tpu.vector_store %arg6[%swap3A_36, %swap3A_37], %add3A_35 {strides = array<i32>} : memref<640x128xf32, #tpu.memory_space<vmem>>, vector<640x128xf32>,
    return
  }
  func.func @transform_0(%arg0: i32) -> (i32, i32) {
    %c0_i32 = arith.constant 0 : i32
    %c0_i32_0 = arith.constant 0 : i32
    return %arg0, %c0_i32 : i32, i32
  }
  func.func @transform_1(%arg0: i32) -> (i32, i32, i32) {
    %c0_i32 = arith.constant 0 : i32
    %c0_i32_0 = arith.constant 0 : i32
    %c0_i32_1 = arith.constant 0 : i32
    %c0_i32_2 = arith.constant 0 : i32
    return %c0_i32, %c0_i32_0, %c0_i32_1 : i32, i32, i32
  }
  func.func @transform_2(%arg0: i32) -> (i32, i32) {
    %c0_i32 = arith.constant 0 : i32
    %c0_i32_0 = arith.constant 0 : i32
    %c0_i32_1 = arith.constant 0 : i32
    return %c0_i32, %c0_i32_0 : i32, i32
  }
  func.func @transform_3(%arg0: i32) -> (i32, i32) {
    %c0_i32 = arith.constant 0 : i32
    %c0_i32_0 = arith.constant 0 : i32
    return %arg0, %c0_i32 : i32, i32
  }
  func.func @transform_4(%arg0: i32) -> (i32, i32) {
    %c0_i32 = arith.constant 0 : i32
    %c0_i32_0 = arith.constant 0 : i32
    return %arg0, %c0_i32 : i32, i32
  }
  func.func @transform_5(%arg0: i32) -> (i32, i32) {
    %c0_i32 = arith.constant 0 : i32
    %c0_i32_0 = arith.constant 0 : i32
    return %arg0, %c0_i32 : i32, i32
  }
}

module attributes {stable_mosaic.version = 14 : i64} {
  func.func @_embed_body(%arg0: i32, %arg1: memref<1000x128xf32, #tpu.memory_space<vmem>>, %arg2: memref<128x64xf32, #tpu.memory_space<vmem>>, %arg3: memref<64x64xf32, #tpu.memory_space<vmem>>, %arg4: memref<64x64xf32, #tpu.memory_space<vmem>>, %arg5: memref<1000x64xf32, #tpu.memory_space<vmem>>, %arg6: memref<1000x128xf32, #tpu.memory_space<vmem>>) attributes {dimension_semantics = [#tpu.dimension_semantics<arbitrary>], iteration_bounds = array<i64: 10>, scalar_prefetch = 0 : i64, scratch_operands = 0 : i64, tpu.core_type = #tpu.core_type<tc>, window_params = [{transform_indices = @transform_0, window_bounds = array<i64: 1000, 128>}, {pipeline_mode = #tpu.pipeline_mode<synchronous>, transform_indices = @transform_1, window_bounds = array<i64: 128, 64>}, {pipeline_mode = #tpu.pipeline_mode<synchronous>, transform_indices = @transform_2, window_bounds = array<i64: 64, 64>}, {pipeline_mode = #tpu.pipeline_mode<synchronous>, transform_indices = @transform_3, window_bounds = array<i64: 64, 64>}, {transform_indices = @transform_4, window_bounds = array<i64: 1000, 64>}, {transform_indices = @transform_5, window_bounds = array<i64: 1000, 128>}]} {
    %get3A = arith.constant 0 : index
    %get3A_0 = arith.constant 0 : index
    %get3A_1 = vector.load %arg1[%get3A, %get3A_0] : memref<1000x128xf32, #tpu.memory_space<vmem>>, vector<1000x128xf32>
    %get3A_2 = arith.constant 0 : index
    %get3A_3 = arith.constant 0 : index
    %get3A_4 = vector.load %arg2[%get3A_2, %get3A_3] : memref<128x64xf32, #tpu.memory_space<vmem>>, vector<128x64xf32>
    %dot_general3A = arith.constant dense<0.000000e+00> : vector<1000x64xf32>
    %dot_general3A_5 = tpu.matmul %get3A_1, %get3A_4, %dot_general3A {dimension_numbers = #tpu.dot_dimension_numbers<[1], [0], [0], [1], [0, 0, 1, 1], [], []>, transpose_lhs_hint = false} : vector<1000x128xf32>, vector<128x64xf32>, vector<1000x64xf32> -> vector<1000x64xf32>
    %swap3A = arith.constant 0 : index
    %swap3A_6 = arith.constant 0 : index
    %swap3A_7 = vector.load %arg5[%swap3A, %swap3A_6] : memref<1000x64xf32, #tpu.memory_space<vmem>>, vector<1000x64xf32>
    tpu.vector_store %arg5[%swap3A, %swap3A_6], %dot_general3A_5 {strides = array<i32>} : memref<1000x64xf32, #tpu.memory_space<vmem>>, vector<1000x64xf32>,
    %get3A_8 = arith.constant 0 : index
    %get3A_9 = arith.constant 0 : index
    %get3A_10 = vector.load %arg3[%get3A_8, %get3A_9] : memref<64x64xf32, #tpu.memory_space<vmem>>, vector<64x64xf32>
    %dot_general3A_11 = arith.constant dense<0.000000e+00> : vector<1000x64xf32>
    %dot_general3A_12 = tpu.matmul %dot_general3A_5, %get3A_10, %dot_general3A_11 {dimension_numbers = #tpu.dot_dimension_numbers<[1], [0], [0], [1], [0, 0, 1, 1], [], []>, transpose_lhs_hint = false} : vector<1000x64xf32>, vector<64x64xf32>, vector<1000x64xf32> -> vector<1000x64xf32>
    %get3A_13 = arith.constant 0 : index
    %get3A_14 = arith.constant 0 : index
    %get3A_15 = vector.load %arg4[%get3A_13, %get3A_14] : memref<64x64xf32, #tpu.memory_space<vmem>>, vector<64x64xf32>
    %dot_general3A_16 = arith.constant dense<0.000000e+00> : vector<1000x64xf32>
    %dot_general3A_17 = tpu.matmul %dot_general3A_5, %get3A_15, %dot_general3A_16 {dimension_numbers = #tpu.dot_dimension_numbers<[1], [0], [0], [1], [0, 0, 1, 1], [], []>, transpose_lhs_hint = false} : vector<1000x64xf32>, vector<64x64xf32>, vector<1000x64xf32> -> vector<1000x64xf32>
    %concatenate3A = tpu.concatenate %dot_general3A_12, %dot_general3A_17 in 1 : vector<1000x64xf32>, vector<1000x64xf32> -> vector<1000x128xf32>
    %swap3A_18 = arith.constant 0 : index
    %swap3A_19 = arith.constant 0 : index
    %swap3A_20 = vector.load %arg6[%swap3A_18, %swap3A_19] : memref<1000x128xf32, #tpu.memory_space<vmem>>, vector<1000x128xf32>
    tpu.vector_store %arg6[%swap3A_18, %swap3A_19], %concatenate3A {strides = array<i32>} : memref<1000x128xf32, #tpu.memory_space<vmem>>, vector<1000x128xf32>,
    return
  }
  func.func @transform_0(%arg0: i32) -> (i32, i32) {
    %c0_i32 = arith.constant 0 : i32
    %c0_i32_0 = arith.constant 0 : i32
    return %arg0, %c0_i32 : i32, i32
  }
  func.func @transform_1(%arg0: i32) -> (i32, i32) {
    %c0_i32 = arith.constant 0 : i32
    %c0_i32_0 = arith.constant 0 : i32
    %c0_i32_1 = arith.constant 0 : i32
    return %c0_i32, %c0_i32_0 : i32, i32
  }
  func.func @transform_2(%arg0: i32) -> (i32, i32) {
    %c0_i32 = arith.constant 0 : i32
    %c0_i32_0 = arith.constant 0 : i32
    %c0_i32_1 = arith.constant 0 : i32
    return %c0_i32, %c0_i32_0 : i32, i32
  }
  func.func @transform_3(%arg0: i32) -> (i32, i32) {
    %c0_i32 = arith.constant 0 : i32
    %c0_i32_0 = arith.constant 0 : i32
    %c0_i32_1 = arith.constant 0 : i32
    return %c0_i32, %c0_i32_0 : i32, i32
  }
  func.func @transform_4(%arg0: i32) -> (i32, i32) {
    %c0_i32 = arith.constant 0 : i32
    %c0_i32_0 = arith.constant 0 : i32
    return %arg0, %c0_i32 : i32, i32
  }
  func.func @transform_5(%arg0: i32) -> (i32, i32) {
    %c0_i32 = arith.constant 0 : i32
    %c0_i32_0 = arith.constant 0 : i32
    return %arg0, %c0_i32 : i32, i32
  }
}

module attributes {stable_mosaic.version = 14 : i64} {
  func.func @_update_body(%arg0: i32, %arg1: memref<1000x64xf32, #tpu.memory_space<vmem>>, %arg2: memref<2x1000x64xf32, #tpu.memory_space<vmem>>, %arg3: memref<64x64xf32, #tpu.memory_space<vmem>>, %arg4: memref<64x64xf32, #tpu.memory_space<vmem>>, %arg5: memref<64x64xf32, #tpu.memory_space<vmem>>, %arg6: memref<1x64xf32, #tpu.memory_space<vmem>>, %arg7: memref<64x64xf32, #tpu.memory_space<vmem>>, %arg8: memref<64x64xf32, #tpu.memory_space<vmem>>, %arg9: memref<1000x64xf32, #tpu.memory_space<vmem>>, %arg10: memref<1000x128xf32, #tpu.memory_space<vmem>>) attributes {dimension_semantics = [#tpu.dimension_semantics<arbitrary>], iteration_bounds = array<i64: 10>, scalar_prefetch = 0 : i64, scratch_operands = 0 : i64, tpu.core_type = #tpu.core_type<tc>, window_params = [{transform_indices = @transform_0, window_bounds = array<i64: 1000, 64>}, {transform_indices = @transform_1, window_bounds = array<i64: 2, 1000, 64>}, {pipeline_mode = #tpu.pipeline_mode<synchronous>, transform_indices = @transform_2, window_bounds = array<i64: 64, 64>}, {pipeline_mode = #tpu.pipeline_mode<synchronous>, transform_indices = @transform_3, window_bounds = array<i64: 64, 64>}, {pipeline_mode = #tpu.pipeline_mode<synchronous>, transform_indices = @transform_4, window_bounds = array<i64: 64, 64>}, {pipeline_mode = #tpu.pipeline_mode<synchronous>, transform_indices = @transform_5, window_bounds = array<i64: 1, 64>}, {pipeline_mode = #tpu.pipeline_mode<synchronous>, transform_indices = @transform_6, window_bounds = array<i64: 64, 64>}, {pipeline_mode = #tpu.pipeline_mode<synchronous>, transform_indices = @transform_7, window_bounds = array<i64: 64, 64>}, {transform_indices = @transform_8, window_bounds = array<i64: 1000, 64>}, {transform_indices = @transform_9, window_bounds = array<i64: 1000, 128>}]} {
    %get3A = arith.constant 0 : index
    %get3A_0 = arith.constant 0 : index
    %get3A_1 = vector.load %arg1[%get3A, %get3A_0] : memref<1000x64xf32, #tpu.memory_space<vmem>>, vector<1000x64xf32>
    %get3A_2 = arith.constant 0 : index
    %get3A_3 = arith.constant 0 : index
    %get3A_4 = arith.constant 0 : index
    %get3A_5 = vector.load %arg2[%get3A_2, %get3A_3, %get3A_4] : memref<2x1000x64xf32, #tpu.memory_space<vmem>>, vector<2x1000x64xf32>
    %slice3A = vector.extract_strided_slice %get3A_5 {offsets = [0, 0, 0], sizes = [1, 1000, 64], strides = [1, 1, 1]} : vector<2x1000x64xf32> to vector<1x1000x64xf32>
    %squeeze3A = vector.shape_cast %slice3A : vector<1x1000x64xf32> to vector<1000x64xf32>
    %slice3A_6 = vector.extract_strided_slice %get3A_5 {offsets = [1, 0, 0], sizes = [1, 1000, 64], strides = [1, 1, 1]} : vector<2x1000x64xf32> to vector<1x1000x64xf32>
    %squeeze3A_7 = vector.shape_cast %slice3A_6 : vector<1x1000x64xf32> to vector<1000x64xf32>
    %add3A = arith.addf %squeeze3A, %squeeze3A_7 : vector<1000x64xf32>
    %get3A_8 = arith.constant 0 : index
    %get3A_9 = arith.constant 0 : index
    %get3A_10 = vector.load %arg3[%get3A_8, %get3A_9] : memref<64x64xf32, #tpu.memory_space<vmem>>, vector<64x64xf32>
    %dot_general3A = arith.constant dense<0.000000e+00> : vector<1000x64xf32>
    %dot_general3A_11 = tpu.matmul %add3A, %get3A_10, %dot_general3A {dimension_numbers = #tpu.dot_dimension_numbers<[1], [0], [0], [1], [0, 0, 1, 1], [], []>, transpose_lhs_hint = false} : vector<1000x64xf32>, vector<64x64xf32>, vector<1000x64xf32> -> vector<1000x64xf32>
    %get3A_12 = arith.constant 0 : index
    %get3A_13 = arith.constant 0 : index
    %get3A_14 = vector.load %arg4[%get3A_12, %get3A_13] : memref<64x64xf32, #tpu.memory_space<vmem>>, vector<64x64xf32>
    %dot_general3A_15 = arith.constant dense<0.000000e+00> : vector<1000x64xf32>
    %dot_general3A_16 = tpu.matmul %get3A_1, %get3A_14, %dot_general3A_15 {dimension_numbers = #tpu.dot_dimension_numbers<[1], [0], [0], [1], [0, 0, 1, 1], [], []>, transpose_lhs_hint = false} : vector<1000x64xf32>, vector<64x64xf32>, vector<1000x64xf32> -> vector<1000x64xf32>
    %get3A_17 = arith.constant 0 : index
    %get3A_18 = arith.constant 0 : index
    %get3A_19 = vector.load %arg5[%get3A_17, %get3A_18] : memref<64x64xf32, #tpu.memory_space<vmem>>, vector<64x64xf32>
    %dot_general3A_20 = arith.constant dense<0.000000e+00> : vector<1000x64xf32>
    %dot_general3A_21 = tpu.matmul %dot_general3A_11, %get3A_19, %dot_general3A_20 {dimension_numbers = #tpu.dot_dimension_numbers<[1], [0], [0], [1], [0, 0, 1, 1], [], []>, transpose_lhs_hint = false} : vector<1000x64xf32>, vector<64x64xf32>, vector<1000x64xf32> -> vector<1000x64xf32>
    %add3A_22 = arith.addf %dot_general3A_16, %dot_general3A_21 : vector<1000x64xf32>
    %get3A_23 = arith.constant 0 : index
    %get3A_24 = arith.constant 0 : index
    %get3A_25 = vector.load %arg6[%get3A_23, %get3A_24] : memref<1x64xf32, #tpu.memory_space<vmem>>, vector<1x64xf32>
    %add3A_26 = vector.broadcast %get3A_25 : vector<1x64xf32> to vector<1000x64xf32>
    %add3A_27 = arith.addf %add3A_22, %add3A_26 : vector<1000x64xf32>
    %max3A = arith.constant 0.000000e+00 : f32
    %max3A_28 = vector.broadcast %max3A : f32 to vector<1000x64xf32>
    %max3A_29 = arith.maximumf %add3A_27, %max3A_28 : vector<1000x64xf32>
    %add3A_30 = arith.addf %get3A_1, %max3A_29 : vector<1000x64xf32>
    %swap3A = arith.constant 0 : index
    %swap3A_31 = arith.constant 0 : index
    %swap3A_32 = vector.load %arg9[%swap3A, %swap3A_31] : memref<1000x64xf32, #tpu.memory_space<vmem>>, vector<1000x64xf32>
    tpu.vector_store %arg9[%swap3A, %swap3A_31], %add3A_30 {strides = array<i32>} : memref<1000x64xf32, #tpu.memory_space<vmem>>, vector<1000x64xf32>,
    %get3A_33 = arith.constant 0 : index
    %get3A_34 = arith.constant 0 : index
    %get3A_35 = vector.load %arg7[%get3A_33, %get3A_34] : memref<64x64xf32, #tpu.memory_space<vmem>>, vector<64x64xf32>
    %dot_general3A_36 = arith.constant dense<0.000000e+00> : vector<1000x64xf32>
    %dot_general3A_37 = tpu.matmul %add3A_30, %get3A_35, %dot_general3A_36 {dimension_numbers = #tpu.dot_dimension_numbers<[1], [0], [0], [1], [0, 0, 1, 1], [], []>, transpose_lhs_hint = false} : vector<1000x64xf32>, vector<64x64xf32>, vector<1000x64xf32> -> vector<1000x64xf32>
    %get3A_38 = arith.constant 0 : index
    %get3A_39 = arith.constant 0 : index
    %get3A_40 = vector.load %arg8[%get3A_38, %get3A_39] : memref<64x64xf32, #tpu.memory_space<vmem>>, vector<64x64xf32>
    %dot_general3A_41 = arith.constant dense<0.000000e+00> : vector<1000x64xf32>
    %dot_general3A_42 = tpu.matmul %add3A_30, %get3A_40, %dot_general3A_41 {dimension_numbers = #tpu.dot_dimension_numbers<[1], [0], [0], [1], [0, 0, 1, 1], [], []>, transpose_lhs_hint = false} : vector<1000x64xf32>, vector<64x64xf32>, vector<1000x64xf32> -> vector<1000x64xf32>
    %concatenate3A = tpu.concatenate %dot_general3A_37, %dot_general3A_42 in 1 : vector<1000x64xf32>, vector<1000x64xf32> -> vector<1000x128xf32>
    %swap3A_43 = arith.constant 0 : index
    %swap3A_44 = arith.constant 0 : index
    %swap3A_45 = vector.load %arg10[%swap3A_43, %swap3A_44] : memref<1000x128xf32, #tpu.memory_space<vmem>>, vector<1000x128xf32>
    tpu.vector_store %arg10[%swap3A_43, %swap3A_44], %concatenate3A {strides = array<i32>} : memref<1000x128xf32, #tpu.memory_space<vmem>>, vector<1000x128xf32>,
    return
  }
  func.func @transform_0(%arg0: i32) -> (i32, i32) {
    %c0_i32 = arith.constant 0 : i32
    %c0_i32_0 = arith.constant 0 : i32
    return %arg0, %c0_i32 : i32, i32
  }
  func.func @transform_1(%arg0: i32) -> (i32, i32, i32) {
    %c0_i32 = arith.constant 0 : i32
    %c0_i32_0 = arith.constant 0 : i32
    %c0_i32_1 = arith.constant 0 : i32
    return %c0_i32, %arg0, %c0_i32_0 : i32, i32, i32
  }
  func.func @transform_2(%arg0: i32) -> (i32, i32) {
    %c0_i32 = arith.constant 0 : i32
    %c0_i32_0 = arith.constant 0 : i32
    %c0_i32_1 = arith.constant 0 : i32
    return %c0_i32, %c0_i32_0 : i32, i32
  }
  func.func @transform_3(%arg0: i32) -> (i32, i32) {
    %c0_i32 = arith.constant 0 : i32
    %c0_i32_0 = arith.constant 0 : i32
    %c0_i32_1 = arith.constant 0 : i32
    return %c0_i32, %c0_i32_0 : i32, i32
  }
  func.func @transform_4(%arg0: i32) -> (i32, i32) {
    %c0_i32 = arith.constant 0 : i32
    %c0_i32_0 = arith.constant 0 : i32
    %c0_i32_1 = arith.constant 0 : i32
    return %c0_i32, %c0_i32_0 : i32, i32
  }
  func.func @transform_5(%arg0: i32) -> (i32, i32) {
    %c0_i32 = arith.constant 0 : i32
    %c0_i32_0 = arith.constant 0 : i32
    %c0_i32_1 = arith.constant 0 : i32
    return %c0_i32, %c0_i32_0 : i32, i32
  }
  func.func @transform_6(%arg0: i32) -> (i32, i32) {
    %c0_i32 = arith.constant 0 : i32
    %c0_i32_0 = arith.constant 0 : i32
    %c0_i32_1 = arith.constant 0 : i32
    return %c0_i32, %c0_i32_0 : i32, i32
  }
  func.func @transform_7(%arg0: i32) -> (i32, i32) {
    %c0_i32 = arith.constant 0 : i32
    %c0_i32_0 = arith.constant 0 : i32
    %c0_i32_1 = arith.constant 0 : i32
    return %c0_i32, %c0_i32_0 : i32, i32
  }
  func.func @transform_8(%arg0: i32) -> (i32, i32) {
    %c0_i32 = arith.constant 0 : i32
    %c0_i32_0 = arith.constant 0 : i32
    return %arg0, %c0_i32 : i32, i32
  }
  func.func @transform_9(%arg0: i32) -> (i32, i32) {
    %c0_i32 = arith.constant 0 : i32
    %c0_i32_0 = arith.constant 0 : i32
    return %arg0, %c0_i32 : i32, i32
  }
}

module attributes {stable_mosaic.version = 14 : i64} {
  func.func @_final_body(%arg0: i32, %arg1: memref<1000x64xf32, #tpu.memory_space<vmem>>, %arg2: memref<2x1000x64xf32, #tpu.memory_space<vmem>>, %arg3: memref<64x64xf32, #tpu.memory_space<vmem>>, %arg4: memref<64x64xf32, #tpu.memory_space<vmem>>, %arg5: memref<64x64xf32, #tpu.memory_space<vmem>>, %arg6: memref<1x64xf32, #tpu.memory_space<vmem>>, %arg7: memref<1x64xf32, #tpu.memory_space<vmem>>, %arg8: memref<1x128xf32, #tpu.memory_space<vmem>>, %arg9: memref<1x64xf32, #tpu.memory_space<vmem>>) attributes {dimension_semantics = [#tpu.dimension_semantics<arbitrary>], iteration_bounds = array<i64: 10>, scalar_prefetch = 0 : i64, scratch_operands = 1 : i64, tpu.core_type = #tpu.core_type<tc>, window_params = [{transform_indices = @transform_0, window_bounds = array<i64: 1000, 64>}, {transform_indices = @transform_1, window_bounds = array<i64: 2, 1000, 64>}, {pipeline_mode = #tpu.pipeline_mode<synchronous>, transform_indices = @transform_2, window_bounds = array<i64: 64, 64>}, {pipeline_mode = #tpu.pipeline_mode<synchronous>, transform_indices = @transform_3, window_bounds = array<i64: 64, 64>}, {pipeline_mode = #tpu.pipeline_mode<synchronous>, transform_indices = @transform_4, window_bounds = array<i64: 64, 64>}, {pipeline_mode = #tpu.pipeline_mode<synchronous>, transform_indices = @transform_5, window_bounds = array<i64: 1, 64>}, {pipeline_mode = #tpu.pipeline_mode<synchronous>, transform_indices = @transform_6, window_bounds = array<i64: 1, 64>}, {pipeline_mode = #tpu.pipeline_mode<synchronous>, transform_indices = @transform_7, window_bounds = array<i64: 1, 128>}]} {
    %get3A = arith.constant 0 : index
    %get3A_0 = arith.constant 0 : index
    %get3A_1 = vector.load %arg1[%get3A, %get3A_0] : memref<1000x64xf32, #tpu.memory_space<vmem>>, vector<1000x64xf32>
    %get3A_2 = arith.constant 0 : index
    %get3A_3 = arith.constant 0 : index
    %get3A_4 = arith.constant 0 : index
    %get3A_5 = vector.load %arg2[%get3A_2, %get3A_3, %get3A_4] : memref<2x1000x64xf32, #tpu.memory_space<vmem>>, vector<2x1000x64xf32>
    %slice3A = vector.extract_strided_slice %get3A_5 {offsets = [0, 0, 0], sizes = [1, 1000, 64], strides = [1, 1, 1]} : vector<2x1000x64xf32> to vector<1x1000x64xf32>
    %squeeze3A = vector.shape_cast %slice3A : vector<1x1000x64xf32> to vector<1000x64xf32>
    %slice3A_6 = vector.extract_strided_slice %get3A_5 {offsets = [1, 0, 0], sizes = [1, 1000, 64], strides = [1, 1, 1]} : vector<2x1000x64xf32> to vector<1x1000x64xf32>
    %squeeze3A_7 = vector.shape_cast %slice3A_6 : vector<1x1000x64xf32> to vector<1000x64xf32>
    %add3A = arith.addf %squeeze3A, %squeeze3A_7 : vector<1000x64xf32>
    %get3A_8 = arith.constant 0 : index
    %get3A_9 = arith.constant 0 : index
    %get3A_10 = vector.load %arg3[%get3A_8, %get3A_9] : memref<64x64xf32, #tpu.memory_space<vmem>>, vector<64x64xf32>
    %dot_general3A = arith.constant dense<0.000000e+00> : vector<1000x64xf32>
    %dot_general3A_11 = tpu.matmul %add3A, %get3A_10, %dot_general3A {dimension_numbers = #tpu.dot_dimension_numbers<[1], [0], [0], [1], [0, 0, 1, 1], [], []>, transpose_lhs_hint = false} : vector<1000x64xf32>, vector<64x64xf32>, vector<1000x64xf32> -> vector<1000x64xf32>
    %get3A_12 = arith.constant 0 : index
    %get3A_13 = arith.constant 0 : index
    %get3A_14 = vector.load %arg4[%get3A_12, %get3A_13] : memref<64x64xf32, #tpu.memory_space<vmem>>, vector<64x64xf32>
    %dot_general3A_15 = arith.constant dense<0.000000e+00> : vector<1000x64xf32>
    %dot_general3A_16 = tpu.matmul %get3A_1, %get3A_14, %dot_general3A_15 {dimension_numbers = #tpu.dot_dimension_numbers<[1], [0], [0], [1], [0, 0, 1, 1], [], []>, transpose_lhs_hint = false} : vector<1000x64xf32>, vector<64x64xf32>, vector<1000x64xf32> -> vector<1000x64xf32>
    %get3A_17 = arith.constant 0 : index
    %get3A_18 = arith.constant 0 : index
    %get3A_19 = vector.load %arg5[%get3A_17, %get3A_18] : memref<64x64xf32, #tpu.memory_space<vmem>>, vector<64x64xf32>
    %dot_general3A_20 = arith.constant dense<0.000000e+00> : vector<1000x64xf32>
    %dot_general3A_21 = tpu.matmul %dot_general3A_11, %get3A_19, %dot_general3A_20 {dimension_numbers = #tpu.dot_dimension_numbers<[1], [0], [0], [1], [0, 0, 1, 1], [], []>, transpose_lhs_hint = false} : vector<1000x64xf32>, vector<64x64xf32>, vector<1000x64xf32> -> vector<1000x64xf32>
    %add3A_22 = arith.addf %dot_general3A_16, %dot_general3A_21 : vector<1000x64xf32>
    %get3A_23 = arith.constant 0 : index
    %get3A_24 = arith.constant 0 : index
    %get3A_25 = vector.load %arg6[%get3A_23, %get3A_24] : memref<1x64xf32, #tpu.memory_space<vmem>>, vector<1x64xf32>
    %add3A_26 = vector.broadcast %get3A_25 : vector<1x64xf32> to vector<1000x64xf32>
    %add3A_27 = arith.addf %add3A_22, %add3A_26 : vector<1000x64xf32>
    %max3A = arith.constant 0.000000e+00 : f32
    %max3A_28 = vector.broadcast %max3A : f32 to vector<1000x64xf32>
    %max3A_29 = arith.maximumf %add3A_27, %max3A_28 : vector<1000x64xf32>
    %add3A_30 = arith.addf %get3A_1, %max3A_29 : vector<1000x64xf32>
    %reduce_sum3A = arith.constant dense<0.000000e+00> : vector<64xf32>
    %reduce_sum3A_31 = vector.multi_reduction <add>, %add3A_30, %reduce_sum3A [0] : vector<1000x64xf32> to vector<64xf32>
    %broadcast_in_dim3A = vector.shape_cast %reduce_sum3A_31 : vector<64xf32> to vector<1x64xf32>
    %eq3A = arith.constant 0 : i32
    %eq3A_32 = arith.cmpi eq, %arg0, %eq3A : i32
    %convert_element_type3A = arith.extui %eq3A_32 : i1 to i32
    %cond3A = arith.constant 0 : i32
    %cond3A_33 = arith.cmpi ne, %convert_element_type3A, %cond3A : i32
    scf.if %cond3A_33 {
      %swap3A = arith.constant 0 : index
      %swap3A_43 = arith.constant 0 : index
      %swap3A_44 = vector.load %arg9[%swap3A, %swap3A_43] : memref<1x64xf32, #tpu.memory_space<vmem>>, vector<1x64xf32>
      tpu.vector_store %arg9[%swap3A, %swap3A_43], %broadcast_in_dim3A {strides = array<i32>} : memref<1x64xf32, #tpu.memory_space<vmem>>, vector<1x64xf32>,
    } else {
    }
    %gt3A = arith.constant 0 : i32
    %gt3A_34 = arith.cmpi sgt, %arg0, %gt3A : i32
    %convert_element_type3A_35 = arith.extui %gt3A_34 : i1 to i32
    %cond3A_36 = arith.constant 0 : i32
    %cond3A_37 = arith.cmpi ne, %convert_element_type3A_35, %cond3A_36 : i32
    scf.if %cond3A_37 {
      %get3A_43 = arith.constant 0 : index
      %get3A_44 = arith.constant 0 : index
      %get3A_45 = vector.load %arg9[%get3A_43, %get3A_44] : memref<1x64xf32, #tpu.memory_space<vmem>>, vector<1x64xf32>
      %add3A_46 = arith.addf %get3A_45, %broadcast_in_dim3A : vector<1x64xf32>
      %swap3A = arith.constant 0 : index
      %swap3A_47 = arith.constant 0 : index
      %swap3A_48 = vector.load %arg9[%swap3A, %swap3A_47] : memref<1x64xf32, #tpu.memory_space<vmem>>, vector<1x64xf32>
      tpu.vector_store %arg9[%swap3A, %swap3A_47], %add3A_46 {strides = array<i32>} : memref<1x64xf32, #tpu.memory_space<vmem>>, vector<1x64xf32>,
    } else {
    }
    %eq3A_38 = arith.constant 9 : i32
    %eq3A_39 = arith.cmpi eq, %arg0, %eq3A_38 : i32
    %convert_element_type3A_40 = arith.extui %eq3A_39 : i1 to i32
    %cond3A_41 = arith.constant 0 : i32
    %cond3A_42 = arith.cmpi ne, %convert_element_type3A_40, %cond3A_41 : i32
    scf.if %cond3A_42 {
      %get3A_43 = arith.constant 0 : index
      %get3A_44 = arith.constant 0 : index
      %get3A_45 = vector.load %arg9[%get3A_43, %get3A_44] : memref<1x64xf32, #tpu.memory_space<vmem>>, vector<1x64xf32>
      %mul3A = arith.constant 9.99999974E-5 : f32
      %mul3A_46 = vector.broadcast %mul3A : f32 to vector<1x64xf32>
      %mul3A_47 = arith.mulf %get3A_45, %mul3A_46 : vector<1x64xf32>
      %get3A_48 = arith.constant 0 : index
      %get3A_49 = arith.constant 0 : index
      %get3A_50 = vector.load %arg7[%get3A_48, %get3A_49] : memref<1x64xf32, #tpu.memory_space<vmem>>, vector<1x64xf32>
      %mul3A_51 = arith.mulf %mul3A_47, %get3A_50 : vector<1x64xf32>
      %reduce_sum3A_52 = arith.constant dense<0.000000e+00> : vector<1xf32>
      %reduce_sum3A_53 = vector.multi_reduction <add>, %mul3A_51, %reduce_sum3A_52 [1] : vector<1x64xf32> to vector<1xf32>
      %broadcast_in_dim3A_54 = vector.shape_cast %reduce_sum3A_53 : vector<1xf32> to vector<1x1xf32>
      %tanh3A = math.tanh %broadcast_in_dim3A_54 : vector<1x1xf32>
      %broadcast_in_dim3A_55 = vector.shape_cast %tanh3A : vector<1x1xf32> to vector<1x1xf32>
      %broadcast_in_dim3A_56 = vector.broadcast %broadcast_in_dim3A_55 : vector<1x1xf32> to vector<1x128xf32>
      %swap3A = arith.constant 0 : index
      %swap3A_57 = arith.constant 0 : index
      %swap3A_58 = vector.load %arg8[%swap3A, %swap3A_57] : memref<1x128xf32, #tpu.memory_space<vmem>>, vector<1x128xf32>
      tpu.vector_store %arg8[%swap3A, %swap3A_57], %broadcast_in_dim3A_56 {strides = array<i32>} : memref<1x128xf32, #tpu.memory_space<vmem>>, vector<1x128xf32>,
    } else {
    }
    return
  }
  func.func @transform_0(%arg0: i32) -> (i32, i32) {
    %c0_i32 = arith.constant 0 : i32
    %c0_i32_0 = arith.constant 0 : i32
    return %arg0, %c0_i32 : i32, i32
  }
  func.func @transform_1(%arg0: i32) -> (i32, i32, i32) {
    %c0_i32 = arith.constant 0 : i32
    %c0_i32_0 = arith.constant 0 : i32
    %c0_i32_1 = arith.constant 0 : i32
    return %c0_i32, %arg0, %c0_i32_0 : i32, i32, i32
  }
  func.func @transform_2(%arg0: i32) -> (i32, i32) {
    %c0_i32 = arith.constant 0 : i32
    %c0_i32_0 = arith.constant 0 : i32
    %c0_i32_1 = arith.constant 0 : i32
    return %c0_i32, %c0_i32_0 : i32, i32
  }
  func.func @transform_3(%arg0: i32) -> (i32, i32) {
    %c0_i32 = arith.constant 0 : i32
    %c0_i32_0 = arith.constant 0 : i32
    %c0_i32_1 = arith.constant 0 : i32
    return %c0_i32, %c0_i32_0 : i32, i32
  }
  func.func @transform_4(%arg0: i32) -> (i32, i32) {
    %c0_i32 = arith.constant 0 : i32
    %c0_i32_0 = arith.constant 0 : i32
    %c0_i32_1 = arith.constant 0 : i32
    return %c0_i32, %c0_i32_0 : i32, i32
  }
  func.func @transform_5(%arg0: i32) -> (i32, i32) {
    %c0_i32 = arith.constant 0 : i32
    %c0_i32_0 = arith.constant 0 : i32
    %c0_i32_1 = arith.constant 0 : i32
    return %c0_i32, %c0_i32_0 : i32, i32
  }
  func.func @transform_6(%arg0: i32) -> (i32, i32) {
    %c0_i32 = arith.constant 0 : i32
    %c0_i32_0 = arith.constant 0 : i32
    %c0_i32_1 = arith.constant 0 : i32
    return %c0_i32, %c0_i32_0 : i32, i32
  }
  func.func @transform_7(%arg0: i32) -> (i32, i32) {
    %c0_i32 = arith.constant 0 : i32
    %c0_i32_0 = arith.constant 0 : i32
    %c0_i32_1 = arith.constant 0 : i32
    return %c0_i32, %c0_i32_0 : i32, i32
  }
}

</mosaic_0001>

<sc_bundles>
// kernel: kernel.10.cloned.1.call-start
scs
__scs_entry_jumppad:
0x0: {  	(pc) =	sbr.rel $0x88, $3  }
0x1: {  	(tag) =	ssettag $0x0;
	lr =	simm.s32 $0x1  }
0x2: {  	[smem:$0x3F97] =	sst lr;
	_ =	strace $0xD0000000  }
0x3: {  	_ = 	snop  }
0x4: {  	_ = 	snop  }
0x5: {  	_ = 	snop  }
0x6: {  	_ = 	snop  }
0x7: {  	_ = 	snop  }
__scs_overlays_trampoline_lowered:
0x8: {  	[smem:$0x3FA6] =	sst s0  }
0x9: {  	[smem:$0x3FA7] =	sst s1  }
0xa: {  	[smem:$0x3FA8] =	sst s2  }
0xb: {  	[smem:$0x3FA9] =	sst s3  }
0xc: {  	[smem:$0x3FAA] =	sst s4  }
0xd: {  	[smem:$0x3FAB] =	sst s5  }
0xe: {  	[smem:$0x3FAC] =	sst s6  }
0xf: {  	[smem:$0x3FAD] =	sst s7  }
0x10: {  	[smem:$0x3FAE] =	sst s8  }
0x11: {  	[smem:$0x3FAF] =	sst s9;
	s0 =	simm.s32 @!p0 $0x0  }
0x12: {  	s1 =	sld [smem:$0x3F95];
	s0 =	simm.s32 @p0 $0x1  }
0x13: {  	[smem:$0x3FB0] =	sst s0;
	s0 =	simm.s32 @!p1 $0x0  }
0x14: {  	s2 =	sld [smem:$0x3F94];
	s0 =	simm.s32 @p1 $0x1  }
0x15: {  	[smem:$0x3FB1] =	sst s0;
	s0 =	simm.s32 @!p2 $0x0  }
0x16: {  	s3 =	sld [smem:$0x3FDB];
	s0 =	simm.s32 @p2 $0x1  }
0x17: {  	s4 =	simm.s32 $0x1BF5;
	[smem:$0x3FB3] =	sst s0  }
0x18: {  	s0 =	sld [smem:$0x3F96];
	_ =	swait.ge [sflag:s4], $0x0  }
0x19: {  	s7 =	sld [smem:$0x3F97]  }
0x1a: {  	s8 =	sadd.s32 $0xFFFFE003, lr  }
0x1b: {  	s9 =	sadd.s32 $0xFFFFFEF7, lr;
	s5 =	simm.s32 $0xFFFFFFFF;
	p2 =	slt.u32 s8, $0xFFFFF086  }
0x1c: {  	p1 =	slt.u32 s9, $0xF7A;
	s5 =	simm.s32 @!p2 $0x0  }
0x1d: {  	s5 =	simm.s32 @p1 $0x1;
	p0 =	seq.s32 s7, s2  }
0x1e: {  	s7 =	smul.u32 @!p0 $0xF7A, s2;
	p2 =	seq.s32 @!p0 s5, $0x0  }
0x1f: {  	s9 =	smul.u32 $0xF7A, s1;
	s8 =	simm.s32 @!p0 $0x1BF5;
	p2 =	por !p2, p0  }
0x20: {  	[sflag:s8] =	ssyncset.s32 @!p0 $0xFFFFF086;
	s6 =	sadd.s32 @!p0 s3, s7;
	s7 =	simm.s32 @!p0 $0x108  }
0x21: {  	s3 =	sadd.s32 s3, s9;
	s6 =	sadd.s32 @!p0 $0x88, s6;
	s7 =	simm.s32 @p2 $0x1082  }
0x22: {  	[simem:s7], [sflag:s8] =	dma.local @!p0 [hbm:s6], $0xF7A  }
0x23: {  	s9 =	sor.u32 $0xD0000000, s2;
	s6 =	simm.s32 $0x108;
	_ =	swait.ge @!p0 [sflag:s8], $0x0  }
0x24: {  	s3 =	sadd.s32 $0x88, s3;
	s6 =	simm.s32 @!p1 $0x1082;
	[sflag:s4] =	ssyncset.s32 $0xFFFFF086  }
0x25: {  	[simem:s6], [sflag:s4] =	dma.local [hbm:s3], $0xF7A  }
0x26: {  	[smem:$0x3F97] =	sst s1;
	(tag) =	ssettag s2;
	_ =	strace s9  }
0x27: {  	s1 =	sld [smem:$0x3FA7]  }
0x28: {  	s2 =	sld [smem:$0x3FA8]  }
0x29: {  	s4 =	sld [smem:$0x3FAA]  }
0x2a: {  	p0 =	seq.s32 s5, $0x0;
	s5 =	sld [smem:$0x3FAB]  }
0x2b: {  	s6 =	sld [smem:$0x3FAC]  }
0x2c: {  	s7 =	sld [smem:$0x3FAD]  }
0x2d: {  	s3 =	simm.s32 $0x108;
	s8 =	sld [smem:$0x3FAE]  }
0x2e: {  	s3 =	simm.s32 @!p0 $0x1082;
	s9 =	sld [smem:$0x3FAF]  }
0x2f: {  	lr =	sadd.s32 s0, s3;
	s0 =	sld [smem:$0x3FA6]  }
0x30: {  	s3 =	sld [smem:$0x3FA9]  }
0x31: {  	[smem:$0x3FB2] =	sst s10  }
0x32: {  	s10 =	sld [smem:$0x3FB0];
	_ =	sdelay $0x3  }
0x33: {  	p0 =	seq.s32 s10, $0x1;
	s10 =	sld [smem:$0x3FB2];
	_ =	sdelay $0x3  }
0x34: {  	[smem:$0x3FB2] =	sst s10  }
0x35: {  	s10 =	sld [smem:$0x3FB1];
	_ =	sdelay $0x3  }
0x36: {  	p1 =	seq.s32 s10, $0x1;
	s10 =	sld [smem:$0x3FB2];
	_ =	sdelay $0x3  }
0x37: {  	[smem:$0x3FB2] =	sst s10  }
0x38: {  	s10 =	sld [smem:$0x3FB3]  }
0x39: {  	_ = 	snop;
	(pc) =	sbr.ind lr, $3  }
0x3a: {  	_ = 	snop  }
0x3b: {  	_ = 	snop  }
0x3c: {  	p2 =	seq.s32 s10, $0x1;
	s10 =	sld [smem:$0x3FB2]  }
0x3d: {  	_ =	shalt  }
0x3e: {  	_ =	shalt  }
0x3f: {  	_ =	shalt  }
0x40: {  	_ =	shalt  }
0x41: {  	_ =	shalt  }
0x42: {  	_ =	shalt  }
0x43: {  	_ =	shalt  }
0x44: {  	_ =	shalt  }
0x45: {  	_ =	shalt  }
0x46: {  	_ =	shalt  }
0x47: {  	_ =	shalt  }
0x48: {  	_ =	shalt  }
0x49: {  	_ =	shalt  }
0x4a: {  	_ =	shalt  }
0x4b: {  	_ =	shalt  }
0x4c: {  	_ =	shalt  }
0x4d: {  	_ =	shalt  }
0x4e: {  	_ =	shalt  }
0x4f: {  	_ =	shalt  }
0x50: {  	_ =	shalt  }
0x51: {  	_ =	shalt  }
0x52: {  	_ =	shalt  }
0x53: {  	_ =	shalt  }
0x54: {  	_ =	shalt  }
0x55: {  	_ =	shalt  }
0x56: {  	_ =	shalt  }
0x57: {  	_ =	shalt  }
0x58: {  	_ =	shalt  }
0x59: {  	_ =	shalt  }
0x5a: {  	_ =	shalt  }
0x5b: {  	_ =	shalt  }
0x5c: {  	_ =	shalt  }
0x5d: {  	_ =	shalt  }
0x5e: {  	_ =	shalt  }
0x5f: {  	_ =	shalt  }
0x60: {  	_ =	shalt  }
0x61: {  	_ =	shalt  }
0x62: {  	_ =	shalt  }
0x63: {  	_ =	shalt  }
0x64: {  	_ =	shalt  }
0x65: {  	_ =	shalt  }
0x66: {  	_ =	shalt  }
0x67: {  	_ =	shalt  }
0x68: {  	_ =	shalt  }
0x69: {  	_ =	shalt  }
0x6a: {  	_ =	shalt  }
0x6b: {  	_ =	shalt  }
0x6c: {  	_ =	shalt  }
0x6d: {  	_ =	shalt  }
0x6e: {  	_ =	shalt  }
0x6f: {  	_ =	shalt  }
0x70: {  	_ =	shalt  }
0x71: {  	_ =	shalt  }
0x72: {  	_ =	shalt  }
0x73: {  	_ =	shalt  }
0x74: {  	_ =	shalt  }
0x75: {  	_ =	shalt  }
0x76: {  	_ =	shalt  }
0x77: {  	_ =	shalt  }
0x78: {  	_ =	shalt  }
0x79: {  	_ =	shalt  }
0x7a: {  	_ =	shalt  }
0x7b: {  	_ =	shalt  }
0x7c: {  	_ =	shalt  }
0x7d: {  	_ =	shalt  }
0x7e: {  	_ =	shalt  }
0x7f: {  	_ =	shalt  }
0x80: {  	_ =	shalt  }
0x81: {  	_ =	shalt  }
0x82: {  	_ =	shalt  }
0x83: {  	_ =	shalt  }
0x84: {  	_ =	shalt  }
0x85: {  	_ =	shalt  }
0x86: {  	_ =	shalt  }
0x87: {  	_ =	shalt  }
.Lfunc_end0:
.L_simem_size_0:
called_computation_lowered:
.L_overlay_start_0:
0x88: {  	s2 =	sld [smem:$0x3FD9]  }
0x89: {  	s3 =	sld [smem:$0x3FFE];
	_ =	sdelay $0x1  }
0x8a: {  	s1 =	srdreg.scid  }
0x8b: {  	s0 =	sand.u32 $0x1, s1  }
0x8c: {  	s16 =	sshll.u32 s0, $0xA;
	s2 =	sadd.s32 s3, s2  }
0x8d: {  	s2 =	sadd.s32 s2, s16  }
0x8e: {  	[smem:$0x3FBE] =	sst s2  }
0x8f: {  	_ = 	snop  }
0x90: {  	(tm) =	ssettm $0x1  }
0x91: {  	s17 =	sld [smem:$0x3FFB];
	_ =	sdelay $0x3  }
0x92: {  	_ =	strace s17  }
0x93: {  	s2 =	sld [smem:$0x3FFC];
	_ =	sdelay $0x3  }
0x94: {  	_ =	strace s2  }
0x95: {  	s2 =	sld [smem:$0x3FFD];
	_ =	sdelay $0x3  }
0x96: {  	_ =	strace s2  }
0x97: {  	_ =	strace $0x8FFFFFFF  }
0x98: {  	s18 =	sld [smem:$0x3FDB];
	_ =	sdelay $0x1  }
0x99: {  	s19 =	simm.s32 $_scs_section_size  }
0x9a: {  	s4 =	simm.s32 $_size__tile_overlayer_lowered;
	s5 =	simm.s32 $_tile_overlayer_lowered  }
0x9b: {  	s22 =	simm.s32 $0x1BFF;
	s21 =	sshll.u32 s5, $0x1;
	s2 =	sadd.s32 s19, s18  }
0x9c: {  	s6 =	simm.s32 $0x0;
	s20 =	sshll.u32 s4, $0x1;
	s4 =	sadd.s32 s21, s2  }
0x9d: {  	[timem:s6], [sflag:s22] =	dma.local [hbm:s4], s20  }
0x9e: {  	_ =	swait.ge [sflag:s22], s20  }
0x9f: {  	s3 =	ssub.s32 $0x0, s20;
	[sflag:s22] =	ssyncset.done $0x0  }
0xa0: {  	[sflag:s22] =	ssyncadd.s32 s3;
	_ =	sdelay $0x1  }
0xa1: {  	s23 =	simm.s32 $0x1B8B  }
0xa2: {  	_ =	swait.ge [sflag:s23], $0x1  }
0xa3: {  	[sflag:s23] =	ssyncset.done $0x0  }
0xa4: {  	s25 =	simm.s32 $0x1B8E;
	s24 =	sld [smem:$0x3FFE];
	[sflag:s23] =	ssyncadd.s32 $0xFFFFFFFF  }
0xa5: {  	s26 =	simm.s32 $execute0_lowered;
	[smem:$0x3FD2] =	sst s25  }
0xa6: {  	s4 =	sshll.u32 s26, $0x1;
	_ =	strace $0x80000046;
	[dreg:$0x1] =	wrdreg $0xFFFFFFFF  }
0xa7: {  	s28 =	simm.s32 $_size_execute0_lowered;
	s2 =	sadd.s32 s2, s4;
	[dreg:$0x0] =	wrdreg $0x0  }
0xa8: {  	s4 =	sshll.u32 s28, $0x1;
	[dreg:$0x2] =	wrdreg s2  }
0xa9: {  	[dreg:$0x3] =	wrdreg s4  }
0xaa: {  	[dreg:$0x4] =	wrdreg $0xC0  }
0xab: {  	_ =	task [dreg:s6], $0x5FFFF  }
0xac: {  	[dreg:$0x1] =	wrdreg $0xFFFFFFFF  }
0xad: {  	[dreg:$0x0] =	wrdreg $0x60  }
0xae: {  	[dreg:$0x2] =	wrdreg s24  }
0xaf: {  	[dreg:$0x3] =	wrdreg $0x1D000  }
0xb0: {  	[dreg:$0x4] =	wrdreg $0x9  }
0xb1: {  	_ =	task.clear_ibuf [dreg:s6], $0x5FFFF;
	_ =	strace $0x90000046  }
0xb2: {  	s29 =	simm.s32 $0x9;
	_ =	strace $0x80000048  }
0xb3: {  	_ =	swait.ge [sflag:s29], $0x1  }
0xb4: {  	[sflag:s29] =	ssyncadd.s32 $0xFFFFFFFF  }
0xb5: {  	_ =	strace $0x90000048  }
0xb6: {  	_ =	sfence  }
0xb7: {  	s30 =	sld [smem:$0x0];
	_ =	sdelay $0x2  }
0xb8: {  	s31 =	sshll.u32 s1, $0xD;
	s1 =	sshrl.u32 s1, $0x2  }
0xb9: {  	s3 =	sand.u32 $0x4000, s31;
	s1 =	sadd.s32 s1, s30  }
0xba: {  	s0 =	sor.u32 s3, s0;
	s1 =	sshll.u32 s1, $0x11  }
0xbb: {  	s0 =	sor.u32 s1, s0  }
0xbc: {  	s0 =	sadd.s32 $0x8F2B, s0  }
0xbd: {  	[sflag:s0] =	ssyncadd.remote.s32 $0x1  }
0xbe: {  	_ =	sfence.sel $0xFFFF  }
0xbf: {  	[dreg:$0x0] =	wrdreg $0xFFFFFFFF;
	(pc) =	sbr.abs _section_cstart, $3  }
0xc0: {  	[dreg:$0x1] =	wrdreg $0xFFFFFFFF  }
0xc1: {  	_ =	task.clear_ibuf [dreg:s6], $0x2FFFF;
	_ =	strace $0x9FFFFFFF  }
0xc2: {  	(tm) =	ssettm $0x7FFFFFFF  }
0xc3: {  	_ =	shalt  }
tec
execute0_lowered:
.L_overlay_start_1:
0x0: {  	(tag) =	ssettag $0x1  }
0x1: {  	s0 =	rddreg [dreg:$0x0]  }
0x2: {  	s1 =	rddreg [dreg:$0x1];
	s3 =	simm.s32 $0x0  }
0x3: {  	s18 =	stileid.u32;
	s2 =	srdreg.scid;
	s19 =	simm.s32 $0x1100  }
0x4: {  	s20 =	simm.s32 $0x1;
	s21 =	simm.s32 $0x2;
	s22 =	simm.s32 $0x3  }
0x5: {  	s23 =	simm.s32 $0x10;
	s24 =	simm.s32 $0x100;
	s25 =	simm.s32 $0x900  }
0x6: {  	s28 =	simm.s32 $0x1500;
	s29 =	simm.s32 $0x5;
	[smem:$0x7FF] =	sst s3  }
0x7: {  	s4 =	sadd.s32 $0x28A000, s0;
	s5 =	sadd.s32 $0x19000, s0;
	s9 =	smul.u32 $0x2780, s18  }
0x8: {  	s2 =	sand.u32 $0x1, s2;
	s6 =	sadd.s32 $0xF200, s0;
	s13 =	smul.u32 $0x4F000, s18  }
0x9: {  	s7 =	sshll.u32 s18, $0x1;
	s14 =	sadd.s32 $0x2D8400, s0;
	s16 =	sadd.s32 $0x128400, s1  }
0xa: {  	s30 =	smul.u32 $0x13C00, s18;
	p0 =	seq.s32 s18, $0xF;
	_ =	strace $0x80000047  }
0xb: {  	s11 =	sor.u32 s2, s7;
	s10 =	ssub.s32 $0x2, s2;
	s2 =	smul.u32 $0x138800, s2  }
0xc: {  	s7 =	sadd.s32 $0x5400, s0;
	s8 =	smul.u32 $0x2710, s11;
	s9 =	sadd.s32 s9, s0  }
0xd: {  	s12 =	sshrl.u32 s10, $0x1;
	s26 =	sshrl.u32 s13, $0x2;
	s11 =	smul.u32 $0x271, s11  }
0xe: {  	s15 =	ssub.s32 s10, s12;
	s9 =	sadd.s32 $0x2B1200, s9;
	s17 =	sadd.s32 s26, s1  }
0xf: {  	s10 =	sadd.s32 $0x2D6280, s0;
	s31 =	sadd.s32 s30, s2;
	s2 =	sshrl.u32 s2, $0x3  }
0x10: {  	s26 =	simm.s32 $0x4;
	[dreg:$0x3] =	wrdreg s9;
	s0 =	sshrl.u32 s31, $0x3  }
0x11: {  	s2 =	sadd.s32 s14, s2;
	s17 =	sshrl.u32 @!p0 s17, $0x3;
	s12 =	sadd.s32 s14, s0  }
0x12: {  	s13 =	sadd.s32 $0x25080, s2;
	s0 =	sshll.u32 @!p0 s18, $0x6;
	s14 =	smax.u32 s15, $0x1  }
0x13: {  	s15 =	sshrl.u32 @p0 s16, $0x3;
	s18 =	simm.s32 $0x80;
	s16 =	sor.u32 @!p0 $0x1C05, s0  }
.LBB2_1:
0x14: {  	s0 =	simm.s32 @p0 $0x1FC5  }
0x15: {  	[spmem:s15], [sflag:s0] =	dma.local @p0 [hbm:s10], $0x2080  }
0x16: {  	s0 =	simm.s32 @p0 $0x5  }
0x17: {  	_ =	swait.ge @p0 [sflag:s0], $0x2080  }
0x18: {  	[sflag:s0] =	ssyncset.done @p0 $0x0  }
0x19: {  	[sflag:s0] =	ssyncadd.s32 @p0 $0xFFFFDF80;
	s0 =	rddreg [dreg:$0x3]  }
0x1a: {  	[spmem:s17], [sflag:s16] =	dma.local @!p0 [hbm:s0], $0x2780  }
0x1b: {  	s0 =	simm.s32 @!p0 $0x5  }
0x1c: {  	_ =	swait.ge @!p0 [sflag:s0], $0x2780  }
0x1d: {  	[sflag:s0] =	ssyncset.done @!p0 $0x0  }
0x1e: {  	[sflag:s0] =	ssyncadd.s32 @!p0 $0xFFFFD880  }
0x1f: {  	s30 =	simm.s32 $0x0;
	[bflag:$0x0] =	sbarrier.arrive $0xFFFF  }
.LBB2_2:
0x20: {  	s0 =	sshll.u32 s30, $0x4  }
0x21: {  	s0 =	sadd.s32 s8, s0  }
0x22: {  	s0 =	sshrl.u32 s0, $0x3  }
0x23: {  	s9 =	simm.s32 $0x0;
	s2 =	sadd.s32 s6, s0  }
0x24: {  	[tilespmem:s9], [sflag:$0x1] =	stream.linear.gather [hbm4b:s2+s9], $0x10, $0x38;
	[tilespmem:$0xB940] =	vst v63  }
0x25: {  	s0 =	sadd.s32 s7, s0;
	s2 =	sadd.s32 s11, s30  }
0x26: {  	[tilespmem:s18], [sflag:$0x2] =	stream.linear.gather [hbm4b:s0+s9], $0x10, $0x38;
	[tilespmem:$0xB940] =	vst v63  }
0x27: {  	s0 =	sshll.u32 s2, $0x7  }
0x28: {  	s0 =	sadd.s32 s5, s0  }
0x29: {  	[tilespmem:s19], [sflag:$0x3] =	stream.linear.gather [hbm4b:s0+s9], $0x400, $0x38;
	[tilespmem:$0xB940] =	vst v63  }
0x2a: {  	_ =	swait.ge [sflag:s20], $0x10  }
0x2b: {  	[sflag:s20] =	ssyncset.done $0x0  }
0x2c: {  	[sflag:s20] =	ssyncadd.s32 $0xFFFFFFF0  }
0x2d: {  	_ =	swait.ge [sflag:s21], $0x10  }
0x2e: {  	[sflag:s21] =	ssyncset.done $0x0  }
0x2f: {  	[sflag:s21] =	ssyncadd.s32 $0xFFFFFFF0  }
0x30: {  	_ =	swait.ge [sflag:s22], $0x400  }
0x31: {  	[sflag:s22] =	ssyncset.done $0x0  }
0x32: {  	[sflag:s22] =	ssyncadd.s32 $0xFFFFFC00  }
0x33: {  	[tilespmem:s24], [sflag:$0x4] =	stream.indirect.gather [hbm4b:s4+s23], $0x80, s9, s23, $0xb8;
	[tilespmem:$0xB940] =	vst v63  }
0x34: {  	_ = 	snop  }
0x35: {  	[tilespmem:s25], [sflag:$0x1] =	stream.indirect.gather [hbm4b:s4+s23], $0x80, s18, s23, $0xb8;
	[tilespmem:$0xB940] =	vst v63  }
0x36: {  	_ =	swait.ge [sflag:s26], $0x800  }
0x37: {  	[sflag:s26] =	ssyncset.done $0x0  }
0x38: {  	[sflag:s26] =	ssyncadd.s32 $0xFFFFF800  }
0x39: {  	_ =	swait.ge [sflag:s20], $0x800  }
0x3a: {  	[sflag:s20] =	ssyncset.done $0x0  }
0x3b: {  	s31 =	simm.s32 $0x0;
	[sflag:s20] =	ssyncadd.s32 $0xFFFFF800  }
0x3c: {  	v0 =	vld [tilespmem:s31+$0x100]  }
0x3d: {  	v1 =	vld [tilespmem:s31+$0x940]  }
0x3e: {  	s0 =	simm.s32 $0x1140  }
0x3f: {  	v2 =	vld [tilespmem:s0+$0xFFFFFFC0];
	_ =	sdelay $0x2  }
0x40: {  	v0 =	vadd.f32 v1, v0;
	_ =	sdelay $0x1  }
0x41: {  	v0 =	vadd.f32 v2, v0  }
0x42: {  	v1 =	vld [tilespmem:s31+$0x110]  }
0x43: {  	v2 =	vld [tilespmem:s31+$0x950];
	v0 =	vmax.f32 v0, $0.0e+00  }
0x44: {  	[tilespmem:s31+$0x1500] =	vst v0  }
0x45: {  	v0 =	vld [tilespmem:s0+$0xFFFFFFD0];
	_ =	sdelay $0x2  }
0x46: {  	v1 =	vadd.f32 v2, v1;
	_ =	sdelay $0x1  }
0x47: {  	v0 =	vadd.f32 v0, v1  }
0x48: {  	v2 =	vld [tilespmem:s31+$0x960]  }
0x49: {  	v1 =	vld [tilespmem:s31+$0x120];
	v0 =	vmax.f32 v0, $0.0e+00  }
0x4a: {  	[tilespmem:s31+$0x1510] =	vst v0  }
0x4b: {  	v0 =	vld [tilespmem:s0+$0xFFFFFFE0];
	_ =	sdelay $0x2  }
0x4c: {  	v1 =	vadd.f32 v2, v1;
	_ =	sdelay $0x1  }
0x4d: {  	v0 =	vadd.f32 v0, v1  }
0x4e: {  	v2 =	vld [tilespmem:s31+$0x970]  }
0x4f: {  	v1 =	vld [tilespmem:s31+$0x130];
	v0 =	vmax.f32 v0, $0.0e+00  }
0x50: {  	[tilespmem:s31+$0x1520] =	vst v0  }
0x51: {  	v0 =	vld [tilespmem:s0+$0xFFFFFFF0];
	_ =	sdelay $0x2  }
0x52: {  	v1 =	vadd.f32 v2, v1;
	_ =	sdelay $0x1  }
0x53: {  	v0 =	vadd.f32 v0, v1  }
0x54: {  	v2 =	vld [tilespmem:s31+$0x9C0]  }
0x55: {  	v1 =	vld [tilespmem:s31+$0x180];
	v0 =	vmax.f32 v0, $0.0e+00  }
0x56: {  	[tilespmem:s31+$0x1530] =	vst v0  }
0x57: {  	v0 =	vld [tilespmem:s0+$0x0];
	_ =	sdelay $0x2  }
0x58: {  	v1 =	vadd.f32 v2, v1;
	_ =	sdelay $0x1  }
0x59: {  	v0 =	vadd.f32 v0, v1  }
0x5a: {  	v2 =	vld [tilespmem:s31+$0x9D0]  }
0x5b: {  	v1 =	vld [tilespmem:s31+$0x190];
	v0 =	vmax.f32 v0, $0.0e+00  }
0x5c: {  	[tilespmem:s31+$0x1580] =	vst v0  }
0x5d: {  	v0 =	vld [tilespmem:s0+$0x10];
	_ =	sdelay $0x2  }
0x5e: {  	v1 =	vadd.f32 v2, v1;
	_ =	sdelay $0x1  }
0x5f: {  	v0 =	vadd.f32 v0, v1  }
0x60: {  	v2 =	vld [tilespmem:s31+$0x9E0]  }
0x61: {  	v1 =	vld [tilespmem:s31+$0x1A0];
	v0 =	vmax.f32 v0, $0.0e+00  }
0x62: {  	[tilespmem:s31+$0x1590] =	vst v0  }
0x63: {  	v0 =	vld [tilespmem:s0+$0x20];
	_ =	sdelay $0x2  }
0x64: {  	v1 =	vadd.f32 v2, v1;
	_ =	sdelay $0x1  }
0x65: {  	v0 =	vadd.f32 v0, v1  }
0x66: {  	v2 =	vld [tilespmem:s31+$0x9F0]  }
0x67: {  	v1 =	vld [tilespmem:s31+$0x1B0];
	v0 =	vmax.f32 v0, $0.0e+00  }
0x68: {  	[tilespmem:s31+$0x15A0] =	vst v0  }
0x69: {  	v0 =	vld [tilespmem:s0+$0x30];
	_ =	sdelay $0x2  }
0x6a: {  	v1 =	vadd.f32 v2, v1;
	_ =	sdelay $0x1  }
0x6b: {  	s9 =	simm.s32 $0x100;
	v1 =	vadd.f32 v0, v1  }
0x6c: {  	s2 =	simm.s32 $0x800;
	v0 =	vld [tilespmem:s9+$0x100]  }
.LBB2_3:
0x6d: {  	p1 =	sne.s32 s2, $0x1C00;
	v2 =	vld [tilespmem:s9+$0x940];
	v1 =	vmax.f32 v1, $0.0e+00  }
0x6e: {  	s0 =	sadd.s32 $0x80, s0;
	[tilespmem:s31+$0x15B0] =	vst v1;
	s31 =	smov.u32 s9  }
0x6f: {  	v1 =	vld [tilespmem:s0+$0xFFFFFFC0];
	_ =	sdelay $0x2  }
0x70: {  	v0 =	vadd.f32 v2, v0;
	_ =	sdelay $0x1  }
0x71: {  	v0 =	vadd.f32 v1, v0  }
0x72: {  	v1 =	vld [tilespmem:s31+$0x110]  }
0x73: {  	v0 =	vmax.f32 v0, $0.0e+00;
	v2 =	vld [tilespmem:s31+$0x950]  }
0x74: {  	[tilespmem:s31+$0x1500] =	vst v0  }
0x75: {  	v0 =	vld [tilespmem:s0+$0xFFFFFFD0];
	_ =	sdelay $0x2  }
0x76: {  	v1 =	vadd.f32 v2, v1;
	_ =	sdelay $0x1  }
0x77: {  	v0 =	vadd.f32 v0, v1  }
0x78: {  	v1 =	vld [tilespmem:s31+$0x120]  }
0x79: {  	v0 =	vmax.f32 v0, $0.0e+00;
	v2 =	vld [tilespmem:s31+$0x960]  }
0x7a: {  	[tilespmem:s31+$0x1510] =	vst v0  }
0x7b: {  	v0 =	vld [tilespmem:s0+$0xFFFFFFE0];
	_ =	sdelay $0x2  }
0x7c: {  	v1 =	vadd.f32 v2, v1;
	_ =	sdelay $0x1  }
0x7d: {  	v0 =	vadd.f32 v0, v1  }
0x7e: {  	v1 =	vld [tilespmem:s31+$0x130]  }
0x7f: {  	v0 =	vmax.f32 v0, $0.0e+00;
	v2 =	vld [tilespmem:s31+$0x970]  }
0x80: {  	[tilespmem:s31+$0x1520] =	vst v0  }
0x81: {  	v0 =	vld [tilespmem:s0+$0xFFFFFFF0];
	_ =	sdelay $0x2  }
0x82: {  	v1 =	vadd.f32 v2, v1;
	_ =	sdelay $0x1  }
0x83: {  	v0 =	vadd.f32 v0, v1  }
0x84: {  	v1 =	vld [tilespmem:s31+$0x180]  }
0x85: {  	v0 =	vmax.f32 v0, $0.0e+00;
	v2 =	vld [tilespmem:s31+$0x9C0]  }
0x86: {  	[tilespmem:s31+$0x1530] =	vst v0  }
0x87: {  	v0 =	vld [tilespmem:s0+$0x0];
	_ =	sdelay $0x2  }
0x88: {  	v1 =	vadd.f32 v2, v1;
	_ =	sdelay $0x1  }
0x89: {  	v0 =	vadd.f32 v0, v1  }
0x8a: {  	v1 =	vld [tilespmem:s31+$0x190]  }
0x8b: {  	v0 =	vmax.f32 v0, $0.0e+00;
	v2 =	vld [tilespmem:s31+$0x9D0]  }
0x8c: {  	[tilespmem:s31+$0x1580] =	vst v0  }
0x8d: {  	v0 =	vld [tilespmem:s0+$0x10];
	_ =	sdelay $0x2  }
0x8e: {  	v1 =	vadd.f32 v2, v1;
	_ =	sdelay $0x1  }
0x8f: {  	v0 =	vadd.f32 v0, v1  }
0x90: {  	v1 =	vld [tilespmem:s31+$0x1A0]  }
0x91: {  	v0 =	vmax.f32 v0, $0.0e+00;
	v2 =	vld [tilespmem:s31+$0x9E0]  }
0x92: {  	[tilespmem:s31+$0x1590] =	vst v0  }
0x93: {  	v0 =	vld [tilespmem:s0+$0x20];
	_ =	sdelay $0x2  }
0x94: {  	v1 =	vadd.f32 v2, v1;
	_ =	sdelay $0x1  }
0x95: {  	v0 =	vadd.f32 v0, v1  }
0x96: {  	v1 =	vld [tilespmem:s31+$0x1B0]  }
0x97: {  	v0 =	vmax.f32 v0, $0.0e+00;
	v2 =	vld [tilespmem:s31+$0x9F0]  }
0x98: {  	[tilespmem:s31+$0x15A0] =	vst v0  }
0x99: {  	v0 =	vld [tilespmem:s0+$0x30];
	_ =	sdelay $0x1  }
.Ltmp0:
0x9a: {  	(pc) =	sbr.rel @p1 .LBB2_3-.Ltmp0, $3  }
0x9b: {  	v1 =	vadd.f32 v2, v1;
	_ =	sdelay $0x1  }
0x9c: {  	s9 =	sshra.s32 s2, $0x2;
	v1 =	vadd.f32 v0, v1  }
0x9d: {  	s2 =	sadd.s32 $0x400, s2;
	v0 =	vld [tilespmem:s9+$0x100]  }
0x9e: {  	v2 =	vld [tilespmem:s9+$0x940];
	v1 =	vmax.f32 v1, $0.0e+00  }
0x9f: {  	s0 =	sadd.s32 $0x80, s0;
	[tilespmem:s31+$0x15B0] =	vst v1  }
0xa0: {  	v1 =	vld [tilespmem:s0+$0xFFFFFFC0];
	_ =	sdelay $0x2  }
0xa1: {  	v0 =	vadd.f32 v2, v0;
	_ =	sdelay $0x1  }
0xa2: {  	v0 =	vadd.f32 v1, v0  }
0xa3: {  	v50 =	vld [tilespmem:s9+$0x110]  }
0xa4: {  	v51 =	vld [tilespmem:s9+$0x950];
	v0 =	vmax.f32 v0, $0.0e+00  }
0xa5: {  	[tilespmem:s9+$0x1500] =	vst v0  }
0xa6: {  	v0 =	vld [tilespmem:s0+$0xFFFFFFD0];
	_ =	sdelay $0x2  }
0xa7: {  	v1 =	vadd.f32 v51, v50;
	_ =	sdelay $0x1  }
0xa8: {  	v0 =	vadd.f32 v0, v1  }
0xa9: {  	v52 =	vld [tilespmem:s9+$0x120]  }
0xaa: {  	v53 =	vld [tilespmem:s9+$0x960];
	v0 =	vmax.f32 v0, $0.0e+00  }
0xab: {  	[tilespmem:s9+$0x1510] =	vst v0  }
0xac: {  	v0 =	vld [tilespmem:s0+$0xFFFFFFE0];
	_ =	sdelay $0x2  }
0xad: {  	v1 =	vadd.f32 v53, v52;
	_ =	sdelay $0x1  }
0xae: {  	v0 =	vadd.f32 v0, v1  }
0xaf: {  	v54 =	vld [tilespmem:s9+$0x130]  }
0xb0: {  	v55 =	vld [tilespmem:s9+$0x970];
	v0 =	vmax.f32 v0, $0.0e+00  }
0xb1: {  	[tilespmem:s9+$0x1520] =	vst v0  }
0xb2: {  	v0 =	vld [tilespmem:s0+$0xFFFFFFF0];
	_ =	sdelay $0x2  }
0xb3: {  	v1 =	vadd.f32 v55, v54;
	_ =	sdelay $0x1  }
0xb4: {  	v0 =	vadd.f32 v0, v1  }
0xb5: {  	v56 =	vld [tilespmem:s9+$0x180]  }
0xb6: {  	v57 =	vld [tilespmem:s9+$0x9C0];
	v0 =	vmax.f32 v0, $0.0e+00  }
0xb7: {  	[tilespmem:s9+$0x1530] =	vst v0  }
0xb8: {  	v0 =	vld [tilespmem:s0+$0x0];
	_ =	sdelay $0x2  }
0xb9: {  	v1 =	vadd.f32 v57, v56;
	_ =	sdelay $0x1  }
0xba: {  	v0 =	vadd.f32 v0, v1  }
0xbb: {  	v58 =	vld [tilespmem:s9+$0x190]  }
0xbc: {  	v59 =	vld [tilespmem:s9+$0x9D0];
	v0 =	vmax.f32 v0, $0.0e+00  }
0xbd: {  	[tilespmem:s9+$0x1580] =	vst v0  }
0xbe: {  	v0 =	vld [tilespmem:s0+$0x10];
	_ =	sdelay $0x2  }
0xbf: {  	v1 =	vadd.f32 v59, v58;
	_ =	sdelay $0x1  }
0xc0: {  	v0 =	vadd.f32 v0, v1  }
0xc1: {  	v60 =	vld [tilespmem:s9+$0x1A0]  }
0xc2: {  	v61 =	vld [tilespmem:s9+$0x9E0];
	v0 =	vmax.f32 v0, $0.0e+00  }
0xc3: {  	[tilespmem:s9+$0x1590] =	vst v0  }
0xc4: {  	v0 =	vld [tilespmem:s0+$0x20];
	_ =	sdelay $0x2  }
0xc5: {  	v1 =	vadd.f32 v61, v60;
	_ =	sdelay $0x1  }
0xc6: {  	v0 =	vadd.f32 v0, v1  }
0xc7: {  	v62 =	vld [tilespmem:s9+$0x1B0]  }
0xc8: {  	v63 =	vld [tilespmem:s9+$0x9F0];
	v0 =	vmax.f32 v0, $0.0e+00  }
0xc9: {  	[tilespmem:s9+$0x15A0] =	vst v0  }
0xca: {  	v0 =	vld [tilespmem:s0+$0x30];
	_ =	sdelay $0x2  }
0xcb: {  	v1 =	vadd.f32 v63, v62;
	_ =	sdelay $0x1  }
0xcc: {  	v0 =	vadd.f32 v0, v1  }
0xcd: {  	s30 =	sadd.s32 $0x1, s30  }
0xce: {  	p1 =	sne.s32 s30, $0x271;
	v0 =	vmax.f32 v0, $0.0e+00  }
.Ltmp1:
0xcf: {  	[tilespmem:s9+$0x15B0] =	vst v0;
	(pc) =	sbr.rel @p1 .LBB2_2-.Ltmp1, $4  }
0xd0: {  	[spmem:s1] =	stream.indirect.scatter.add.f32 [tilespmem:s28], [sflag:$0x5], $0x40, s18, s23, $0xb8;
	[tilespmem:$0xB940] =	vst v63  }
0xd1: {  	_ =	swait.ge [sflag:s29], $0x400  }
0xd2: {  	[sflag:s29] =	ssyncset.done $0x0  }
0xd3: {  	[sflag:s29] =	ssyncadd.s32 $0xFFFFFC00  }
0xd4: {  	[bflag:$0x0] =	sbarrier.arrive $0xFFFF;
	s0 =	simm.s32 @p0 $0x1FC5  }
0xd5: {  	[hbm:s13], [sflag:s0] =	dma.local @p0 [spmem:s15], $0x2080  }
0xd6: {  	s0 =	simm.s32 @p0 $0x5  }
0xd7: {  	s3 =	sadd.s32 $0x1, s3;
	_ =	swait.ge @p0 [sflag:s0], $0x2080  }
0xd8: {  	p1 =	sne.s32 s3, s14;
	[sflag:s0] =	ssyncset.done @p0 $0x0  }
.Ltmp2:
0xd9: {  	[sflag:s0] =	ssyncadd.s32 @p0 $0xFFFFDF80;
	s0 =	simm.s32 @!p0 $0x5;
	(pc) =	sbr.rel @p1 .LBB2_1-.Ltmp2, $4  }
0xda: {  	[hbm:s12], [sflag:s16] =	dma.local @!p0 [spmem:s17], $0x2780  }
0xdb: {  	_ =	swait.ge @!p0 [sflag:s0], $0x2780  }
0xdc: {  	[sflag:s0] =	ssyncset.done @!p0 $0x0  }
0xdd: {  	[sflag:s0] =	ssyncadd.s32 @!p0 $0xFFFFD880  }
0xde: {  	_ =	sfence.sel $0x180000  }
0xdf: {  	[bflag:$0x0] =	sbarrier.arrive $0xFFFF  }
0xe0: {  	_ =	strace $0x90000047  }
0xe1: {  	s0 =	stileid.u32;
	[bflag:$0x2] =	sbarrier.arrive $0xFFFF  }
0xe2: {  	p0 =	sne.s32 s0, $0x0;
	s0 =	rddreg [dreg:$0x2]  }
0xe3: {  	s0 =	sadd.s32 @!p0 $0x100000, s0  }
0xe4: {  	[sflag:s0] =	ssyncadd.tile.s32 @!p0 $0x1;
	_ =	shalt  }
.Lfunc_end2:
_tile_overlayer_lowered:
.L_overlay_start_2:
0xe5: {  	(tag) =	ssettag $0x2  }
0xe6: {  	s0 =	rddreg [dreg:$0x0];
	s2 =	stileid.u32  }
0xe7: {  	s1 =	rddreg [dreg:$0x1];
	p0 =	sne.s32 s2, $0x0  }
0xe8: {  	s3 =	rddreg [dreg:$0x2];
	[bflag:$0x3] =	sbarrier.arrive $0xFFFF;
	s2 =	simm.s32 @!p0 $0x1C05  }
0xe9: {  	[timem:s3], [sflag:s2] =	dma.local @!p0 [hbm:s0], s1  }
0xea: {  	s0 =	simm.s32 @!p0 $0x5  }
0xeb: {  	_ =	swait.ge @!p0 [sflag:s0], s1  }
0xec: {  	s1 =	ssub.s32 @!p0 $0x0, s1;
	[sflag:s0] =	ssyncset.done @!p0 $0x0  }
0xed: {  	[sflag:s0] =	ssyncadd.s32 @!p0 s1  }
0xee: {  	[bflag:$0x3] =	sbarrier.arrive $0xFFFF  }
0xef: {  	_ =	shalt  }

// kernel: kernel.13.cloned.1.call-start
scs
__scs_entry_jumppad:
0x0: {  	(pc) =	sbr.rel $0x88, $3  }
0x1: {  	(tag) =	ssettag $0x0;
	lr =	simm.s32 $0x1  }
0x2: {  	[smem:$0x3F97] =	sst lr;
	_ =	strace $0xD0000000  }
0x3: {  	_ = 	snop  }
0x4: {  	_ = 	snop  }
0x5: {  	_ = 	snop  }
0x6: {  	_ = 	snop  }
0x7: {  	_ = 	snop  }
__scs_overlays_trampoline_lowered:
0x8: {  	[smem:$0x3FA6] =	sst s0  }
0x9: {  	[smem:$0x3FA7] =	sst s1  }
0xa: {  	[smem:$0x3FA8] =	sst s2  }
0xb: {  	[smem:$0x3FA9] =	sst s3  }
0xc: {  	[smem:$0x3FAA] =	sst s4  }
0xd: {  	[smem:$0x3FAB] =	sst s5  }
0xe: {  	[smem:$0x3FAC] =	sst s6  }
0xf: {  	[smem:$0x3FAD] =	sst s7  }
0x10: {  	[smem:$0x3FAE] =	sst s8  }
0x11: {  	[smem:$0x3FAF] =	sst s9;
	s0 =	simm.s32 @!p0 $0x0  }
0x12: {  	s1 =	sld [smem:$0x3F95];
	s0 =	simm.s32 @p0 $0x1  }
0x13: {  	[smem:$0x3FB0] =	sst s0;
	s0 =	simm.s32 @!p1 $0x0  }
0x14: {  	s2 =	sld [smem:$0x3F94];
	s0 =	simm.s32 @p1 $0x1  }
0x15: {  	[smem:$0x3FB1] =	sst s0;
	s0 =	simm.s32 @!p2 $0x0  }
0x16: {  	s3 =	sld [smem:$0x3FDB];
	s0 =	simm.s32 @p2 $0x1  }
0x17: {  	s4 =	simm.s32 $0x1BF5;
	[smem:$0x3FB3] =	sst s0  }
0x18: {  	s0 =	sld [smem:$0x3F96];
	_ =	swait.ge [sflag:s4], $0x0  }
0x19: {  	s7 =	sld [smem:$0x3F97]  }
0x1a: {  	s8 =	sadd.s32 $0xFFFFE003, lr  }
0x1b: {  	s9 =	sadd.s32 $0xFFFFFEF7, lr;
	s5 =	simm.s32 $0xFFFFFFFF;
	p2 =	slt.u32 s8, $0xFFFFF086  }
0x1c: {  	p1 =	slt.u32 s9, $0xF7A;
	s5 =	simm.s32 @!p2 $0x0  }
0x1d: {  	s5 =	simm.s32 @p1 $0x1;
	p0 =	seq.s32 s7, s2  }
0x1e: {  	s7 =	smul.u32 @!p0 $0xF7A, s2;
	p2 =	seq.s32 @!p0 s5, $0x0  }
0x1f: {  	s9 =	smul.u32 $0xF7A, s1;
	s8 =	simm.s32 @!p0 $0x1BF5;
	p2 =	por !p2, p0  }
0x20: {  	[sflag:s8] =	ssyncset.s32 @!p0 $0xFFFFF086;
	s6 =	sadd.s32 @!p0 s3, s7;
	s7 =	simm.s32 @!p0 $0x108  }
0x21: {  	s3 =	sadd.s32 s3, s9;
	s6 =	sadd.s32 @!p0 $0x88, s6;
	s7 =	simm.s32 @p2 $0x1082  }
0x22: {  	[simem:s7], [sflag:s8] =	dma.local @!p0 [hbm:s6], $0xF7A  }
0x23: {  	s9 =	sor.u32 $0xD0000000, s2;
	s6 =	simm.s32 $0x108;
	_ =	swait.ge @!p0 [sflag:s8], $0x0  }
0x24: {  	s3 =	sadd.s32 $0x88, s3;
	s6 =	simm.s32 @!p1 $0x1082;
	[sflag:s4] =	ssyncset.s32 $0xFFFFF086  }
0x25: {  	[simem:s6], [sflag:s4] =	dma.local [hbm:s3], $0xF7A  }
0x26: {  	[smem:$0x3F97] =	sst s1;
	(tag) =	ssettag s2;
	_ =	strace s9  }
0x27: {  	s1 =	sld [smem:$0x3FA7]  }
0x28: {  	s2 =	sld [smem:$0x3FA8]  }
0x29: {  	s4 =	sld [smem:$0x3FAA]  }
0x2a: {  	p0 =	seq.s32 s5, $0x0;
	s5 =	sld [smem:$0x3FAB]  }
0x2b: {  	s6 =	sld [smem:$0x3FAC]  }
0x2c: {  	s7 =	sld [smem:$0x3FAD]  }
0x2d: {  	s3 =	simm.s32 $0x108;
	s8 =	sld [smem:$0x3FAE]  }
0x2e: {  	s3 =	simm.s32 @!p0 $0x1082;
	s9 =	sld [smem:$0x3FAF]  }
0x2f: {  	lr =	sadd.s32 s0, s3;
	s0 =	sld [smem:$0x3FA6]  }
0x30: {  	s3 =	sld [smem:$0x3FA9]  }
0x31: {  	[smem:$0x3FB2] =	sst s10  }
0x32: {  	s10 =	sld [smem:$0x3FB0];
	_ =	sdelay $0x3  }
0x33: {  	p0 =	seq.s32 s10, $0x1;
	s10 =	sld [smem:$0x3FB2];
	_ =	sdelay $0x3  }
0x34: {  	[smem:$0x3FB2] =	sst s10  }
0x35: {  	s10 =	sld [smem:$0x3FB1];
	_ =	sdelay $0x3  }
0x36: {  	p1 =	seq.s32 s10, $0x1;
	s10 =	sld [smem:$0x3FB2];
	_ =	sdelay $0x3  }
0x37: {  	[smem:$0x3FB2] =	sst s10  }
0x38: {  	s10 =	sld [smem:$0x3FB3]  }
0x39: {  	_ = 	snop;
	(pc) =	sbr.ind lr, $3  }
0x3a: {  	_ = 	snop  }
0x3b: {  	_ = 	snop  }
0x3c: {  	p2 =	seq.s32 s10, $0x1;
	s10 =	sld [smem:$0x3FB2]  }
0x3d: {  	_ =	shalt  }
0x3e: {  	_ =	shalt  }
0x3f: {  	_ =	shalt  }
0x40: {  	_ =	shalt  }
0x41: {  	_ =	shalt  }
0x42: {  	_ =	shalt  }
0x43: {  	_ =	shalt  }
0x44: {  	_ =	shalt  }
0x45: {  	_ =	shalt  }
0x46: {  	_ =	shalt  }
0x47: {  	_ =	shalt  }
0x48: {  	_ =	shalt  }
0x49: {  	_ =	shalt  }
0x4a: {  	_ =	shalt  }
0x4b: {  	_ =	shalt  }
0x4c: {  	_ =	shalt  }
0x4d: {  	_ =	shalt  }
0x4e: {  	_ =	shalt  }
0x4f: {  	_ =	shalt  }
0x50: {  	_ =	shalt  }
0x51: {  	_ =	shalt  }
0x52: {  	_ =	shalt  }
0x53: {  	_ =	shalt  }
0x54: {  	_ =	shalt  }
0x55: {  	_ =	shalt  }
0x56: {  	_ =	shalt  }
0x57: {  	_ =	shalt  }
0x58: {  	_ =	shalt  }
0x59: {  	_ =	shalt  }
0x5a: {  	_ =	shalt  }
0x5b: {  	_ =	shalt  }
0x5c: {  	_ =	shalt  }
0x5d: {  	_ =	shalt  }
0x5e: {  	_ =	shalt  }
0x5f: {  	_ =	shalt  }
0x60: {  	_ =	shalt  }
0x61: {  	_ =	shalt  }
0x62: {  	_ =	shalt  }
0x63: {  	_ =	shalt  }
0x64: {  	_ =	shalt  }
0x65: {  	_ =	shalt  }
0x66: {  	_ =	shalt  }
0x67: {  	_ =	shalt  }
0x68: {  	_ =	shalt  }
0x69: {  	_ =	shalt  }
0x6a: {  	_ =	shalt  }
0x6b: {  	_ =	shalt  }
0x6c: {  	_ =	shalt  }
0x6d: {  	_ =	shalt  }
0x6e: {  	_ =	shalt  }
0x6f: {  	_ =	shalt  }
0x70: {  	_ =	shalt  }
0x71: {  	_ =	shalt  }
0x72: {  	_ =	shalt  }
0x73: {  	_ =	shalt  }
0x74: {  	_ =	shalt  }
0x75: {  	_ =	shalt  }
0x76: {  	_ =	shalt  }
0x77: {  	_ =	shalt  }
0x78: {  	_ =	shalt  }
0x79: {  	_ =	shalt  }
0x7a: {  	_ =	shalt  }
0x7b: {  	_ =	shalt  }
0x7c: {  	_ =	shalt  }
0x7d: {  	_ =	shalt  }
0x7e: {  	_ =	shalt  }
0x7f: {  	_ =	shalt  }
0x80: {  	_ =	shalt  }
0x81: {  	_ =	shalt  }
0x82: {  	_ =	shalt  }
0x83: {  	_ =	shalt  }
0x84: {  	_ =	shalt  }
0x85: {  	_ =	shalt  }
0x86: {  	_ =	shalt  }
0x87: {  	_ =	shalt  }
.Lfunc_end0:
.L_simem_size_0:
called_computation.1_lowered:
.L_overlay_start_0:
0x88: {  	s2 =	sld [smem:$0x3FD9]  }
0x89: {  	s3 =	sld [smem:$0x3FFE];
	_ =	sdelay $0x1  }
0x8a: {  	s1 =	srdreg.scid  }
0x8b: {  	s0 =	sand.u32 $0x1, s1  }
0x8c: {  	s16 =	sshll.u32 s0, $0xA;
	s2 =	sadd.s32 s3, s2  }
0x8d: {  	s2 =	sadd.s32 s2, s16  }
0x8e: {  	[smem:$0x3FBE] =	sst s2  }
0x8f: {  	_ = 	snop  }
0x90: {  	(tm) =	ssettm $0x1  }
0x91: {  	s17 =	sld [smem:$0x3FFB];
	_ =	sdelay $0x3  }
0x92: {  	_ =	strace s17  }
0x93: {  	s2 =	sld [smem:$0x3FFC];
	_ =	sdelay $0x3  }
0x94: {  	_ =	strace s2  }
0x95: {  	s2 =	sld [smem:$0x3FFD];
	_ =	sdelay $0x3  }
0x96: {  	_ =	strace s2  }
0x97: {  	_ =	strace $0x8FFFFFFF  }
0x98: {  	s18 =	sld [smem:$0x3FDB];
	_ =	sdelay $0x1  }
0x99: {  	s19 =	simm.s32 $_scs_section_size  }
0x9a: {  	s4 =	simm.s32 $_size__tile_overlayer_lowered;
	s5 =	simm.s32 $_tile_overlayer_lowered  }
0x9b: {  	s22 =	simm.s32 $0x1BFF;
	s21 =	sshll.u32 s5, $0x1;
	s2 =	sadd.s32 s19, s18  }
0x9c: {  	s6 =	simm.s32 $0x0;
	s20 =	sshll.u32 s4, $0x1;
	s4 =	sadd.s32 s21, s2  }
0x9d: {  	[timem:s6], [sflag:s22] =	dma.local [hbm:s4], s20  }
0x9e: {  	_ =	swait.ge [sflag:s22], s20  }
0x9f: {  	s3 =	ssub.s32 $0x0, s20;
	[sflag:s22] =	ssyncset.done $0x0  }
0xa0: {  	[sflag:s22] =	ssyncadd.s32 s3;
	_ =	sdelay $0x1  }
0xa1: {  	s23 =	simm.s32 $0x1B8B  }
0xa2: {  	_ =	swait.ge [sflag:s23], $0x1  }
0xa3: {  	[sflag:s23] =	ssyncset.done $0x0  }
0xa4: {  	s25 =	simm.s32 $0x1B8E;
	s24 =	sld [smem:$0x3FFE];
	[sflag:s23] =	ssyncadd.s32 $0xFFFFFFFF  }
0xa5: {  	s26 =	simm.s32 $execute0_lowered;
	[smem:$0x3FD2] =	sst s25  }
0xa6: {  	s4 =	sshll.u32 s26, $0x1;
	_ =	strace $0x80000049;
	[dreg:$0x1] =	wrdreg $0xFFFFFFFF  }
0xa7: {  	s28 =	simm.s32 $_size_execute0_lowered;
	s2 =	sadd.s32 s2, s4;
	[dreg:$0x0] =	wrdreg $0x0  }
0xa8: {  	s4 =	sshll.u32 s28, $0x1;
	[dreg:$0x2] =	wrdreg s2  }
0xa9: {  	[dreg:$0x3] =	wrdreg s4  }
0xaa: {  	[dreg:$0x4] =	wrdreg $0xC0  }
0xab: {  	_ =	task [dreg:s6], $0x5FFFF  }
0xac: {  	[dreg:$0x1] =	wrdreg $0xFFFFFFFF  }
0xad: {  	[dreg:$0x0] =	wrdreg $0x60  }
0xae: {  	[dreg:$0x2] =	wrdreg s24  }
0xaf: {  	[dreg:$0x3] =	wrdreg $0x1D000  }
0xb0: {  	[dreg:$0x4] =	wrdreg $0x9  }
0xb1: {  	_ =	task.clear_ibuf [dreg:s6], $0x5FFFF;
	_ =	strace $0x90000049  }
0xb2: {  	s29 =	simm.s32 $0x9;
	_ =	strace $0x8000004B  }
0xb3: {  	_ =	swait.ge [sflag:s29], $0x1  }
0xb4: {  	[sflag:s29] =	ssyncadd.s32 $0xFFFFFFFF  }
0xb5: {  	_ =	strace $0x9000004B  }
0xb6: {  	_ =	sfence  }
0xb7: {  	s30 =	sld [smem:$0x0];
	_ =	sdelay $0x2  }
0xb8: {  	s31 =	sshll.u32 s1, $0xD;
	s1 =	sshrl.u32 s1, $0x2  }
0xb9: {  	s3 =	sand.u32 $0x4000, s31;
	s1 =	sadd.s32 s1, s30  }
0xba: {  	s0 =	sor.u32 s3, s0;
	s1 =	sshll.u32 s1, $0x11  }
0xbb: {  	s0 =	sor.u32 s1, s0  }
0xbc: {  	s0 =	sadd.s32 $0x8F2B, s0  }
0xbd: {  	[sflag:s0] =	ssyncadd.remote.s32 $0x1  }
0xbe: {  	_ =	sfence.sel $0xFFFF  }
0xbf: {  	[dreg:$0x0] =	wrdreg $0xFFFFFFFF;
	(pc) =	sbr.abs _section_cstart, $3  }
0xc0: {  	[dreg:$0x1] =	wrdreg $0xFFFFFFFF  }
0xc1: {  	_ =	task.clear_ibuf [dreg:s6], $0x2FFFF;
	_ =	strace $0x9FFFFFFF  }
0xc2: {  	(tm) =	ssettm $0x7FFFFFFF  }
0xc3: {  	_ =	shalt  }
tec
execute0_lowered:
.L_overlay_start_1:
0x0: {  	(tag) =	ssettag $0x1  }
0x1: {  	s0 =	rddreg [dreg:$0x0]  }
0x2: {  	s1 =	rddreg [dreg:$0x1];
	s3 =	simm.s32 $0x0  }
0x3: {  	s18 =	stileid.u32;
	s2 =	srdreg.scid;
	s19 =	simm.s32 $0x1100  }
0x4: {  	s20 =	simm.s32 $0x1;
	s21 =	simm.s32 $0x2;
	s22 =	simm.s32 $0x3  }
0x5: {  	s23 =	simm.s32 $0x10;
	s24 =	simm.s32 $0x100;
	s25 =	simm.s32 $0x900  }
0x6: {  	s28 =	simm.s32 $0x1500;
	s29 =	simm.s32 $0x5;
	[smem:$0x7FF] =	sst s3  }
0x7: {  	s4 =	sadd.s32 $0x2D8400, s0;
	s5 =	sadd.s32 $0x758400, s0;
	s2 =	sand.u32 $0x1, s2  }
0x8: {  	s7 =	sshll.u32 s18, $0x1;
	s6 =	sadd.s32 $0xF200, s0;
	s9 =	smul.u32 $0x2780, s18  }
0x9: {  	s13 =	smul.u32 $0x4F000, s18;
	s14 =	sadd.s32 $0x19000, s0;
	s16 =	sadd.s32 $0x128400, s1  }
0xa: {  	s30 =	smul.u32 $0x13C00, s18;
	p0 =	seq.s32 s18, $0xF;
	_ =	strace $0x8000004A  }
0xb: {  	s11 =	sor.u32 s2, s7;
	s10 =	ssub.s32 $0x2, s2;
	s2 =	smul.u32 $0x138800, s2  }
0xc: {  	s7 =	sadd.s32 $0x5400, s0;
	s8 =	smul.u32 $0x2710, s11;
	s9 =	sadd.s32 s9, s0  }
0xd: {  	s12 =	sshrl.u32 s10, $0x1;
	s26 =	sshrl.u32 s13, $0x2;
	s11 =	smul.u32 $0x271, s11  }
0xe: {  	s15 =	ssub.s32 s10, s12;
	s9 =	sadd.s32 $0x2B1200, s9;
	s17 =	sadd.s32 s26, s1  }
0xf: {  	s10 =	sadd.s32 $0x2D6280, s0;
	s31 =	sadd.s32 s30, s2;
	s2 =	sshrl.u32 s2, $0x3  }
0x10: {  	s26 =	simm.s32 $0x4;
	[dreg:$0x3] =	wrdreg s9;
	s0 =	sshrl.u32 s31, $0x3  }
0x11: {  	s2 =	sadd.s32 s14, s2;
	s17 =	sshrl.u32 @!p0 s17, $0x3;
	s12 =	sadd.s32 s14, s0  }
0x12: {  	s13 =	sadd.s32 $0x25080, s2;
	s0 =	sshll.u32 @!p0 s18, $0x6;
	s14 =	smax.u32 s15, $0x1  }
0x13: {  	s15 =	sshrl.u32 @p0 s16, $0x3;
	s18 =	simm.s32 $0x80;
	s16 =	sor.u32 @!p0 $0x1C05, s0  }
.LBB2_1:
0x14: {  	s0 =	simm.s32 @p0 $0x1FC5  }
0x15: {  	[spmem:s15], [sflag:s0] =	dma.local @p0 [hbm:s10], $0x2080  }
0x16: {  	s0 =	simm.s32 @p0 $0x5  }
0x17: {  	_ =	swait.ge @p0 [sflag:s0], $0x2080  }
0x18: {  	[sflag:s0] =	ssyncset.done @p0 $0x0  }
0x19: {  	[sflag:s0] =	ssyncadd.s32 @p0 $0xFFFFDF80;
	s0 =	rddreg [dreg:$0x3]  }
0x1a: {  	[spmem:s17], [sflag:s16] =	dma.local @!p0 [hbm:s0], $0x2780  }
0x1b: {  	s0 =	simm.s32 @!p0 $0x5  }
0x1c: {  	_ =	swait.ge @!p0 [sflag:s0], $0x2780  }
0x1d: {  	[sflag:s0] =	ssyncset.done @!p0 $0x0  }
0x1e: {  	[sflag:s0] =	ssyncadd.s32 @!p0 $0xFFFFD880  }
0x1f: {  	s30 =	simm.s32 $0x0;
	[bflag:$0x0] =	sbarrier.arrive $0xFFFF  }
.LBB2_2:
0x20: {  	s0 =	sshll.u32 s30, $0x4  }
0x21: {  	s0 =	sadd.s32 s8, s0  }
0x22: {  	s0 =	sshrl.u32 s0, $0x3  }
0x23: {  	s9 =	simm.s32 $0x0;
	s2 =	sadd.s32 s6, s0  }
0x24: {  	[tilespmem:s9], [sflag:$0x1] =	stream.linear.gather [hbm4b:s2+s9], $0x10, $0x38;
	[tilespmem:$0xB940] =	vst v63  }
0x25: {  	s0 =	sadd.s32 s7, s0;
	s2 =	sadd.s32 s11, s30  }
0x26: {  	[tilespmem:s18], [sflag:$0x2] =	stream.linear.gather [hbm4b:s0+s9], $0x10, $0x38;
	[tilespmem:$0xB940] =	vst v63  }
0x27: {  	s0 =	sshll.u32 s2, $0x7  }
0x28: {  	s0 =	sadd.s32 s5, s0  }
0x29: {  	[tilespmem:s19], [sflag:$0x3] =	stream.linear.gather [hbm4b:s0+s9], $0x400, $0x38;
	[tilespmem:$0xB940] =	vst v63  }
0x2a: {  	_ =	swait.ge [sflag:s20], $0x10  }
0x2b: {  	[sflag:s20] =	ssyncset.done $0x0  }
0x2c: {  	[sflag:s20] =	ssyncadd.s32 $0xFFFFFFF0  }
0x2d: {  	_ =	swait.ge [sflag:s21], $0x10  }
0x2e: {  	[sflag:s21] =	ssyncset.done $0x0  }
0x2f: {  	[sflag:s21] =	ssyncadd.s32 $0xFFFFFFF0  }
0x30: {  	_ =	swait.ge [sflag:s22], $0x400  }
0x31: {  	[sflag:s22] =	ssyncset.done $0x0  }
0x32: {  	[sflag:s22] =	ssyncadd.s32 $0xFFFFFC00  }
0x33: {  	[tilespmem:s24], [sflag:$0x4] =	stream.indirect.gather [hbm4b:s4+s23], $0x80, s9, s23, $0xb8;
	[tilespmem:$0xB940] =	vst v63  }
0x34: {  	_ = 	snop  }
0x35: {  	[tilespmem:s25], [sflag:$0x1] =	stream.indirect.gather [hbm4b:s4+s23], $0x80, s18, s23, $0xb8;
	[tilespmem:$0xB940] =	vst v63  }
0x36: {  	_ =	swait.ge [sflag:s26], $0x800  }
0x37: {  	[sflag:s26] =	ssyncset.done $0x0  }
0x38: {  	[sflag:s26] =	ssyncadd.s32 $0xFFFFF800  }
0x39: {  	_ =	swait.ge [sflag:s20], $0x800  }
0x3a: {  	[sflag:s20] =	ssyncset.done $0x0  }
0x3b: {  	s31 =	simm.s32 $0x0;
	[sflag:s20] =	ssyncadd.s32 $0xFFFFF800  }
0x3c: {  	v0 =	vld [tilespmem:s31+$0x100]  }
0x3d: {  	v1 =	vld [tilespmem:s31+$0x940]  }
0x3e: {  	s0 =	simm.s32 $0x1140  }
0x3f: {  	v2 =	vld [tilespmem:s0+$0xFFFFFFC0];
	_ =	sdelay $0x2  }
0x40: {  	v0 =	vadd.f32 v1, v0;
	_ =	sdelay $0x1  }
0x41: {  	v0 =	vadd.f32 v2, v0  }
0x42: {  	v1 =	vld [tilespmem:s31+$0x110]  }
0x43: {  	v2 =	vld [tilespmem:s31+$0x950];
	v0 =	vmax.f32 v0, $0.0e+00  }
0x44: {  	[tilespmem:s31+$0x1500] =	vst v0  }
0x45: {  	v0 =	vld [tilespmem:s0+$0xFFFFFFD0];
	_ =	sdelay $0x2  }
0x46: {  	v1 =	vadd.f32 v2, v1;
	_ =	sdelay $0x1  }
0x47: {  	v0 =	vadd.f32 v0, v1  }
0x48: {  	v2 =	vld [tilespmem:s31+$0x960]  }
0x49: {  	v1 =	vld [tilespmem:s31+$0x120];
	v0 =	vmax.f32 v0, $0.0e+00  }
0x4a: {  	[tilespmem:s31+$0x1510] =	vst v0  }
0x4b: {  	v0 =	vld [tilespmem:s0+$0xFFFFFFE0];
	_ =	sdelay $0x2  }
0x4c: {  	v1 =	vadd.f32 v2, v1;
	_ =	sdelay $0x1  }
0x4d: {  	v0 =	vadd.f32 v0, v1  }
0x4e: {  	v2 =	vld [tilespmem:s31+$0x970]  }
0x4f: {  	v1 =	vld [tilespmem:s31+$0x130];
	v0 =	vmax.f32 v0, $0.0e+00  }
0x50: {  	[tilespmem:s31+$0x1520] =	vst v0  }
0x51: {  	v0 =	vld [tilespmem:s0+$0xFFFFFFF0];
	_ =	sdelay $0x2  }
0x52: {  	v1 =	vadd.f32 v2, v1;
	_ =	sdelay $0x1  }
0x53: {  	v0 =	vadd.f32 v0, v1  }
0x54: {  	v2 =	vld [tilespmem:s31+$0x9C0]  }
0x55: {  	v1 =	vld [tilespmem:s31+$0x180];
	v0 =	vmax.f32 v0, $0.0e+00  }
0x56: {  	[tilespmem:s31+$0x1530] =	vst v0  }
0x57: {  	v0 =	vld [tilespmem:s0+$0x0];
	_ =	sdelay $0x2  }
0x58: {  	v1 =	vadd.f32 v2, v1;
	_ =	sdelay $0x1  }
0x59: {  	v0 =	vadd.f32 v0, v1  }
0x5a: {  	v2 =	vld [tilespmem:s31+$0x9D0]  }
0x5b: {  	v1 =	vld [tilespmem:s31+$0x190];
	v0 =	vmax.f32 v0, $0.0e+00  }
0x5c: {  	[tilespmem:s31+$0x1580] =	vst v0  }
0x5d: {  	v0 =	vld [tilespmem:s0+$0x10];
	_ =	sdelay $0x2  }
0x5e: {  	v1 =	vadd.f32 v2, v1;
	_ =	sdelay $0x1  }
0x5f: {  	v0 =	vadd.f32 v0, v1  }
0x60: {  	v2 =	vld [tilespmem:s31+$0x9E0]  }
0x61: {  	v1 =	vld [tilespmem:s31+$0x1A0];
	v0 =	vmax.f32 v0, $0.0e+00  }
0x62: {  	[tilespmem:s31+$0x1590] =	vst v0  }
0x63: {  	v0 =	vld [tilespmem:s0+$0x20];
	_ =	sdelay $0x2  }
0x64: {  	v1 =	vadd.f32 v2, v1;
	_ =	sdelay $0x1  }
0x65: {  	v0 =	vadd.f32 v0, v1  }
0x66: {  	v2 =	vld [tilespmem:s31+$0x9F0]  }
0x67: {  	v1 =	vld [tilespmem:s31+$0x1B0];
	v0 =	vmax.f32 v0, $0.0e+00  }
0x68: {  	[tilespmem:s31+$0x15A0] =	vst v0  }
0x69: {  	v0 =	vld [tilespmem:s0+$0x30];
	_ =	sdelay $0x2  }
0x6a: {  	v1 =	vadd.f32 v2, v1;
	_ =	sdelay $0x1  }
0x6b: {  	s9 =	simm.s32 $0x100;
	v1 =	vadd.f32 v0, v1  }
0x6c: {  	s2 =	simm.s32 $0x800;
	v0 =	vld [tilespmem:s9+$0x100]  }
.LBB2_3:
0x6d: {  	p1 =	sne.s32 s2, $0x1C00;
	v2 =	vld [tilespmem:s9+$0x940];
	v1 =	vmax.f32 v1, $0.0e+00  }
0x6e: {  	s0 =	sadd.s32 $0x80, s0;
	[tilespmem:s31+$0x15B0] =	vst v1;
	s31 =	smov.u32 s9  }
0x6f: {  	v1 =	vld [tilespmem:s0+$0xFFFFFFC0];
	_ =	sdelay $0x2  }
0x70: {  	v0 =	vadd.f32 v2, v0;
	_ =	sdelay $0x1  }
0x71: {  	v0 =	vadd.f32 v1, v0  }
0x72: {  	v1 =	vld [tilespmem:s31+$0x110]  }
0x73: {  	v0 =	vmax.f32 v0, $0.0e+00;
	v2 =	vld [tilespmem:s31+$0x950]  }
0x74: {  	[tilespmem:s31+$0x1500] =	vst v0  }
0x75: {  	v0 =	vld [tilespmem:s0+$0xFFFFFFD0];
	_ =	sdelay $0x2  }
0x76: {  	v1 =	vadd.f32 v2, v1;
	_ =	sdelay $0x1  }
0x77: {  	v0 =	vadd.f32 v0, v1  }
0x78: {  	v1 =	vld [tilespmem:s31+$0x120]  }
0x79: {  	v0 =	vmax.f32 v0, $0.0e+00;
	v2 =	vld [tilespmem:s31+$0x960]  }
0x7a: {  	[tilespmem:s31+$0x1510] =	vst v0  }
0x7b: {  	v0 =	vld [tilespmem:s0+$0xFFFFFFE0];
	_ =	sdelay $0x2  }
0x7c: {  	v1 =	vadd.f32 v2, v1;
	_ =	sdelay $0x1  }
0x7d: {  	v0 =	vadd.f32 v0, v1  }
0x7e: {  	v1 =	vld [tilespmem:s31+$0x130]  }
0x7f: {  	v0 =	vmax.f32 v0, $0.0e+00;
	v2 =	vld [tilespmem:s31+$0x970]  }
0x80: {  	[tilespmem:s31+$0x1520] =	vst v0  }
0x81: {  	v0 =	vld [tilespmem:s0+$0xFFFFFFF0];
	_ =	sdelay $0x2  }
0x82: {  	v1 =	vadd.f32 v2, v1;
	_ =	sdelay $0x1  }
0x83: {  	v0 =	vadd.f32 v0, v1  }
0x84: {  	v1 =	vld [tilespmem:s31+$0x180]  }
0x85: {  	v0 =	vmax.f32 v0, $0.0e+00;
	v2 =	vld [tilespmem:s31+$0x9C0]  }
0x86: {  	[tilespmem:s31+$0x1530] =	vst v0  }
0x87: {  	v0 =	vld [tilespmem:s0+$0x0];
	_ =	sdelay $0x2  }
0x88: {  	v1 =	vadd.f32 v2, v1;
	_ =	sdelay $0x1  }
0x89: {  	v0 =	vadd.f32 v0, v1  }
0x8a: {  	v1 =	vld [tilespmem:s31+$0x190]  }
0x8b: {  	v0 =	vmax.f32 v0, $0.0e+00;
	v2 =	vld [tilespmem:s31+$0x9D0]  }
0x8c: {  	[tilespmem:s31+$0x1580] =	vst v0  }
0x8d: {  	v0 =	vld [tilespmem:s0+$0x10];
	_ =	sdelay $0x2  }
0x8e: {  	v1 =	vadd.f32 v2, v1;
	_ =	sdelay $0x1  }
0x8f: {  	v0 =	vadd.f32 v0, v1  }
0x90: {  	v1 =	vld [tilespmem:s31+$0x1A0]  }
0x91: {  	v0 =	vmax.f32 v0, $0.0e+00;
	v2 =	vld [tilespmem:s31+$0x9E0]  }
0x92: {  	[tilespmem:s31+$0x1590] =	vst v0  }
0x93: {  	v0 =	vld [tilespmem:s0+$0x20];
	_ =	sdelay $0x2  }
0x94: {  	v1 =	vadd.f32 v2, v1;
	_ =	sdelay $0x1  }
0x95: {  	v0 =	vadd.f32 v0, v1  }
0x96: {  	v1 =	vld [tilespmem:s31+$0x1B0]  }
0x97: {  	v0 =	vmax.f32 v0, $0.0e+00;
	v2 =	vld [tilespmem:s31+$0x9F0]  }
0x98: {  	[tilespmem:s31+$0x15A0] =	vst v0  }
0x99: {  	v0 =	vld [tilespmem:s0+$0x30];
	_ =	sdelay $0x1  }
.Ltmp0:
0x9a: {  	(pc) =	sbr.rel @p1 .LBB2_3-.Ltmp0, $3  }
0x9b: {  	v1 =	vadd.f32 v2, v1;
	_ =	sdelay $0x1  }
0x9c: {  	s9 =	sshra.s32 s2, $0x2;
	v1 =	vadd.f32 v0, v1  }
0x9d: {  	s2 =	sadd.s32 $0x400, s2;
	v0 =	vld [tilespmem:s9+$0x100]  }
0x9e: {  	v2 =	vld [tilespmem:s9+$0x940];
	v1 =	vmax.f32 v1, $0.0e+00  }
0x9f: {  	s0 =	sadd.s32 $0x80, s0;
	[tilespmem:s31+$0x15B0] =	vst v1  }
0xa0: {  	v1 =	vld [tilespmem:s0+$0xFFFFFFC0];
	_ =	sdelay $0x2  }
0xa1: {  	v0 =	vadd.f32 v2, v0;
	_ =	sdelay $0x1  }
0xa2: {  	v0 =	vadd.f32 v1, v0  }
0xa3: {  	v50 =	vld [tilespmem:s9+$0x110]  }
0xa4: {  	v51 =	vld [tilespmem:s9+$0x950];
	v0 =	vmax.f32 v0, $0.0e+00  }
0xa5: {  	[tilespmem:s9+$0x1500] =	vst v0  }
0xa6: {  	v0 =	vld [tilespmem:s0+$0xFFFFFFD0];
	_ =	sdelay $0x2  }
0xa7: {  	v1 =	vadd.f32 v51, v50;
	_ =	sdelay $0x1  }
0xa8: {  	v0 =	vadd.f32 v0, v1  }
0xa9: {  	v52 =	vld [tilespmem:s9+$0x120]  }
0xaa: {  	v53 =	vld [tilespmem:s9+$0x960];
	v0 =	vmax.f32 v0, $0.0e+00  }
0xab: {  	[tilespmem:s9+$0x1510] =	vst v0  }
0xac: {  	v0 =	vld [tilespmem:s0+$0xFFFFFFE0];
	_ =	sdelay $0x2  }
0xad: {  	v1 =	vadd.f32 v53, v52;
	_ =	sdelay $0x1  }
0xae: {  	v0 =	vadd.f32 v0, v1  }
0xaf: {  	v54 =	vld [tilespmem:s9+$0x130]  }
0xb0: {  	v55 =	vld [tilespmem:s9+$0x970];
	v0 =	vmax.f32 v0, $0.0e+00  }
0xb1: {  	[tilespmem:s9+$0x1520] =	vst v0  }
0xb2: {  	v0 =	vld [tilespmem:s0+$0xFFFFFFF0];
	_ =	sdelay $0x2  }
0xb3: {  	v1 =	vadd.f32 v55, v54;
	_ =	sdelay $0x1  }
0xb4: {  	v0 =	vadd.f32 v0, v1  }
0xb5: {  	v56 =	vld [tilespmem:s9+$0x180]  }
0xb6: {  	v57 =	vld [tilespmem:s9+$0x9C0];
	v0 =	vmax.f32 v0, $0.0e+00  }
0xb7: {  	[tilespmem:s9+$0x1530] =	vst v0  }
0xb8: {  	v0 =	vld [tilespmem:s0+$0x0];
	_ =	sdelay $0x2  }
0xb9: {  	v1 =	vadd.f32 v57, v56;
	_ =	sdelay $0x1  }
0xba: {  	v0 =	vadd.f32 v0, v1  }
0xbb: {  	v58 =	vld [tilespmem:s9+$0x190]  }
0xbc: {  	v59 =	vld [tilespmem:s9+$0x9D0];
	v0 =	vmax.f32 v0, $0.0e+00  }
0xbd: {  	[tilespmem:s9+$0x1580] =	vst v0  }
0xbe: {  	v0 =	vld [tilespmem:s0+$0x10];
	_ =	sdelay $0x2  }
0xbf: {  	v1 =	vadd.f32 v59, v58;
	_ =	sdelay $0x1  }
0xc0: {  	v0 =	vadd.f32 v0, v1  }
0xc1: {  	v60 =	vld [tilespmem:s9+$0x1A0]  }
0xc2: {  	v61 =	vld [tilespmem:s9+$0x9E0];
	v0 =	vmax.f32 v0, $0.0e+00  }
0xc3: {  	[tilespmem:s9+$0x1590] =	vst v0  }
0xc4: {  	v0 =	vld [tilespmem:s0+$0x20];
	_ =	sdelay $0x2  }
0xc5: {  	v1 =	vadd.f32 v61, v60;
	_ =	sdelay $0x1  }
0xc6: {  	v0 =	vadd.f32 v0, v1  }
0xc7: {  	v62 =	vld [tilespmem:s9+$0x1B0]  }
0xc8: {  	v63 =	vld [tilespmem:s9+$0x9F0];
	v0 =	vmax.f32 v0, $0.0e+00  }
0xc9: {  	[tilespmem:s9+$0x15A0] =	vst v0  }
0xca: {  	v0 =	vld [tilespmem:s0+$0x30];
	_ =	sdelay $0x2  }
0xcb: {  	v1 =	vadd.f32 v63, v62;
	_ =	sdelay $0x1  }
0xcc: {  	v0 =	vadd.f32 v0, v1  }
0xcd: {  	s30 =	sadd.s32 $0x1, s30  }
0xce: {  	p1 =	sne.s32 s30, $0x271;
	v0 =	vmax.f32 v0, $0.0e+00  }
.Ltmp1:
0xcf: {  	[tilespmem:s9+$0x15B0] =	vst v0;
	(pc) =	sbr.rel @p1 .LBB2_2-.Ltmp1, $4  }
0xd0: {  	[spmem:s1] =	stream.indirect.scatter.add.f32 [tilespmem:s28], [sflag:$0x5], $0x40, s18, s23, $0xb8;
	[tilespmem:$0xB940] =	vst v63  }
0xd1: {  	_ =	swait.ge [sflag:s29], $0x400  }
0xd2: {  	[sflag:s29] =	ssyncset.done $0x0  }
0xd3: {  	[sflag:s29] =	ssyncadd.s32 $0xFFFFFC00  }
0xd4: {  	[bflag:$0x0] =	sbarrier.arrive $0xFFFF;
	s0 =	simm.s32 @p0 $0x1FC5  }
0xd5: {  	[hbm:s13], [sflag:s0] =	dma.local @p0 [spmem:s15], $0x2080  }
0xd6: {  	s0 =	simm.s32 @p0 $0x5  }
0xd7: {  	s3 =	sadd.s32 $0x1, s3;
	_ =	swait.ge @p0 [sflag:s0], $0x2080  }
0xd8: {  	p1 =	sne.s32 s3, s14;
	[sflag:s0] =	ssyncset.done @p0 $0x0  }
.Ltmp2:
0xd9: {  	[sflag:s0] =	ssyncadd.s32 @p0 $0xFFFFDF80;
	s0 =	simm.s32 @!p0 $0x5;
	(pc) =	sbr.rel @p1 .LBB2_1-.Ltmp2, $4  }
0xda: {  	[hbm:s12], [sflag:s16] =	dma.local @!p0 [spmem:s17], $0x2780  }
0xdb: {  	_ =	swait.ge @!p0 [sflag:s0], $0x2780  }
0xdc: {  	[sflag:s0] =	ssyncset.done @!p0 $0x0  }
0xdd: {  	[sflag:s0] =	ssyncadd.s32 @!p0 $0xFFFFD880  }
0xde: {  	_ =	sfence.sel $0x180000  }
0xdf: {  	[bflag:$0x0] =	sbarrier.arrive $0xFFFF  }
0xe0: {  	_ =	strace $0x9000004A  }
0xe1: {  	s0 =	stileid.u32;
	[bflag:$0x2] =	sbarrier.arrive $0xFFFF  }
0xe2: {  	p0 =	sne.s32 s0, $0x0;
	s0 =	rddreg [dreg:$0x2]  }
0xe3: {  	s0 =	sadd.s32 @!p0 $0x100000, s0  }
0xe4: {  	[sflag:s0] =	ssyncadd.tile.s32 @!p0 $0x1;
	_ =	shalt  }
.Lfunc_end2:
_tile_overlayer_lowered:
.L_overlay_start_2:
0xe5: {  	(tag) =	ssettag $0x2  }
0xe6: {  	s0 =	rddreg [dreg:$0x0];
	s2 =	stileid.u32  }
0xe7: {  	s1 =	rddreg [dreg:$0x1];
	p0 =	sne.s32 s2, $0x0  }
0xe8: {  	s3 =	rddreg [dreg:$0x2];
	[bflag:$0x3] =	sbarrier.arrive $0xFFFF;
	s2 =	simm.s32 @!p0 $0x1C05  }
0xe9: {  	[timem:s3], [sflag:s2] =	dma.local @!p0 [hbm:s0], s1  }
0xea: {  	s0 =	simm.s32 @!p0 $0x5  }
0xeb: {  	_ =	swait.ge @!p0 [sflag:s0], s1  }
0xec: {  	s1 =	ssub.s32 @!p0 $0x0, s1;
	[sflag:s0] =	ssyncset.done @!p0 $0x0  }
0xed: {  	[sflag:s0] =	ssyncadd.s32 @!p0 s1  }
0xee: {  	[bflag:$0x3] =	sbarrier.arrive $0xFFFF  }
0xef: {  	_ =	shalt  }

// kernel: kernel.16.cloned.1.call-start
scs
__scs_entry_jumppad:
0x0: {  	(pc) =	sbr.rel $0x88, $3  }
0x1: {  	(tag) =	ssettag $0x0;
	lr =	simm.s32 $0x1  }
0x2: {  	[smem:$0x3F97] =	sst lr;
	_ =	strace $0xD0000000  }
0x3: {  	_ = 	snop  }
0x4: {  	_ = 	snop  }
0x5: {  	_ = 	snop  }
0x6: {  	_ = 	snop  }
0x7: {  	_ = 	snop  }
__scs_overlays_trampoline_lowered:
0x8: {  	[smem:$0x3FA6] =	sst s0  }
0x9: {  	[smem:$0x3FA7] =	sst s1  }
0xa: {  	[smem:$0x3FA8] =	sst s2  }
0xb: {  	[smem:$0x3FA9] =	sst s3  }
0xc: {  	[smem:$0x3FAA] =	sst s4  }
0xd: {  	[smem:$0x3FAB] =	sst s5  }
0xe: {  	[smem:$0x3FAC] =	sst s6  }
0xf: {  	[smem:$0x3FAD] =	sst s7  }
0x10: {  	[smem:$0x3FAE] =	sst s8  }
0x11: {  	[smem:$0x3FAF] =	sst s9;
	s0 =	simm.s32 @!p0 $0x0  }
0x12: {  	s1 =	sld [smem:$0x3F95];
	s0 =	simm.s32 @p0 $0x1  }
0x13: {  	[smem:$0x3FB0] =	sst s0;
	s0 =	simm.s32 @!p1 $0x0  }
0x14: {  	s2 =	sld [smem:$0x3F94];
	s0 =	simm.s32 @p1 $0x1  }
0x15: {  	[smem:$0x3FB1] =	sst s0;
	s0 =	simm.s32 @!p2 $0x0  }
0x16: {  	s3 =	sld [smem:$0x3FDB];
	s0 =	simm.s32 @p2 $0x1  }
0x17: {  	s4 =	simm.s32 $0x1BF5;
	[smem:$0x3FB3] =	sst s0  }
0x18: {  	s0 =	sld [smem:$0x3F96];
	_ =	swait.ge [sflag:s4], $0x0  }
0x19: {  	s7 =	sld [smem:$0x3F97]  }
0x1a: {  	s8 =	sadd.s32 $0xFFFFE003, lr  }
0x1b: {  	s9 =	sadd.s32 $0xFFFFFEF7, lr;
	s5 =	simm.s32 $0xFFFFFFFF;
	p2 =	slt.u32 s8, $0xFFFFF086  }
0x1c: {  	p1 =	slt.u32 s9, $0xF7A;
	s5 =	simm.s32 @!p2 $0x0  }
0x1d: {  	s5 =	simm.s32 @p1 $0x1;
	p0 =	seq.s32 s7, s2  }
0x1e: {  	s7 =	smul.u32 @!p0 $0xF7A, s2;
	p2 =	seq.s32 @!p0 s5, $0x0  }
0x1f: {  	s9 =	smul.u32 $0xF7A, s1;
	s8 =	simm.s32 @!p0 $0x1BF5;
	p2 =	por !p2, p0  }
0x20: {  	[sflag:s8] =	ssyncset.s32 @!p0 $0xFFFFF086;
	s6 =	sadd.s32 @!p0 s3, s7;
	s7 =	simm.s32 @!p0 $0x108  }
0x21: {  	s3 =	sadd.s32 s3, s9;
	s6 =	sadd.s32 @!p0 $0x88, s6;
	s7 =	simm.s32 @p2 $0x1082  }
0x22: {  	[simem:s7], [sflag:s8] =	dma.local @!p0 [hbm:s6], $0xF7A  }
0x23: {  	s9 =	sor.u32 $0xD0000000, s2;
	s6 =	simm.s32 $0x108;
	_ =	swait.ge @!p0 [sflag:s8], $0x0  }
0x24: {  	s3 =	sadd.s32 $0x88, s3;
	s6 =	simm.s32 @!p1 $0x1082;
	[sflag:s4] =	ssyncset.s32 $0xFFFFF086  }
0x25: {  	[simem:s6], [sflag:s4] =	dma.local [hbm:s3], $0xF7A  }
0x26: {  	[smem:$0x3F97] =	sst s1;
	(tag) =	ssettag s2;
	_ =	strace s9  }
0x27: {  	s1 =	sld [smem:$0x3FA7]  }
0x28: {  	s2 =	sld [smem:$0x3FA8]  }
0x29: {  	s4 =	sld [smem:$0x3FAA]  }
0x2a: {  	p0 =	seq.s32 s5, $0x0;
	s5 =	sld [smem:$0x3FAB]  }
0x2b: {  	s6 =	sld [smem:$0x3FAC]  }
0x2c: {  	s7 =	sld [smem:$0x3FAD]  }
0x2d: {  	s3 =	simm.s32 $0x108;
	s8 =	sld [smem:$0x3FAE]  }
0x2e: {  	s3 =	simm.s32 @!p0 $0x1082;
	s9 =	sld [smem:$0x3FAF]  }
0x2f: {  	lr =	sadd.s32 s0, s3;
	s0 =	sld [smem:$0x3FA6]  }
0x30: {  	s3 =	sld [smem:$0x3FA9]  }
0x31: {  	[smem:$0x3FB2] =	sst s10  }
0x32: {  	s10 =	sld [smem:$0x3FB0];
	_ =	sdelay $0x3  }
0x33: {  	p0 =	seq.s32 s10, $0x1;
	s10 =	sld [smem:$0x3FB2];
	_ =	sdelay $0x3  }
0x34: {  	[smem:$0x3FB2] =	sst s10  }
0x35: {  	s10 =	sld [smem:$0x3FB1];
	_ =	sdelay $0x3  }
0x36: {  	p1 =	seq.s32 s10, $0x1;
	s10 =	sld [smem:$0x3FB2];
	_ =	sdelay $0x3  }
0x37: {  	[smem:$0x3FB2] =	sst s10  }
0x38: {  	s10 =	sld [smem:$0x3FB3]  }
0x39: {  	_ = 	snop;
	(pc) =	sbr.ind lr, $3  }
0x3a: {  	_ = 	snop  }
0x3b: {  	_ = 	snop  }
0x3c: {  	p2 =	seq.s32 s10, $0x1;
	s10 =	sld [smem:$0x3FB2]  }
0x3d: {  	_ =	shalt  }
0x3e: {  	_ =	shalt  }
0x3f: {  	_ =	shalt  }
0x40: {  	_ =	shalt  }
0x41: {  	_ =	shalt  }
0x42: {  	_ =	shalt  }
0x43: {  	_ =	shalt  }
0x44: {  	_ =	shalt  }
0x45: {  	_ =	shalt  }
0x46: {  	_ =	shalt  }
0x47: {  	_ =	shalt  }
0x48: {  	_ =	shalt  }
0x49: {  	_ =	shalt  }
0x4a: {  	_ =	shalt  }
0x4b: {  	_ =	shalt  }
0x4c: {  	_ =	shalt  }
0x4d: {  	_ =	shalt  }
0x4e: {  	_ =	shalt  }
0x4f: {  	_ =	shalt  }
0x50: {  	_ =	shalt  }
0x51: {  	_ =	shalt  }
0x52: {  	_ =	shalt  }
0x53: {  	_ =	shalt  }
0x54: {  	_ =	shalt  }
0x55: {  	_ =	shalt  }
0x56: {  	_ =	shalt  }
0x57: {  	_ =	shalt  }
0x58: {  	_ =	shalt  }
0x59: {  	_ =	shalt  }
0x5a: {  	_ =	shalt  }
0x5b: {  	_ =	shalt  }
0x5c: {  	_ =	shalt  }
0x5d: {  	_ =	shalt  }
0x5e: {  	_ =	shalt  }
0x5f: {  	_ =	shalt  }
0x60: {  	_ =	shalt  }
0x61: {  	_ =	shalt  }
0x62: {  	_ =	shalt  }
0x63: {  	_ =	shalt  }
0x64: {  	_ =	shalt  }
0x65: {  	_ =	shalt  }
0x66: {  	_ =	shalt  }
0x67: {  	_ =	shalt  }
0x68: {  	_ =	shalt  }
0x69: {  	_ =	shalt  }
0x6a: {  	_ =	shalt  }
0x6b: {  	_ =	shalt  }
0x6c: {  	_ =	shalt  }
0x6d: {  	_ =	shalt  }
0x6e: {  	_ =	shalt  }
0x6f: {  	_ =	shalt  }
0x70: {  	_ =	shalt  }
0x71: {  	_ =	shalt  }
0x72: {  	_ =	shalt  }
0x73: {  	_ =	shalt  }
0x74: {  	_ =	shalt  }
0x75: {  	_ =	shalt  }
0x76: {  	_ =	shalt  }
0x77: {  	_ =	shalt  }
0x78: {  	_ =	shalt  }
0x79: {  	_ =	shalt  }
0x7a: {  	_ =	shalt  }
0x7b: {  	_ =	shalt  }
0x7c: {  	_ =	shalt  }
0x7d: {  	_ =	shalt  }
0x7e: {  	_ =	shalt  }
0x7f: {  	_ =	shalt  }
0x80: {  	_ =	shalt  }
0x81: {  	_ =	shalt  }
0x82: {  	_ =	shalt  }
0x83: {  	_ =	shalt  }
0x84: {  	_ =	shalt  }
0x85: {  	_ =	shalt  }
0x86: {  	_ =	shalt  }
0x87: {  	_ =	shalt  }
.Lfunc_end0:
.L_simem_size_0:
called_computation.2_lowered:
.L_overlay_start_0:
0x88: {  	s2 =	sld [smem:$0x3FD9]  }
0x89: {  	s3 =	sld [smem:$0x3FFE];
	_ =	sdelay $0x1  }
0x8a: {  	s1 =	srdreg.scid  }
0x8b: {  	s0 =	sand.u32 $0x1, s1  }
0x8c: {  	s16 =	sshll.u32 s0, $0xA;
	s2 =	sadd.s32 s3, s2  }
0x8d: {  	s2 =	sadd.s32 s2, s16  }
0x8e: {  	[smem:$0x3FBE] =	sst s2  }
0x8f: {  	_ = 	snop  }
0x90: {  	(tm) =	ssettm $0x1  }
0x91: {  	s17 =	sld [smem:$0x3FFB];
	_ =	sdelay $0x3  }
0x92: {  	_ =	strace s17  }
0x93: {  	s2 =	sld [smem:$0x3FFC];
	_ =	sdelay $0x3  }
0x94: {  	_ =	strace s2  }
0x95: {  	s2 =	sld [smem:$0x3FFD];
	_ =	sdelay $0x3  }
0x96: {  	_ =	strace s2  }
0x97: {  	_ =	strace $0x8FFFFFFF  }
0x98: {  	s18 =	sld [smem:$0x3FDB];
	_ =	sdelay $0x1  }
0x99: {  	s19 =	simm.s32 $_scs_section_size  }
0x9a: {  	s4 =	simm.s32 $_size__tile_overlayer_lowered;
	s5 =	simm.s32 $_tile_overlayer_lowered  }
0x9b: {  	s22 =	simm.s32 $0x1BFF;
	s21 =	sshll.u32 s5, $0x1;
	s2 =	sadd.s32 s19, s18  }
0x9c: {  	s6 =	simm.s32 $0x0;
	s20 =	sshll.u32 s4, $0x1;
	s4 =	sadd.s32 s21, s2  }
0x9d: {  	[timem:s6], [sflag:s22] =	dma.local [hbm:s4], s20  }
0x9e: {  	_ =	swait.ge [sflag:s22], s20  }
0x9f: {  	s3 =	ssub.s32 $0x0, s20;
	[sflag:s22] =	ssyncset.done $0x0  }
0xa0: {  	[sflag:s22] =	ssyncadd.s32 s3;
	_ =	sdelay $0x1  }
0xa1: {  	s23 =	simm.s32 $0x1B8B  }
0xa2: {  	_ =	swait.ge [sflag:s23], $0x1  }
0xa3: {  	[sflag:s23] =	ssyncset.done $0x0  }
0xa4: {  	s25 =	simm.s32 $0x1B8E;
	s24 =	sld [smem:$0x3FFE];
	[sflag:s23] =	ssyncadd.s32 $0xFFFFFFFF  }
0xa5: {  	s26 =	simm.s32 $execute0_lowered;
	[smem:$0x3FD2] =	sst s25  }
0xa6: {  	s4 =	sshll.u32 s26, $0x1;
	_ =	strace $0x8000004C;
	[dreg:$0x1] =	wrdreg $0xFFFFFFFF  }
0xa7: {  	s28 =	simm.s32 $_size_execute0_lowered;
	s2 =	sadd.s32 s2, s4;
	[dreg:$0x0] =	wrdreg $0x0  }
0xa8: {  	s4 =	sshll.u32 s28, $0x1;
	[dreg:$0x2] =	wrdreg s2  }
0xa9: {  	[dreg:$0x3] =	wrdreg s4  }
0xaa: {  	[dreg:$0x4] =	wrdreg $0xC0  }
0xab: {  	_ =	task [dreg:s6], $0x5FFFF  }
0xac: {  	[dreg:$0x1] =	wrdreg $0xFFFFFFFF  }
0xad: {  	[dreg:$0x0] =	wrdreg $0x60  }
0xae: {  	[dreg:$0x2] =	wrdreg s24  }
0xaf: {  	[dreg:$0x3] =	wrdreg $0x1D000  }
0xb0: {  	[dreg:$0x4] =	wrdreg $0x9  }
0xb1: {  	_ =	task.clear_ibuf [dreg:s6], $0x5FFFF;
	_ =	strace $0x9000004C  }
0xb2: {  	s29 =	simm.s32 $0x9;
	_ =	strace $0x8000004E  }
0xb3: {  	_ =	swait.ge [sflag:s29], $0x1  }
0xb4: {  	[sflag:s29] =	ssyncadd.s32 $0xFFFFFFFF  }
0xb5: {  	_ =	strace $0x9000004E  }
0xb6: {  	_ =	sfence  }
0xb7: {  	s30 =	sld [smem:$0x0];
	_ =	sdelay $0x2  }
0xb8: {  	s31 =	sshll.u32 s1, $0xD;
	s1 =	sshrl.u32 s1, $0x2  }
0xb9: {  	s3 =	sand.u32 $0x4000, s31;
	s1 =	sadd.s32 s1, s30  }
0xba: {  	s0 =	sor.u32 s3, s0;
	s1 =	sshll.u32 s1, $0x11  }
0xbb: {  	s0 =	sor.u32 s1, s0  }
0xbc: {  	s0 =	sadd.s32 $0x8F2B, s0  }
0xbd: {  	[sflag:s0] =	ssyncadd.remote.s32 $0x1  }
0xbe: {  	_ =	sfence.sel $0xFFFF  }
0xbf: {  	[dreg:$0x0] =	wrdreg $0xFFFFFFFF;
	(pc) =	sbr.abs _section_cstart, $3  }
0xc0: {  	[dreg:$0x1] =	wrdreg $0xFFFFFFFF  }
0xc1: {  	_ =	task.clear_ibuf [dreg:s6], $0x2FFFF;
	_ =	strace $0x9FFFFFFF  }
0xc2: {  	(tm) =	ssettm $0x7FFFFFFF  }
0xc3: {  	_ =	shalt  }
tec
execute0_lowered:
.L_overlay_start_1:
0x0: {  	(tag) =	ssettag $0x1  }
0x1: {  	s0 =	rddreg [dreg:$0x0]  }
0x2: {  	s1 =	rddreg [dreg:$0x1];
	s3 =	simm.s32 $0x0  }
0x3: {  	s18 =	stileid.u32;
	s2 =	srdreg.scid;
	s19 =	simm.s32 $0x1100  }
0x4: {  	s20 =	simm.s32 $0x1;
	s21 =	simm.s32 $0x2;
	s22 =	simm.s32 $0x3  }
0x5: {  	s23 =	simm.s32 $0x10;
	s24 =	simm.s32 $0x100;
	s25 =	simm.s32 $0x900  }
0x6: {  	s28 =	simm.s32 $0x1500;
	s29 =	simm.s32 $0x5;
	[smem:$0x7FF] =	sst s3  }
0x7: {  	s4 =	sadd.s32 $0x2D8400, s0;
	s5 =	sadd.s32 $0x9C9400, s0;
	s2 =	sand.u32 $0x1, s2  }
0x8: {  	s7 =	sshll.u32 s18, $0x1;
	s6 =	sadd.s32 $0xF200, s0;
	s9 =	smul.u32 $0x2780, s18  }
0x9: {  	s13 =	smul.u32 $0x4F000, s18;
	s14 =	sadd.s32 $0x19000, s0;
	s16 =	sadd.s32 $0x128400, s1  }
0xa: {  	s30 =	smul.u32 $0x13C00, s18;
	p0 =	seq.s32 s18, $0xF;
	_ =	strace $0x8000004D  }
0xb: {  	s11 =	sor.u32 s2, s7;
	s10 =	ssub.s32 $0x2, s2;
	s2 =	smul.u32 $0x138800, s2  }
0xc: {  	s7 =	sadd.s32 $0x5400, s0;
	s8 =	smul.u32 $0x2710, s11;
	s9 =	sadd.s32 s9, s0  }
0xd: {  	s12 =	sshrl.u32 s10, $0x1;
	s26 =	sshrl.u32 s13, $0x2;
	s11 =	smul.u32 $0x271, s11  }
0xe: {  	s15 =	ssub.s32 s10, s12;
	s9 =	sadd.s32 $0x2B1200, s9;
	s17 =	sadd.s32 s26, s1  }
0xf: {  	s10 =	sadd.s32 $0x2D6280, s0;
	s31 =	sadd.s32 s30, s2;
	s2 =	sshrl.u32 s2, $0x3  }
0x10: {  	s26 =	simm.s32 $0x4;
	[dreg:$0x3] =	wrdreg s9;
	s0 =	sshrl.u32 s31, $0x3  }
0x11: {  	s2 =	sadd.s32 s14, s2;
	s17 =	sshrl.u32 @!p0 s17, $0x3;
	s12 =	sadd.s32 s14, s0  }
0x12: {  	s13 =	sadd.s32 $0x25080, s2;
	s0 =	sshll.u32 @!p0 s18, $0x6;
	s14 =	smax.u32 s15, $0x1  }
0x13: {  	s15 =	sshrl.u32 @p0 s16, $0x3;
	s18 =	simm.s32 $0x80;
	s16 =	sor.u32 @!p0 $0x1C05, s0  }
.LBB2_1:
0x14: {  	s0 =	simm.s32 @p0 $0x1FC5  }
0x15: {  	[spmem:s15], [sflag:s0] =	dma.local @p0 [hbm:s10], $0x2080  }
0x16: {  	s0 =	simm.s32 @p0 $0x5  }
0x17: {  	_ =	swait.ge @p0 [sflag:s0], $0x2080  }
0x18: {  	[sflag:s0] =	ssyncset.done @p0 $0x0  }
0x19: {  	[sflag:s0] =	ssyncadd.s32 @p0 $0xFFFFDF80;
	s0 =	rddreg [dreg:$0x3]  }
0x1a: {  	[spmem:s17], [sflag:s16] =	dma.local @!p0 [hbm:s0], $0x2780  }
0x1b: {  	s0 =	simm.s32 @!p0 $0x5  }
0x1c: {  	_ =	swait.ge @!p0 [sflag:s0], $0x2780  }
0x1d: {  	[sflag:s0] =	ssyncset.done @!p0 $0x0  }
0x1e: {  	[sflag:s0] =	ssyncadd.s32 @!p0 $0xFFFFD880  }
0x1f: {  	s30 =	simm.s32 $0x0;
	[bflag:$0x0] =	sbarrier.arrive $0xFFFF  }
.LBB2_2:
0x20: {  	s0 =	sshll.u32 s30, $0x4  }
0x21: {  	s0 =	sadd.s32 s8, s0  }
0x22: {  	s0 =	sshrl.u32 s0, $0x3  }
0x23: {  	s9 =	simm.s32 $0x0;
	s2 =	sadd.s32 s6, s0  }
0x24: {  	[tilespmem:s9], [sflag:$0x1] =	stream.linear.gather [hbm4b:s2+s9], $0x10, $0x38;
	[tilespmem:$0xB940] =	vst v63  }
0x25: {  	s0 =	sadd.s32 s7, s0;
	s2 =	sadd.s32 s11, s30  }
0x26: {  	[tilespmem:s18], [sflag:$0x2] =	stream.linear.gather [hbm4b:s0+s9], $0x10, $0x38;
	[tilespmem:$0xB940] =	vst v63  }
0x27: {  	s0 =	sshll.u32 s2, $0x7  }
0x28: {  	s0 =	sadd.s32 s5, s0  }
0x29: {  	[tilespmem:s19], [sflag:$0x3] =	stream.linear.gather [hbm4b:s0+s9], $0x400, $0x38;
	[tilespmem:$0xB940] =	vst v63  }
0x2a: {  	_ =	swait.ge [sflag:s20], $0x10  }
0x2b: {  	[sflag:s20] =	ssyncset.done $0x0  }
0x2c: {  	[sflag:s20] =	ssyncadd.s32 $0xFFFFFFF0  }
0x2d: {  	_ =	swait.ge [sflag:s21], $0x10  }
0x2e: {  	[sflag:s21] =	ssyncset.done $0x0  }
0x2f: {  	[sflag:s21] =	ssyncadd.s32 $0xFFFFFFF0  }
0x30: {  	_ =	swait.ge [sflag:s22], $0x400  }
0x31: {  	[sflag:s22] =	ssyncset.done $0x0  }
0x32: {  	[sflag:s22] =	ssyncadd.s32 $0xFFFFFC00  }
0x33: {  	[tilespmem:s24], [sflag:$0x4] =	stream.indirect.gather [hbm4b:s4+s23], $0x80, s9, s23, $0xb8;
	[tilespmem:$0xB940] =	vst v63  }
0x34: {  	_ = 	snop  }
0x35: {  	[tilespmem:s25], [sflag:$0x1] =	stream.indirect.gather [hbm4b:s4+s23], $0x80, s18, s23, $0xb8;
	[tilespmem:$0xB940] =	vst v63  }
0x36: {  	_ =	swait.ge [sflag:s26], $0x800  }
0x37: {  	[sflag:s26] =	ssyncset.done $0x0  }
0x38: {  	[sflag:s26] =	ssyncadd.s32 $0xFFFFF800  }
0x39: {  	_ =	swait.ge [sflag:s20], $0x800  }
0x3a: {  	[sflag:s20] =	ssyncset.done $0x0  }
0x3b: {  	s31 =	simm.s32 $0x0;
	[sflag:s20] =	ssyncadd.s32 $0xFFFFF800  }
0x3c: {  	v0 =	vld [tilespmem:s31+$0x100]  }
0x3d: {  	v1 =	vld [tilespmem:s31+$0x940]  }
0x3e: {  	s0 =	simm.s32 $0x1140  }
0x3f: {  	v2 =	vld [tilespmem:s0+$0xFFFFFFC0];
	_ =	sdelay $0x2  }
0x40: {  	v0 =	vadd.f32 v1, v0;
	_ =	sdelay $0x1  }
0x41: {  	v0 =	vadd.f32 v2, v0  }
0x42: {  	v1 =	vld [tilespmem:s31+$0x110]  }
0x43: {  	v2 =	vld [tilespmem:s31+$0x950];
	v0 =	vmax.f32 v0, $0.0e+00  }
0x44: {  	[tilespmem:s31+$0x1500] =	vst v0  }
0x45: {  	v0 =	vld [tilespmem:s0+$0xFFFFFFD0];
	_ =	sdelay $0x2  }
0x46: {  	v1 =	vadd.f32 v2, v1;
	_ =	sdelay $0x1  }
0x47: {  	v0 =	vadd.f32 v0, v1  }
0x48: {  	v2 =	vld [tilespmem:s31+$0x960]  }
0x49: {  	v1 =	vld [tilespmem:s31+$0x120];
	v0 =	vmax.f32 v0, $0.0e+00  }
0x4a: {  	[tilespmem:s31+$0x1510] =	vst v0  }
0x4b: {  	v0 =	vld [tilespmem:s0+$0xFFFFFFE0];
	_ =	sdelay $0x2  }
0x4c: {  	v1 =	vadd.f32 v2, v1;
	_ =	sdelay $0x1  }
0x4d: {  	v0 =	vadd.f32 v0, v1  }
0x4e: {  	v2 =	vld [tilespmem:s31+$0x970]  }
0x4f: {  	v1 =	vld [tilespmem:s31+$0x130];
	v0 =	vmax.f32 v0, $0.0e+00  }
0x50: {  	[tilespmem:s31+$0x1520] =	vst v0  }
0x51: {  	v0 =	vld [tilespmem:s0+$0xFFFFFFF0];
	_ =	sdelay $0x2  }
0x52: {  	v1 =	vadd.f32 v2, v1;
	_ =	sdelay $0x1  }
0x53: {  	v0 =	vadd.f32 v0, v1  }
0x54: {  	v2 =	vld [tilespmem:s31+$0x9C0]  }
0x55: {  	v1 =	vld [tilespmem:s31+$0x180];
	v0 =	vmax.f32 v0, $0.0e+00  }
0x56: {  	[tilespmem:s31+$0x1530] =	vst v0  }
0x57: {  	v0 =	vld [tilespmem:s0+$0x0];
	_ =	sdelay $0x2  }
0x58: {  	v1 =	vadd.f32 v2, v1;
	_ =	sdelay $0x1  }
0x59: {  	v0 =	vadd.f32 v0, v1  }
0x5a: {  	v2 =	vld [tilespmem:s31+$0x9D0]  }
0x5b: {  	v1 =	vld [tilespmem:s31+$0x190];
	v0 =	vmax.f32 v0, $0.0e+00  }
0x5c: {  	[tilespmem:s31+$0x1580] =	vst v0  }
0x5d: {  	v0 =	vld [tilespmem:s0+$0x10];
	_ =	sdelay $0x2  }
0x5e: {  	v1 =	vadd.f32 v2, v1;
	_ =	sdelay $0x1  }
0x5f: {  	v0 =	vadd.f32 v0, v1  }
0x60: {  	v2 =	vld [tilespmem:s31+$0x9E0]  }
0x61: {  	v1 =	vld [tilespmem:s31+$0x1A0];
	v0 =	vmax.f32 v0, $0.0e+00  }
0x62: {  	[tilespmem:s31+$0x1590] =	vst v0  }
0x63: {  	v0 =	vld [tilespmem:s0+$0x20];
	_ =	sdelay $0x2  }
0x64: {  	v1 =	vadd.f32 v2, v1;
	_ =	sdelay $0x1  }
0x65: {  	v0 =	vadd.f32 v0, v1  }
0x66: {  	v2 =	vld [tilespmem:s31+$0x9F0]  }
0x67: {  	v1 =	vld [tilespmem:s31+$0x1B0];
	v0 =	vmax.f32 v0, $0.0e+00  }
0x68: {  	[tilespmem:s31+$0x15A0] =	vst v0  }
0x69: {  	v0 =	vld [tilespmem:s0+$0x30];
	_ =	sdelay $0x2  }
0x6a: {  	v1 =	vadd.f32 v2, v1;
	_ =	sdelay $0x1  }
0x6b: {  	s9 =	simm.s32 $0x100;
	v1 =	vadd.f32 v0, v1  }
0x6c: {  	s2 =	simm.s32 $0x800;
	v0 =	vld [tilespmem:s9+$0x100]  }
.LBB2_3:
0x6d: {  	p1 =	sne.s32 s2, $0x1C00;
	v2 =	vld [tilespmem:s9+$0x940];
	v1 =	vmax.f32 v1, $0.0e+00  }
0x6e: {  	s0 =	sadd.s32 $0x80, s0;
	[tilespmem:s31+$0x15B0] =	vst v1;
	s31 =	smov.u32 s9  }
0x6f: {  	v1 =	vld [tilespmem:s0+$0xFFFFFFC0];
	_ =	sdelay $0x2  }
0x70: {  	v0 =	vadd.f32 v2, v0;
	_ =	sdelay $0x1  }
0x71: {  	v0 =	vadd.f32 v1, v0  }
0x72: {  	v1 =	vld [tilespmem:s31+$0x110]  }
0x73: {  	v0 =	vmax.f32 v0, $0.0e+00;
	v2 =	vld [tilespmem:s31+$0x950]  }
0x74: {  	[tilespmem:s31+$0x1500] =	vst v0  }
0x75: {  	v0 =	vld [tilespmem:s0+$0xFFFFFFD0];
	_ =	sdelay $0x2  }
0x76: {  	v1 =	vadd.f32 v2, v1;
	_ =	sdelay $0x1  }
0x77: {  	v0 =	vadd.f32 v0, v1  }
0x78: {  	v1 =	vld [tilespmem:s31+$0x120]  }
0x79: {  	v0 =	vmax.f32 v0, $0.0e+00;
	v2 =	vld [tilespmem:s31+$0x960]  }
0x7a: {  	[tilespmem:s31+$0x1510] =	vst v0  }
0x7b: {  	v0 =	vld [tilespmem:s0+$0xFFFFFFE0];
	_ =	sdelay $0x2  }
0x7c: {  	v1 =	vadd.f32 v2, v1;
	_ =	sdelay $0x1  }
0x7d: {  	v0 =	vadd.f32 v0, v1  }
0x7e: {  	v1 =	vld [tilespmem:s31+$0x130]  }
0x7f: {  	v0 =	vmax.f32 v0, $0.0e+00;
	v2 =	vld [tilespmem:s31+$0x970]  }
0x80: {  	[tilespmem:s31+$0x1520] =	vst v0  }
0x81: {  	v0 =	vld [tilespmem:s0+$0xFFFFFFF0];
	_ =	sdelay $0x2  }
0x82: {  	v1 =	vadd.f32 v2, v1;
	_ =	sdelay $0x1  }
0x83: {  	v0 =	vadd.f32 v0, v1  }
0x84: {  	v1 =	vld [tilespmem:s31+$0x180]  }
0x85: {  	v0 =	vmax.f32 v0, $0.0e+00;
	v2 =	vld [tilespmem:s31+$0x9C0]  }
0x86: {  	[tilespmem:s31+$0x1530] =	vst v0  }
0x87: {  	v0 =	vld [tilespmem:s0+$0x0];
	_ =	sdelay $0x2  }
0x88: {  	v1 =	vadd.f32 v2, v1;
	_ =	sdelay $0x1  }
0x89: {  	v0 =	vadd.f32 v0, v1  }
0x8a: {  	v1 =	vld [tilespmem:s31+$0x190]  }
0x8b: {  	v0 =	vmax.f32 v0, $0.0e+00;
	v2 =	vld [tilespmem:s31+$0x9D0]  }
0x8c: {  	[tilespmem:s31+$0x1580] =	vst v0  }
0x8d: {  	v0 =	vld [tilespmem:s0+$0x10];
	_ =	sdelay $0x2  }
0x8e: {  	v1 =	vadd.f32 v2, v1;
	_ =	sdelay $0x1  }
0x8f: {  	v0 =	vadd.f32 v0, v1  }
0x90: {  	v1 =	vld [tilespmem:s31+$0x1A0]  }
0x91: {  	v0 =	vmax.f32 v0, $0.0e+00;
	v2 =	vld [tilespmem:s31+$0x9E0]  }
0x92: {  	[tilespmem:s31+$0x1590] =	vst v0  }
0x93: {  	v0 =	vld [tilespmem:s0+$0x20];
	_ =	sdelay $0x2  }
0x94: {  	v1 =	vadd.f32 v2, v1;
	_ =	sdelay $0x1  }
0x95: {  	v0 =	vadd.f32 v0, v1  }
0x96: {  	v1 =	vld [tilespmem:s31+$0x1B0]  }
0x97: {  	v0 =	vmax.f32 v0, $0.0e+00;
	v2 =	vld [tilespmem:s31+$0x9F0]  }
0x98: {  	[tilespmem:s31+$0x15A0] =	vst v0  }
0x99: {  	v0 =	vld [tilespmem:s0+$0x30];
	_ =	sdelay $0x1  }
.Ltmp0:
0x9a: {  	(pc) =	sbr.rel @p1 .LBB2_3-.Ltmp0, $3  }
0x9b: {  	v1 =	vadd.f32 v2, v1;
	_ =	sdelay $0x1  }
0x9c: {  	s9 =	sshra.s32 s2, $0x2;
	v1 =	vadd.f32 v0, v1  }
0x9d: {  	s2 =	sadd.s32 $0x400, s2;
	v0 =	vld [tilespmem:s9+$0x100]  }
0x9e: {  	v2 =	vld [tilespmem:s9+$0x940];
	v1 =	vmax.f32 v1, $0.0e+00  }
0x9f: {  	s0 =	sadd.s32 $0x80, s0;
	[tilespmem:s31+$0x15B0] =	vst v1  }
0xa0: {  	v1 =	vld [tilespmem:s0+$0xFFFFFFC0];
	_ =	sdelay $0x2  }
0xa1: {  	v0 =	vadd.f32 v2, v0;
	_ =	sdelay $0x1  }
0xa2: {  	v0 =	vadd.f32 v1, v0  }
0xa3: {  	v50 =	vld [tilespmem:s9+$0x110]  }
0xa4: {  	v51 =	vld [tilespmem:s9+$0x950];
	v0 =	vmax.f32 v0, $0.0e+00  }
0xa5: {  	[tilespmem:s9+$0x1500] =	vst v0  }
0xa6: {  	v0 =	vld [tilespmem:s0+$0xFFFFFFD0];
	_ =	sdelay $0x2  }
0xa7: {  	v1 =	vadd.f32 v51, v50;
	_ =	sdelay $0x1  }
0xa8: {  	v0 =	vadd.f32 v0, v1  }
0xa9: {  	v52 =	vld [tilespmem:s9+$0x120]  }
0xaa: {  	v53 =	vld [tilespmem:s9+$0x960];
	v0 =	vmax.f32 v0, $0.0e+00  }
0xab: {  	[tilespmem:s9+$0x1510] =	vst v0  }
0xac: {  	v0 =	vld [tilespmem:s0+$0xFFFFFFE0];
	_ =	sdelay $0x2  }
0xad: {  	v1 =	vadd.f32 v53, v52;
	_ =	sdelay $0x1  }
0xae: {  	v0 =	vadd.f32 v0, v1  }
0xaf: {  	v54 =	vld [tilespmem:s9+$0x130]  }
0xb0: {  	v55 =	vld [tilespmem:s9+$0x970];
	v0 =	vmax.f32 v0, $0.0e+00  }
0xb1: {  	[tilespmem:s9+$0x1520] =	vst v0  }
0xb2: {  	v0 =	vld [tilespmem:s0+$0xFFFFFFF0];
	_ =	sdelay $0x2  }
0xb3: {  	v1 =	vadd.f32 v55, v54;
	_ =	sdelay $0x1  }
0xb4: {  	v0 =	vadd.f32 v0, v1  }
0xb5: {  	v56 =	vld [tilespmem:s9+$0x180]  }
0xb6: {  	v57 =	vld [tilespmem:s9+$0x9C0];
	v0 =	vmax.f32 v0, $0.0e+00  }
0xb7: {  	[tilespmem:s9+$0x1530] =	vst v0  }
0xb8: {  	v0 =	vld [tilespmem:s0+$0x0];
	_ =	sdelay $0x2  }
0xb9: {  	v1 =	vadd.f32 v57, v56;
	_ =	sdelay $0x1  }
0xba: {  	v0 =	vadd.f32 v0, v1  }
0xbb: {  	v58 =	vld [tilespmem:s9+$0x190]  }
0xbc: {  	v59 =	vld [tilespmem:s9+$0x9D0];
	v0 =	vmax.f32 v0, $0.0e+00  }
0xbd: {  	[tilespmem:s9+$0x1580] =	vst v0  }
0xbe: {  	v0 =	vld [tilespmem:s0+$0x10];
	_ =	sdelay $0x2  }
0xbf: {  	v1 =	vadd.f32 v59, v58;
	_ =	sdelay $0x1  }
0xc0: {  	v0 =	vadd.f32 v0, v1  }
0xc1: {  	v60 =	vld [tilespmem:s9+$0x1A0]  }
0xc2: {  	v61 =	vld [tilespmem:s9+$0x9E0];
	v0 =	vmax.f32 v0, $0.0e+00  }
0xc3: {  	[tilespmem:s9+$0x1590] =	vst v0  }
0xc4: {  	v0 =	vld [tilespmem:s0+$0x20];
	_ =	sdelay $0x2  }
0xc5: {  	v1 =	vadd.f32 v61, v60;
	_ =	sdelay $0x1  }
0xc6: {  	v0 =	vadd.f32 v0, v1  }
0xc7: {  	v62 =	vld [tilespmem:s9+$0x1B0]  }
0xc8: {  	v63 =	vld [tilespmem:s9+$0x9F0];
	v0 =	vmax.f32 v0, $0.0e+00  }
0xc9: {  	[tilespmem:s9+$0x15A0] =	vst v0  }
0xca: {  	v0 =	vld [tilespmem:s0+$0x30];
	_ =	sdelay $0x2  }
0xcb: {  	v1 =	vadd.f32 v63, v62;
	_ =	sdelay $0x1  }
0xcc: {  	v0 =	vadd.f32 v0, v1  }
0xcd: {  	s30 =	sadd.s32 $0x1, s30  }
0xce: {  	p1 =	sne.s32 s30, $0x271;
	v0 =	vmax.f32 v0, $0.0e+00  }
.Ltmp1:
0xcf: {  	[tilespmem:s9+$0x15B0] =	vst v0;
	(pc) =	sbr.rel @p1 .LBB2_2-.Ltmp1, $4  }
0xd0: {  	[spmem:s1] =	stream.indirect.scatter.add.f32 [tilespmem:s28], [sflag:$0x5], $0x40, s18, s23, $0xb8;
	[tilespmem:$0xB940] =	vst v63  }
0xd1: {  	_ =	swait.ge [sflag:s29], $0x400  }
0xd2: {  	[sflag:s29] =	ssyncset.done $0x0  }
0xd3: {  	[sflag:s29] =	ssyncadd.s32 $0xFFFFFC00  }
0xd4: {  	[bflag:$0x0] =	sbarrier.arrive $0xFFFF;
	s0 =	simm.s32 @p0 $0x1FC5  }
0xd5: {  	[hbm:s13], [sflag:s0] =	dma.local @p0 [spmem:s15], $0x2080  }
0xd6: {  	s0 =	simm.s32 @p0 $0x5  }
0xd7: {  	s3 =	sadd.s32 $0x1, s3;
	_ =	swait.ge @p0 [sflag:s0], $0x2080  }
0xd8: {  	p1 =	sne.s32 s3, s14;
	[sflag:s0] =	ssyncset.done @p0 $0x0  }
.Ltmp2:
0xd9: {  	[sflag:s0] =	ssyncadd.s32 @p0 $0xFFFFDF80;
	s0 =	simm.s32 @!p0 $0x5;
	(pc) =	sbr.rel @p1 .LBB2_1-.Ltmp2, $4  }
0xda: {  	[hbm:s12], [sflag:s16] =	dma.local @!p0 [spmem:s17], $0x2780  }
0xdb: {  	_ =	swait.ge @!p0 [sflag:s0], $0x2780  }
0xdc: {  	[sflag:s0] =	ssyncset.done @!p0 $0x0  }
0xdd: {  	[sflag:s0] =	ssyncadd.s32 @!p0 $0xFFFFD880  }
0xde: {  	_ =	sfence.sel $0x180000  }
0xdf: {  	[bflag:$0x0] =	sbarrier.arrive $0xFFFF  }
0xe0: {  	_ =	strace $0x9000004D  }
0xe1: {  	s0 =	stileid.u32;
	[bflag:$0x2] =	sbarrier.arrive $0xFFFF  }
0xe2: {  	p0 =	sne.s32 s0, $0x0;
	s0 =	rddreg [dreg:$0x2]  }
0xe3: {  	s0 =	sadd.s32 @!p0 $0x100000, s0  }
0xe4: {  	[sflag:s0] =	ssyncadd.tile.s32 @!p0 $0x1;
	_ =	shalt  }
.Lfunc_end2:
_tile_overlayer_lowered:
.L_overlay_start_2:
0xe5: {  	(tag) =	ssettag $0x2  }
0xe6: {  	s0 =	rddreg [dreg:$0x0];
	s2 =	stileid.u32  }
0xe7: {  	s1 =	rddreg [dreg:$0x1];
	p0 =	sne.s32 s2, $0x0  }
0xe8: {  	s3 =	rddreg [dreg:$0x2];
	[bflag:$0x3] =	sbarrier.arrive $0xFFFF;
	s2 =	simm.s32 @!p0 $0x1C05  }
0xe9: {  	[timem:s3], [sflag:s2] =	dma.local @!p0 [hbm:s0], s1  }
0xea: {  	s0 =	simm.s32 @!p0 $0x5  }
0xeb: {  	_ =	swait.ge @!p0 [sflag:s0], s1  }
0xec: {  	s1 =	ssub.s32 @!p0 $0x0, s1;
	[sflag:s0] =	ssyncset.done @!p0 $0x0  }
0xed: {  	[sflag:s0] =	ssyncadd.s32 @!p0 s1  }
0xee: {  	[bflag:$0x3] =	sbarrier.arrive $0xFFFF  }
0xef: {  	_ =	shalt  }

</sc_bundles>
